<compile_context>
chip_gen: v7x
topology: tpu7x:2x2x1
jax: 0.10.2.dev20260603
libtpu: 0.0.44.dev20260713+nightly
codegen_flags: <defaults>
</compile_context>

<pallas_src>
import functools

import jax
import jax.numpy as jnp
from jax import lax
from jax.experimental import pallas as pl
from jax.experimental.pallas import tpu as pltpu
from jax.experimental.pallas import tpu_sc as plsc

_NC = 2
_NS = 16
_CHUNK = 128
_RB = 104
_CPW0 = 64
_H = 16
_L = 5


def _sc_mesh():
    return plsc.VectorSubcoreMesh(
        core_axis_name="c", subcore_axis_name="s",
        num_cores=_NC, num_subcores=_NS)


def _sc_degree(src2d, ones128, zeros128, n):
    nchunks = src2d.shape[0]
    cpw = nchunks // (_NC * _NS)
    rps = (n // _NS) // 8 * 8
    rem = n - _NS * rps
    n_acc = n + 16

    def body(src_hbm, ones_hbm, z_hbm, out_hbm, acc, sidx, ones_v,
             sem_a, sem_b):
        c = lax.axis_index("c")
        s = lax.axis_index("s")
        rbase = s * rps
        pltpu.sync_copy(z_hbm.at[pl.ds(rbase, rps)], acc.at[pl.ds(rbase, rps)])

        @pl.when(s == _NS - 1)
        def _():
            pltpu.sync_copy(z_hbm.at[pl.ds(_NS * rps, rem)],
                            acc.at[pl.ds(_NS * rps, rem)])

        pltpu.sync_copy(ones_hbm, ones_v)
        plsc.subcore_barrier()
        wid = c * _NS + s
        pltpu.sync_copy(src_hbm.at[pl.ds(wid * cpw, cpw)], sidx)

        def pair(j, carry):
            da = pltpu.async_copy(ones_v, acc.at[sidx.at[2 * j]], sem_a,
                                  add=True)
            db = pltpu.async_copy(ones_v, acc.at[sidx.at[2 * j + 1]], sem_b,
                                  add=True)
            da.wait()
            db.wait()
            return carry

        lax.fori_loop(0, cpw // 2, pair, 0)
        plsc.subcore_barrier()
        pltpu.sync_copy(acc.at[pl.ds(rbase, rps)],
                        out_hbm.at[pl.ds(c * n + rbase, rps)])

        @pl.when(s == _NS - 1)
        def _():
            pltpu.sync_copy(acc.at[pl.ds(_NS * rps, rem)],
                            out_hbm.at[pl.ds(c * n + _NS * rps, rem)])

    k = pl.kernel(
        body,
        out_type=jax.ShapeDtypeStruct((_NC * n, 16), jnp.float32),
        mesh=_sc_mesh(),
        compiler_params=pltpu.CompilerParams(use_tc_tiling_on_sc=False),
        scratch_types=[
            pltpu.VMEM_SHARED((n_acc, 16), jnp.float32),
            pltpu.VMEM((cpw, _CHUNK), jnp.int32),
            pltpu.VMEM((_CHUNK, 16), jnp.float32),
            pltpu.SemaphoreType.DMA,
            pltpu.SemaphoreType.DMA,
        ],
    )
    return k(src2d, ones128, zeros128)


def _sc_edge(xs, src2d, dst2d, zeros_f, n, cpw0, f, nbuf):
    nchunks = src2d.shape[0]
    cpw_tot = nchunks // _NS
    cpw1 = cpw_tot - cpw0
    cpw_max = max(cpw0, cpw1)
    rps = (n // _NS) // 8 * 8
    rem = n - _NS * rps
    n_acc = n + 16

    def body(xs_hbm, src_hbm, dst_hbm, z_hbm, out_hbm,
             acc, sidx, didx, rows, gsems, ssems):
        c = lax.axis_index("c")
        s = lax.axis_index("s")
        rbase = s * rps
        pltpu.sync_copy(z_hbm.at[pl.ds(rbase, rps)], acc.at[pl.ds(rbase, rps)])

        @pl.when(s == _NS - 1)
        def _():
            pltpu.sync_copy(z_hbm.at[pl.ds(_NS * rps, rem)],
                            acc.at[pl.ds(_NS * rps, rem)])

        plsc.subcore_barrier()
        my_cpw = jnp.where(c == 0, cpw0, cpw1)
        base = c * (_NS * cpw0) + s * my_cpw

        def group(j, carry):
            pltpu.sync_copy(src_hbm.at[pl.ds(base + nbuf * j, nbuf)], sidx)
            pltpu.sync_copy(dst_hbm.at[pl.ds(base + nbuf * j, nbuf)], didx)
            gs = [pltpu.async_copy(xs_hbm.at[sidx.at[b]], rows[b],
                                   gsems[b]) for b in range(nbuf)]
            ss = []
            for b in range(nbuf):
                gs[b].wait()
                ss.append(pltpu.async_copy(rows[b], acc.at[didx.at[b]],
                                           ssems[b], add=True))
            for b in range(nbuf):
                ss[b].wait()
            return carry

        lax.fori_loop(0, my_cpw // nbuf, group, 0)
        plsc.subcore_barrier()
        pltpu.sync_copy(acc.at[pl.ds(rbase, rps)],
                        out_hbm.at[pl.ds(c * n + rbase, rps)])

        @pl.when(s == _NS - 1)
        def _():
            pltpu.sync_copy(acc.at[pl.ds(_NS * rps, rem)],
                            out_hbm.at[pl.ds(c * n + _NS * rps, rem)])

    k = pl.kernel(
        body,
        out_type=jax.ShapeDtypeStruct((_NC * n, f), jnp.float32),
        mesh=_sc_mesh(),
        compiler_params=pltpu.CompilerParams(use_tc_tiling_on_sc=False),
        scratch_types=[
            pltpu.VMEM_SHARED((n_acc, f), jnp.float32),
            pltpu.VMEM((nbuf, _CHUNK), jnp.int32),
            pltpu.VMEM((nbuf, _CHUNK), jnp.int32),
            [pltpu.VMEM((_CHUNK, f), jnp.float32) for _ in range(nbuf)],
            [pltpu.SemaphoreType.DMA for _ in range(nbuf)],
            [pltpu.SemaphoreType.DMA for _ in range(nbuf)],
        ],
    )
    return k(xs, src2d, dst2d, zeros_f)


def _dinv_of(deg_ref):
    deg = deg_ref[0, :, 0:1] + deg_ref[1, :, 0:1]
    return lax.rsqrt(jnp.maximum(deg, 1e-12))


def _tc_norm_proj(feat, W_ihT, n, in_f, blk):

    def body(feat_ref, wih_ref, x0_ref, zb_ref):
        x0 = feat_ref[...]
        x0 = x0 / jnp.sum(x0, axis=1, keepdims=True)
        x0_ref[...] = x0
        zb_ref[...] = jnp.dot(x0, wih_ref[...],
                              preferred_element_type=jnp.float32)

    return pl.pallas_call(
        body,
        grid=(n // blk,),
        in_specs=[
            pl.BlockSpec((blk, in_f), lambda i: (i, 0)),
            pl.BlockSpec((in_f, 4 * _H), lambda i: (0, 0)),
        ],
        out_specs=[
            pl.BlockSpec((blk, in_f), lambda i: (i, 0)),
            pl.BlockSpec((blk, 4 * _H), lambda i: (i, 0)),
        ],
        out_shape=[
            jax.ShapeDtypeStruct((n, in_f), jnp.float32),
            jax.ShapeDtypeStruct((n, 4 * _H), jnp.float32),
        ],
    )(feat, W_ihT)


def _tc_lstm(x0, zb, W_hhT, bsum, W0a, W0b, deg2, n, in_f, f0, blk):

    def body(zb_ref, zbp_ref, x0_ref, deg_ref, whh_ref, bs_ref, w0a_ref,
             w0b_ref, out_ref):
        i = pl.program_id(0)
        cur = zb_ref[...]
        prev = zbp_ref[...]
        bs = bs_ref[...]
        h = jnp.zeros((blk, _H), jnp.float32)
        c = jnp.zeros((blk, _H), jnp.float32)
        rowid = i * blk + lax.broadcasted_iota(jnp.int32, (blk, 1), 0)
        for t in range(_L):
            k = _L - t
            shifted = jnp.concatenate([prev[blk - k :], cur[: blk - k]],
                                      axis=0)
            early = jnp.where(rowid > t, cur[t : t + 1], 0.0)
            g = jnp.where(rowid >= _L, shifted, early)
            gates = g + jnp.dot(h, whh_ref[...],
                                preferred_element_type=jnp.float32) + bs
            ig = jax.nn.sigmoid(gates[:, 0 * _H : 1 * _H])
            fg = jax.nn.sigmoid(gates[:, 1 * _H : 2 * _H])
            gg = jnp.tanh(gates[:, 2 * _H : 3 * _H])
            og = jax.nn.sigmoid(gates[:, 3 * _H : 4 * _H])
            c = fg * c + ig * gg
            h = og * jnp.tanh(c)
        xw = (jnp.dot(x0_ref[...], w0a_ref[...],
                      preferred_element_type=jnp.float32)
              + jnp.dot(h, w0b_ref[...], preferred_element_type=jnp.float32))
        out_ref[...] = xw * _dinv_of(deg_ref)

    return pl.pallas_call(
        body,
        grid=(n // blk,),
        in_specs=[
            pl.BlockSpec((blk, 4 * _H), lambda i: (i, 0)),
            pl.BlockSpec((blk, 4 * _H), lambda i: (jnp.maximum(i - 1, 0), 0)),
            pl.BlockSpec((blk, in_f), lambda i: (i, 0)),
            pl.BlockSpec((2, blk, 16), lambda i: (0, i, 0)),
            pl.BlockSpec((_H, 4 * _H), lambda i: (0, 0)),
            pl.BlockSpec((1, 4 * _H), lambda i: (0, 0)),
            pl.BlockSpec((in_f, f0), lambda i: (0, 0)),
            pl.BlockSpec((_H, f0), lambda i: (0, 0)),
        ],
        out_specs=pl.BlockSpec((blk, f0), lambda i: (i, 0)),
        out_shape=jax.ShapeDtypeStruct((n + 8, f0), jnp.float32),
    )(zb, zb, x0, deg2, W_hhT, bsum, W0a, W0b)


def _tc_mid(p, deg2, Wn, bias, n, fin, fout, blk):

    def body(p_ref, deg_ref, w_ref, b_ref, out_ref):
        dinv = _dinv_of(deg_ref)
        y = (p_ref[0] + p_ref[1]) * dinv + b_ref[...]
        hloc = jnp.where(y >= 0, y, 0.01 * y)
        out_ref[...] = jnp.dot(
            hloc, w_ref[...], preferred_element_type=jnp.float32) * dinv

    return pl.pallas_call(
        body,
        grid=(n // blk,),
        in_specs=[
            pl.BlockSpec((2, blk, fin), lambda i: (0, i, 0)),
            pl.BlockSpec((2, blk, 16), lambda i: (0, i, 0)),
            pl.BlockSpec((fin, fout), lambda i: (0, 0)),
            pl.BlockSpec((1, fin), lambda i: (0, 0)),
        ],
        out_specs=pl.BlockSpec((blk, fout), lambda i: (i, 0)),
        out_shape=jax.ShapeDtypeStruct((n + 8, fout), jnp.float32),
    )(p, deg2, Wn, bias)


def _tc_final(p, deg2, bias, n, fout, blk):
    def body(p_ref, deg_ref, b_ref, out_ref):
        dinv = _dinv_of(deg_ref)
        out_ref[...] = (p_ref[0] + p_ref[1]) * dinv + b_ref[...]

    return pl.pallas_call(
        body,
        grid=(n // blk,),
        in_specs=[
            pl.BlockSpec((2, blk, fout), lambda i: (0, i, 0)),
            pl.BlockSpec((2, blk, 16), lambda i: (0, i, 0)),
            pl.BlockSpec((1, fout), lambda i: (0, 0)),
        ],
        out_specs=pl.BlockSpec((blk, fout), lambda i: (i, 0)),
        out_shape=jax.ShapeDtypeStruct((n, fout), jnp.float32),
    )(p, deg2, bias)


def kernel(feat, edge_index, W_ih, W_hh, b_ih, b_hh, W0, b0, W1, b1, W2, b2):
    n, in_f = feat.shape
    e = edge_index.shape[1]
    f0, f1, f2 = W0.shape[1], W1.shape[1], W2.shape[1]
    stride = _NC * _NS * _CHUNK
    ep = ((e + stride - 1) // stride) * stride
    padi = jnp.full((ep - e,), n, jnp.int32)
    src2d = jnp.concatenate([edge_index[0], padi]).reshape(ep // _CHUNK, _CHUNK)
    dst2d = jnp.concatenate([edge_index[1], padi]).reshape(ep // _CHUNK, _CHUNK)

    ones16 = jnp.ones((_CHUNK, 16), jnp.float32)
    z16 = jnp.zeros((n, 16), jnp.float32)
    z0 = jnp.zeros((n, f0), jnp.float32)
    z1 = jnp.zeros((n, f1), jnp.float32)
    z2 = jnp.zeros((n, f2), jnp.float32)

    deg2 = _sc_degree(src2d, ones16, z16, n).reshape(_NC, n, 16)

    W_ihT = W_ih.T
    W_hhT = W_hh.T
    bsum = (b_ih + b_hh).reshape(1, 4 * _H)
    W0a, W0b = W0[:in_f], W0[in_f:]

    x0, zb = _tc_norm_proj(feat, W_ihT, n, in_f, 2000)
    xs0 = _tc_lstm(x0, zb, W_hhT, bsum, W0a, W0b, deg2, n, in_f, f0, 2000)
    p1 = _sc_edge(xs0, src2d, dst2d, z0, n, 72, f0, 2).reshape(_NC, n, f0)
    xs1 = _tc_mid(p1, deg2, W1, b0.reshape(1, f0), n, f0, f1, 2000)
    p2 = _sc_edge(xs1, src2d, dst2d, z1, n, 72, f1, 4).reshape(_NC, n, f1)
    xs2 = _tc_mid(p2, deg2, W2, b1.reshape(1, f1), n, f1, f2, 2000)
    p3 = _sc_edge(xs2, src2d, dst2d, z2, n, 64, f2, 4).reshape(_NC, n, f2)
    return _tc_final(p3, deg2, b2.reshape(1, f2), n, f2, 2000)

# --- scband reference (transcript-rebuilt; emitter-appended) ---
"""Pipeline reference for scband-ls-gcn-31619549233342 (READ-ONLY COPY).

The authoritative reference and input builder live on the scoring server;
editing this copy changes nothing except your own understanding.
"""

import jax, jax.numpy as jnp
import numpy as np

N = 10000
E = 160000
IN_F = 128
LSTM_H = 16
SEQ_LEN = 4
DIMS = [128, 64, 32]


def setup_inputs(seed: int = 0) -> dict:
    key = jax.random.key(seed)
    ks = jax.random.split(key, 16)
    feat = jax.random.uniform(ks[0], (N, IN_F), dtype=jnp.float32)
    # directed binary adjacency as an edge list; guarantee every node has out-degree >= 1
    src_r = jax.random.randint(ks[1], (E - N,), 0, N, dtype=jnp.int32)
    dst_r = jax.random.randint(ks[2], (E - N,), 0, N, dtype=jnp.int32)
    src = jnp.concatenate([jnp.arange(N, dtype=jnp.int32), src_r])
    dst = jnp.concatenate([(jnp.arange(N, dtype=jnp.int32) + 1) % N, dst_r])
    edge_index = jnp.stack([src, dst])

    def u(k, shape, scale):
        return jax.random.uniform(k, shape, minval=-scale, maxval=scale, dtype=jnp.float32)

    s = 1.0 / np.sqrt(LSTM_H)
    W_ih = u(ks[3], (4 * LSTM_H, IN_F), s)
    W_hh = u(ks[4], (4 * LSTM_H, LSTM_H), s)
    b_ih = u(ks[5], (4 * LSTM_H,), s)
    b_hh = u(ks[6], (4 * LSTM_H,), s)

    c_ins = [IN_F + LSTM_H, DIMS[0], DIMS[1]]
    Ws, bs = [], []
    for i, (ci, co) in enumerate(zip(c_ins, DIMS)):
        g = 1.0 / np.sqrt(ci)
        Ws.append(u(ks[7 + i], (ci, co), g))
        bs.append(jnp.zeros((co,), jnp.float32))
    return {"feat": feat, "edge_index": edge_index,
            "W_ih": W_ih, "W_hh": W_hh, "b_ih": b_ih, "b_hh": b_hh,
            "W0": Ws[0], "b0": bs[0], "W1": Ws[1], "b1": bs[1], "W2": Ws[2], "b2": bs[2]}


def reference(feat, edge_index, W_ih, W_hh, b_ih, b_hh, W0, b0, W1, b1, W2, b2):
    N_, _ = feat.shape
    L = SEQ_LEN + 1
    feat = feat / jnp.sum(feat, axis=1, keepdims=True)
    x0 = feat
    # lagged sequence: row i holds x0[max(0, i-L):i], end-padded with zeros to length L
    i = jnp.arange(N_)[:, None]
    t = jnp.arange(L)[None, :]
    s = jnp.maximum(0, i - L)
    r = jnp.clip(s + t, 0, N_ - 1)
    valid = t < jnp.minimum(i, L)
    data = jnp.where(valid[:, :, None], x0[r], 0.0)  # [N, L, IN_F]

    # LSTM (torch gate order i, f, g, o), batch_first semantics, take last timestep
    def step(carry, xt):
        h, c = carry
        gates = xt @ W_ih.T + h @ W_hh.T + b_ih + b_hh
        ig, fg, gg, og = jnp.split(gates, 4, axis=1)
        ig = jax.nn.sigmoid(ig)
        fg = jax.nn.sigmoid(fg)
        gg = jnp.tanh(gg)
        og = jax.nn.sigmoid(og)
        c = fg * c + ig * gg
        h = og * jnp.tanh(c)
        return (h, c), h

    h0 = jnp.zeros((N_, LSTM_H), feat.dtype)
    c0 = jnp.zeros((N_, LSTM_H), feat.dtype)
    (_, _), hs = jax.lax.scan(step, (h0, c0), jnp.swapaxes(data, 0, 1))
    h_last = hs[-1]
    h = jnp.concatenate([x0, h_last], axis=1)  # [N, IN_F + LSTM_H]

    # A_hat = D^-1/2 A D^-1/2 expressed on the edge list (D = rowsum of A)
    src, dst = edge_index[0], edge_index[1]
    deg = jnp.bincount(src, length=N_).astype(feat.dtype)
    dinv = 1.0 / jnp.sqrt(jnp.maximum(deg, 1e-12))
    ew = dinv[src] * dinv[dst]

    def gcn(x, W, b):
        xw = x @ W
        msg = xw[src] * ew[:, None]
        out = jax.ops.segment_sum(msg, dst, num_segments=N_)
        return out + b

    h = jax.nn.leaky_relu(gcn(h, W0, b0), 0.01)
    h = jax.nn.leaky_relu(gcn(h, W1, b1), 0.01)
    h = gcn(h, W2, b2)
    return h

if __name__ == "__main__":
    import jax
    _d = setup_inputs()
    print(jax.jit(kernel)(*tuple(_d.values())))

</pallas_src>

<mosaic_0001>
#map = affine_map<(d0, d1) -> (0, 0)>
module attributes {stable_mosaic.version = 14 : i64} {
  func.func @body(%arg0: i32, %arg1: i32, %arg2: memref<1280x128xi32, #tpu.memory_space<hbm>>, %arg3: memref<128x16xf32, #tpu.memory_space<hbm>>, %arg4: memref<10000x16xf32, #tpu.memory_space<hbm>>, %arg5: memref<20000x16xf32, #tpu.memory_space<hbm>>, %arg6: memref<10016x16xf32, #tpu.memory_space<vmem_shared>>, %arg7: memref<40x128xi32, #tpu.memory_space<vmem>>, %arg8: memref<128x16xf32, #tpu.memory_space<vmem>>, %arg9: memref<!tpu.dma_semaphore, #tpu.memory_space<semaphore_mem>>, %arg10: memref<!tpu.dma_semaphore, #tpu.memory_space<semaphore_mem>>) attributes {dimension_semantics = [#tpu.dimension_semantics<core_parallel>, #tpu.dimension_semantics<subcore_parallel>], iteration_bounds = array<i64: 2, 16>, scalar_prefetch = 0 : i64, scratch_operands = 5 : i64, tpu.core_type = #tpu.core_type<sc_vector_subcore>, window_params = [{transform_indices = #map}, {transform_indices = #map}, {transform_indices = #map}, {transform_indices = #map}]} {
    %mul3A = arith.constant 624 : i32
    %mul3A_0 = arith.muli %arg1, %mul3A : i32
    "tpu.region"() ({
      %run_scoped3A = tpu.sem_alloc : memref<!tpu.dma_semaphore, #tpu.memory_space<semaphore_mem>>
      %dma_start3A = arith.constant 0 : i32
      %dma_start3A_21 = tpu.memref_slice %arg6[%mul3A_0, %dma_start3A] : memref<10016x16xf32, #tpu.memory_space<vmem_shared>> -> memref<624x16xf32, #tpu.memory_space<vmem_shared>>
      %dma_start3A_22 = arith.constant 0 : i32
      %dma_start3A_23 = tpu.memref_slice %arg4[%mul3A_0, %dma_start3A_22] : memref<10000x16xf32, #tpu.memory_space<hbm>> -> memref<624x16xf32, #tpu.memory_space<hbm>>
      tpu.enqueue_dma source(%dma_start3A_23 : memref<624x16xf32, #tpu.memory_space<hbm>>) target(%dma_start3A_21 : memref<624x16xf32, #tpu.memory_space<vmem_shared>>) target_semaphore(%run_scoped3A : memref<!tpu.dma_semaphore, #tpu.memory_space<semaphore_mem>>)
      %dma_wait3A = arith.constant 0 : i32
      %dma_wait3A_24 = tpu.memref_slice %arg6[%mul3A_0, %dma_wait3A] : memref<10016x16xf32, #tpu.memory_space<vmem_shared>> -> memref<624x16xf32, #tpu.memory_space<vmem_shared>>
      %dma_wait3A_25 = arith.constant 0 : i32
      %dma_wait3A_26 = tpu.memref_slice %arg4[%mul3A_0, %dma_wait3A_25] : memref<10000x16xf32, #tpu.memory_space<hbm>> -> memref<624x16xf32, #tpu.memory_space<hbm>>
      tpu.wait_dma2 semaphore(%run_scoped3A : memref<!tpu.dma_semaphore, #tpu.memory_space<semaphore_mem>>) src(%dma_wait3A_26 : memref<624x16xf32, #tpu.memory_space<hbm>>) dst(%dma_wait3A_24 : memref<624x16xf32, #tpu.memory_space<vmem_shared>>)
      tpu.yield
    }) : () -> ()
    %eq3A = arith.constant 15 : i32
    %eq3A_1 = arith.cmpi eq, %arg1, %eq3A : i32
    %convert_element_type3A = arith.extui %eq3A_1 : i1 to i32
    %cond3A = arith.constant 0 : i32
    %cond3A_2 = arith.cmpi ne, %convert_element_type3A, %cond3A : i32
    scf.if %cond3A_2 {
      "tpu.region"() ({
        %run_scoped3A = tpu.sem_alloc : memref<!tpu.dma_semaphore, #tpu.memory_space<semaphore_mem>>
        %dma_start3A = arith.constant 9984 : i32
        %dma_start3A_21 = arith.constant 0 : i32
        %dma_start3A_22 = tpu.memref_slice %arg6[%dma_start3A, %dma_start3A_21] : memref<10016x16xf32, #tpu.memory_space<vmem_shared>> -> memref<16x16xf32, #tpu.memory_space<vmem_shared>>
        %dma_start3A_23 = arith.constant 9984 : i32
        %dma_start3A_24 = arith.constant 0 : i32
        %dma_start3A_25 = tpu.memref_slice %arg4[%dma_start3A_23, %dma_start3A_24] : memref<10000x16xf32, #tpu.memory_space<hbm>> -> memref<16x16xf32, #tpu.memory_space<hbm>>
        tpu.enqueue_dma source(%dma_start3A_25 : memref<16x16xf32, #tpu.memory_space<hbm>>) target(%dma_start3A_22 : memref<16x16xf32, #tpu.memory_space<vmem_shared>>) target_semaphore(%run_scoped3A : memref<!tpu.dma_semaphore, #tpu.memory_space<semaphore_mem>>)
        %dma_wait3A = arith.constant 9984 : i32
        %dma_wait3A_26 = arith.constant 0 : i32
        %dma_wait3A_27 = tpu.memref_slice %arg6[%dma_wait3A, %dma_wait3A_26] : memref<10016x16xf32, #tpu.memory_space<vmem_shared>> -> memref<16x16xf32, #tpu.memory_space<vmem_shared>>
        %dma_wait3A_28 = arith.constant 9984 : i32
        %dma_wait3A_29 = arith.constant 0 : i32
        %dma_wait3A_30 = tpu.memref_slice %arg4[%dma_wait3A_28, %dma_wait3A_29] : memref<10000x16xf32, #tpu.memory_space<hbm>> -> memref<16x16xf32, #tpu.memory_space<hbm>>
        tpu.wait_dma2 semaphore(%run_scoped3A : memref<!tpu.dma_semaphore, #tpu.memory_space<semaphore_mem>>) src(%dma_wait3A_30 : memref<16x16xf32, #tpu.memory_space<hbm>>) dst(%dma_wait3A_27 : memref<16x16xf32, #tpu.memory_space<vmem_shared>>)
        tpu.yield
      }) : () -> ()
    } else {
    }
    "tpu.region"() ({
      %run_scoped3A = tpu.sem_alloc : memref<!tpu.dma_semaphore, #tpu.memory_space<semaphore_mem>>
      tpu.enqueue_dma source(%arg3 : memref<128x16xf32, #tpu.memory_space<hbm>>) target(%arg8 : memref<128x16xf32, #tpu.memory_space<vmem>>) target_semaphore(%run_scoped3A : memref<!tpu.dma_semaphore, #tpu.memory_space<semaphore_mem>>)
      tpu.wait_dma2 semaphore(%run_scoped3A : memref<!tpu.dma_semaphore, #tpu.memory_space<semaphore_mem>>) src(%arg3 : memref<128x16xf32, #tpu.memory_space<hbm>>) dst(%arg8 : memref<128x16xf32, #tpu.memory_space<vmem>>)
      tpu.yield
    }) : () -> ()
    %barrier3A = arith.constant 0 : index
    tpu.barrier barrier_id(%barrier3A)
    %mul3A_3 = arith.constant 16 : i32
    %mul3A_4 = arith.muli %arg0, %mul3A_3 : i32
    %add3A = arith.addi %mul3A_4, %arg1 : i32
    %mul3A_5 = arith.constant 40 : i32
    %mul3A_6 = arith.muli %add3A, %mul3A_5 : i32
    "tpu.region"() ({
      %run_scoped3A = tpu.sem_alloc : memref<!tpu.dma_semaphore, #tpu.memory_space<semaphore_mem>>
      %dma_start3A = arith.constant 0 : i32
      %dma_start3A_21 = tpu.memref_slice %arg2[%mul3A_6, %dma_start3A] : memref<1280x128xi32, #tpu.memory_space<hbm>> -> memref<40x128xi32, #tpu.memory_space<hbm>>
      %dma_start3A_22 = arith.constant 0 : i32
      %dma_start3A_23 = tpu.memref_slice %arg2[%mul3A_6, %dma_start3A_22] : memref<1280x128xi32, #tpu.memory_space<hbm>> -> memref<40x128xi32, #tpu.memory_space<hbm>>
      tpu.enqueue_dma source(%dma_start3A_23 : memref<40x128xi32, #tpu.memory_space<hbm>>) target(%arg7 : memref<40x128xi32, #tpu.memory_space<vmem>>) target_semaphore(%run_scoped3A : memref<!tpu.dma_semaphore, #tpu.memory_space<semaphore_mem>>)
      %dma_wait3A = arith.constant 0 : i32
      %dma_wait3A_24 = tpu.memref_slice %arg2[%mul3A_6, %dma_wait3A] : memref<1280x128xi32, #tpu.memory_space<hbm>> -> memref<40x128xi32, #tpu.memory_space<hbm>>
      %dma_wait3A_25 = arith.constant 0 : i32
      %dma_wait3A_26 = tpu.memref_slice %arg2[%mul3A_6, %dma_wait3A_25] : memref<1280x128xi32, #tpu.memory_space<hbm>> -> memref<40x128xi32, #tpu.memory_space<hbm>>
      tpu.wait_dma2 semaphore(%run_scoped3A : memref<!tpu.dma_semaphore, #tpu.memory_space<semaphore_mem>>) src(%dma_wait3A_26 : memref<40x128xi32, #tpu.memory_space<hbm>>) dst(%arg7 : memref<40x128xi32, #tpu.memory_space<vmem>>)
      tpu.yield
    }) : () -> ()
    %scan3A = arith.constant 0 : i32
    %scan3A_7 = arith.constant 0 : i32
    %scan3A_8 = arith.constant 20 : i32
    %scan3A_9 = arith.addi %scan3A_7, %scan3A_8 : i32
    %scan3A_10 = arith.constant 1 : i32
    scf.for %scan3A_21 = %scan3A_7 to %scan3A_9 step %scan3A_10  : i32 {
      %mul3A_22 = arith.constant 2 : i32
      %mul3A_23 = arith.muli %mul3A_22, %scan3A_21 : i32
      %dma_start3A = arith.constant 0 : i32
      %dma_start3A_24 = tpu.memref_slice %arg7[%mul3A_23, %dma_start3A] : memref<40x128xi32, #tpu.memory_space<vmem>> -> memref<1x128xi32, #tpu.memory_space<vmem>>
      %dma_start3A_25 = tpu.memref_squeeze %dma_start3A_24 : memref<1x128xi32, #tpu.memory_space<vmem>> -> memref<128xi32, #tpu.memory_space<vmem>>
      %dma_start3A_26 = arith.constant 0 : i32
      %dma_start3A_27 = arith.constant 0 : i32
      %dma_start3A_28 = tpu.memref_slice %arg6[%dma_start3A_26, %dma_start3A_27] : memref<10016x16xf32, #tpu.memory_space<vmem_shared>> -> memref<10016x16xf32, #tpu.memory_space<vmem_shared>>
      tpu.enqueue_indirect_dma source(%arg8 : memref<128x16xf32, #tpu.memory_space<vmem>>) target(%dma_start3A_28 : memref<10016x16xf32, #tpu.memory_space<vmem_shared>>) offsets(%dma_start3A_25 : memref<128xi32, #tpu.memory_space<vmem>>) semaphore(%arg9 : memref<!tpu.dma_semaphore, #tpu.memory_space<semaphore_mem>>) {add = true}
      %mul3A_29 = arith.constant 2 : i32
      %mul3A_30 = arith.muli %mul3A_29, %scan3A_21 : i32
      %add3A_31 = arith.constant 1 : i32
      %add3A_32 = arith.addi %mul3A_30, %add3A_31 : i32
      %dma_start3A_33 = arith.constant 0 : i32
      %dma_start3A_34 = tpu.memref_slice %arg7[%add3A_32, %dma_start3A_33] : memref<40x128xi32, #tpu.memory_space<vmem>> -> memref<1x128xi32, #tpu.memory_space<vmem>>
      %dma_start3A_35 = tpu.memref_squeeze %dma_start3A_34 : memref<1x128xi32, #tpu.memory_space<vmem>> -> memref<128xi32, #tpu.memory_space<vmem>>
      %dma_start3A_36 = arith.constant 0 : i32
      %dma_start3A_37 = arith.constant 0 : i32
      %dma_start3A_38 = tpu.memref_slice %arg6[%dma_start3A_36, %dma_start3A_37] : memref<10016x16xf32, #tpu.memory_space<vmem_shared>> -> memref<10016x16xf32, #tpu.memory_space<vmem_shared>>
      tpu.enqueue_indirect_dma source(%arg8 : memref<128x16xf32, #tpu.memory_space<vmem>>) target(%dma_start3A_38 : memref<10016x16xf32, #tpu.memory_space<vmem_shared>>) offsets(%dma_start3A_35 : memref<128xi32, #tpu.memory_space<vmem>>) semaphore(%arg10 : memref<!tpu.dma_semaphore, #tpu.memory_space<semaphore_mem>>) {add = true}
      %dma_wait3A = arith.constant 0 : i32
      %dma_wait3A_39 = tpu.memref_slice %arg7[%mul3A_23, %dma_wait3A] : memref<40x128xi32, #tpu.memory_space<vmem>> -> memref<1x128xi32, #tpu.memory_space<vmem>>
      %dma_wait3A_40 = tpu.memref_squeeze %dma_wait3A_39 : memref<1x128xi32, #tpu.memory_space<vmem>> -> memref<128xi32, #tpu.memory_space<vmem>>
      %dma_wait3A_41 = arith.constant 0 : i32
      %dma_wait3A_42 = arith.constant 0 : i32
      %dma_wait3A_43 = tpu.memref_slice %arg6[%dma_wait3A_41, %dma_wait3A_42] : memref<10016x16xf32, #tpu.memory_space<vmem_shared>> -> memref<10016x16xf32, #tpu.memory_space<vmem_shared>>
      tpu.wait_indirect_dma semaphore(%arg9 : memref<!tpu.dma_semaphore, #tpu.memory_space<semaphore_mem>>) src(%arg8 : memref<128x16xf32, #tpu.memory_space<vmem>>) dst(%dma_wait3A_43 : memref<10016x16xf32, #tpu.memory_space<vmem_shared>>)
      %dma_wait3A_44 = arith.constant 0 : i32
      %dma_wait3A_45 = tpu.memref_slice %arg7[%add3A_32, %dma_wait3A_44] : memref<40x128xi32, #tpu.memory_space<vmem>> -> memref<1x128xi32, #tpu.memory_space<vmem>>
      %dma_wait3A_46 = tpu.memref_squeeze %dma_wait3A_45 : memref<1x128xi32, #tpu.memory_space<vmem>> -> memref<128xi32, #tpu.memory_space<vmem>>
      %dma_wait3A_47 = arith.constant 0 : i32
      %dma_wait3A_48 = arith.constant 0 : i32
      %dma_wait3A_49 = tpu.memref_slice %arg6[%dma_wait3A_47, %dma_wait3A_48] : memref<10016x16xf32, #tpu.memory_space<vmem_shared>> -> memref<10016x16xf32, #tpu.memory_space<vmem_shared>>
      tpu.wait_indirect_dma semaphore(%arg10 : memref<!tpu.dma_semaphore, #tpu.memory_space<semaphore_mem>>) src(%arg8 : memref<128x16xf32, #tpu.memory_space<vmem>>) dst(%dma_wait3A_49 : memref<10016x16xf32, #tpu.memory_space<vmem_shared>>)
    }
    %scan3A_11 = arith.constant 20 : i32
    %barrier3A_12 = arith.constant 0 : index
    tpu.barrier barrier_id(%barrier3A_12)
    %mul3A_13 = arith.constant 10000 : i32
    %mul3A_14 = arith.muli %arg0, %mul3A_13 : i32
    %add3A_15 = arith.addi %mul3A_14, %mul3A_0 : i32
    "tpu.region"() ({
      %run_scoped3A = tpu.sem_alloc : memref<!tpu.dma_semaphore, #tpu.memory_space<semaphore_mem>>
      %dma_start3A = arith.constant 0 : i32
      %dma_start3A_21 = tpu.memref_slice %arg5[%add3A_15, %dma_start3A] : memref<20000x16xf32, #tpu.memory_space<hbm>> -> memref<624x16xf32, #tpu.memory_space<hbm>>
      %dma_start3A_22 = arith.constant 0 : i32
      %dma_start3A_23 = tpu.memref_slice %arg6[%mul3A_0, %dma_start3A_22] : memref<10016x16xf32, #tpu.memory_space<vmem_shared>> -> memref<624x16xf32, #tpu.memory_space<vmem_shared>>
      tpu.enqueue_dma source(%dma_start3A_23 : memref<624x16xf32, #tpu.memory_space<vmem_shared>>) target(%dma_start3A_21 : memref<624x16xf32, #tpu.memory_space<hbm>>) target_semaphore(%run_scoped3A : memref<!tpu.dma_semaphore, #tpu.memory_space<semaphore_mem>>)
      %dma_wait3A = arith.constant 0 : i32
      %dma_wait3A_24 = tpu.memref_slice %arg5[%add3A_15, %dma_wait3A] : memref<20000x16xf32, #tpu.memory_space<hbm>> -> memref<624x16xf32, #tpu.memory_space<hbm>>
      %dma_wait3A_25 = arith.constant 0 : i32
      %dma_wait3A_26 = tpu.memref_slice %arg6[%mul3A_0, %dma_wait3A_25] : memref<10016x16xf32, #tpu.memory_space<vmem_shared>> -> memref<624x16xf32, #tpu.memory_space<vmem_shared>>
      tpu.wait_dma2 semaphore(%run_scoped3A : memref<!tpu.dma_semaphore, #tpu.memory_space<semaphore_mem>>) src(%dma_wait3A_26 : memref<624x16xf32, #tpu.memory_space<vmem_shared>>) dst(%dma_wait3A_24 : memref<624x16xf32, #tpu.memory_space<hbm>>)
      tpu.yield
    }) : () -> ()
    %eq3A_16 = arith.constant 15 : i32
    %eq3A_17 = arith.cmpi eq, %arg1, %eq3A_16 : i32
    %convert_element_type3A_18 = arith.extui %eq3A_17 : i1 to i32
    %cond3A_19 = arith.constant 0 : i32
    %cond3A_20 = arith.cmpi ne, %convert_element_type3A_18, %cond3A_19 : i32
    scf.if %cond3A_20 {
      %mul3A_21 = arith.constant 10000 : i32
      %mul3A_22 = arith.muli %arg0, %mul3A_21 : i32
      %add3A_23 = arith.constant 9984 : i32
      %add3A_24 = arith.addi %mul3A_22, %add3A_23 : i32
      "tpu.region"() ({
        %run_scoped3A = tpu.sem_alloc : memref<!tpu.dma_semaphore, #tpu.memory_space<semaphore_mem>>
        %dma_start3A = arith.constant 0 : i32
        %dma_start3A_25 = tpu.memref_slice %arg5[%add3A_24, %dma_start3A] : memref<20000x16xf32, #tpu.memory_space<hbm>> -> memref<16x16xf32, #tpu.memory_space<hbm>>
        %dma_start3A_26 = arith.constant 9984 : i32
        %dma_start3A_27 = arith.constant 0 : i32
        %dma_start3A_28 = tpu.memref_slice %arg6[%dma_start3A_26, %dma_start3A_27] : memref<10016x16xf32, #tpu.memory_space<vmem_shared>> -> memref<16x16xf32, #tpu.memory_space<vmem_shared>>
        tpu.enqueue_dma source(%dma_start3A_28 : memref<16x16xf32, #tpu.memory_space<vmem_shared>>) target(%dma_start3A_25 : memref<16x16xf32, #tpu.memory_space<hbm>>) target_semaphore(%run_scoped3A : memref<!tpu.dma_semaphore, #tpu.memory_space<semaphore_mem>>)
        %dma_wait3A = arith.constant 0 : i32
        %dma_wait3A_29 = tpu.memref_slice %arg5[%add3A_24, %dma_wait3A] : memref<20000x16xf32, #tpu.memory_space<hbm>> -> memref<16x16xf32, #tpu.memory_space<hbm>>
        %dma_wait3A_30 = arith.constant 9984 : i32
        %dma_wait3A_31 = arith.constant 0 : i32
        %dma_wait3A_32 = tpu.memref_slice %arg6[%dma_wait3A_30, %dma_wait3A_31] : memref<10016x16xf32, #tpu.memory_space<vmem_shared>> -> memref<16x16xf32, #tpu.memory_space<vmem_shared>>
        tpu.wait_dma2 semaphore(%run_scoped3A : memref<!tpu.dma_semaphore, #tpu.memory_space<semaphore_mem>>) src(%dma_wait3A_32 : memref<16x16xf32, #tpu.memory_space<vmem_shared>>) dst(%dma_wait3A_29 : memref<16x16xf32, #tpu.memory_space<hbm>>)
        tpu.yield
      }) : () -> ()
    } else {
    }
    return
  }
}

#map = affine_map<(d0, d1) -> (0, 0)>
module attributes {stable_mosaic.version = 14 : i64} {
  func.func @body(%arg0: i32, %arg1: i32, %arg2: memref<10008x64xf32, #tpu.memory_space<hbm>>, %arg3: memref<1280x128xi32, #tpu.memory_space<hbm>>, %arg4: memref<1280x128xi32, #tpu.memory_space<hbm>>, %arg5: memref<10000x64xf32, #tpu.memory_space<hbm>>, %arg6: memref<20000x64xf32, #tpu.memory_space<hbm>>, %arg7: memref<10016x64xf32, #tpu.memory_space<vmem_shared>>, %arg8: memref<4x128xi32, #tpu.memory_space<vmem>>, %arg9: memref<4x128xi32, #tpu.memory_space<vmem>>, %arg10: memref<128x64xf32, #tpu.memory_space<vmem>>, %arg11: memref<128x64xf32, #tpu.memory_space<vmem>>, %arg12: memref<128x64xf32, #tpu.memory_space<vmem>>, %arg13: memref<128x64xf32, #tpu.memory_space<vmem>>, %arg14: memref<!tpu.dma_semaphore, #tpu.memory_space<semaphore_mem>>, %arg15: memref<!tpu.dma_semaphore, #tpu.memory_space<semaphore_mem>>, %arg16: memref<!tpu.dma_semaphore, #tpu.memory_space<semaphore_mem>>, %arg17: memref<!tpu.dma_semaphore, #tpu.memory_space<semaphore_mem>>, %arg18: memref<!tpu.dma_semaphore, #tpu.memory_space<semaphore_mem>>, %arg19: memref<!tpu.dma_semaphore, #tpu.memory_space<semaphore_mem>>, %arg20: memref<!tpu.dma_semaphore, #tpu.memory_space<semaphore_mem>>, %arg21: memref<!tpu.dma_semaphore, #tpu.memory_space<semaphore_mem>>) attributes {dimension_semantics = [#tpu.dimension_semantics<core_parallel>, #tpu.dimension_semantics<subcore_parallel>], iteration_bounds = array<i64: 2, 16>, scalar_prefetch = 0 : i64, scratch_operands = 15 : i64, tpu.core_type = #tpu.core_type<sc_vector_subcore>, window_params = [{transform_indices = #map}, {transform_indices = #map}, {transform_indices = #map}, {transform_indices = #map}, {transform_indices = #map}]} {
    %mul3A = arith.constant 624 : i32
    %mul3A_0 = arith.muli %arg1, %mul3A : i32
    "tpu.region"() ({
      %run_scoped3A = tpu.sem_alloc : memref<!tpu.dma_semaphore, #tpu.memory_space<semaphore_mem>>
      %dma_start3A = arith.constant 0 : i32
      %dma_start3A_45 = tpu.memref_slice %arg7[%mul3A_0, %dma_start3A] : memref<10016x64xf32, #tpu.memory_space<vmem_shared>> -> memref<624x64xf32, #tpu.memory_space<vmem_shared>>
      %dma_start3A_46 = arith.constant 0 : i32
      %dma_start3A_47 = tpu.memref_slice %arg5[%mul3A_0, %dma_start3A_46] : memref<10000x64xf32, #tpu.memory_space<hbm>> -> memref<624x64xf32, #tpu.memory_space<hbm>>
      tpu.enqueue_dma source(%dma_start3A_47 : memref<624x64xf32, #tpu.memory_space<hbm>>) target(%dma_start3A_45 : memref<624x64xf32, #tpu.memory_space<vmem_shared>>) target_semaphore(%run_scoped3A : memref<!tpu.dma_semaphore, #tpu.memory_space<semaphore_mem>>)
      %dma_wait3A = arith.constant 0 : i32
      %dma_wait3A_48 = tpu.memref_slice %arg7[%mul3A_0, %dma_wait3A] : memref<10016x64xf32, #tpu.memory_space<vmem_shared>> -> memref<624x64xf32, #tpu.memory_space<vmem_shared>>
      %dma_wait3A_49 = arith.constant 0 : i32
      %dma_wait3A_50 = tpu.memref_slice %arg5[%mul3A_0, %dma_wait3A_49] : memref<10000x64xf32, #tpu.memory_space<hbm>> -> memref<624x64xf32, #tpu.memory_space<hbm>>
      tpu.wait_dma2 semaphore(%run_scoped3A : memref<!tpu.dma_semaphore, #tpu.memory_space<semaphore_mem>>) src(%dma_wait3A_50 : memref<624x64xf32, #tpu.memory_space<hbm>>) dst(%dma_wait3A_48 : memref<624x64xf32, #tpu.memory_space<vmem_shared>>)
      tpu.yield
    }) : () -> ()
    %eq3A = arith.constant 15 : i32
    %eq3A_1 = arith.cmpi eq, %arg1, %eq3A : i32
    %convert_element_type3A = arith.extui %eq3A_1 : i1 to i32
    %cond3A = arith.constant 0 : i32
    %cond3A_2 = arith.cmpi ne, %convert_element_type3A, %cond3A : i32
    scf.if %cond3A_2 {
      "tpu.region"() ({
        %run_scoped3A = tpu.sem_alloc : memref<!tpu.dma_semaphore, #tpu.memory_space<semaphore_mem>>
        %dma_start3A = arith.constant 9984 : i32
        %dma_start3A_45 = arith.constant 0 : i32
        %dma_start3A_46 = tpu.memref_slice %arg7[%dma_start3A, %dma_start3A_45] : memref<10016x64xf32, #tpu.memory_space<vmem_shared>> -> memref<16x64xf32, #tpu.memory_space<vmem_shared>>
        %dma_start3A_47 = arith.constant 9984 : i32
        %dma_start3A_48 = arith.constant 0 : i32
        %dma_start3A_49 = tpu.memref_slice %arg5[%dma_start3A_47, %dma_start3A_48] : memref<10000x64xf32, #tpu.memory_space<hbm>> -> memref<16x64xf32, #tpu.memory_space<hbm>>
        tpu.enqueue_dma source(%dma_start3A_49 : memref<16x64xf32, #tpu.memory_space<hbm>>) target(%dma_start3A_46 : memref<16x64xf32, #tpu.memory_space<vmem_shared>>) target_semaphore(%run_scoped3A : memref<!tpu.dma_semaphore, #tpu.memory_space<semaphore_mem>>)
        %dma_wait3A = arith.constant 9984 : i32
        %dma_wait3A_50 = arith.constant 0 : i32
        %dma_wait3A_51 = tpu.memref_slice %arg7[%dma_wait3A, %dma_wait3A_50] : memref<10016x64xf32, #tpu.memory_space<vmem_shared>> -> memref<16x64xf32, #tpu.memory_space<vmem_shared>>
        %dma_wait3A_52 = arith.constant 9984 : i32
        %dma_wait3A_53 = arith.constant 0 : i32
        %dma_wait3A_54 = tpu.memref_slice %arg5[%dma_wait3A_52, %dma_wait3A_53] : memref<10000x64xf32, #tpu.memory_space<hbm>> -> memref<16x64xf32, #tpu.memory_space<hbm>>
        tpu.wait_dma2 semaphore(%run_scoped3A : memref<!tpu.dma_semaphore, #tpu.memory_space<semaphore_mem>>) src(%dma_wait3A_54 : memref<16x64xf32, #tpu.memory_space<hbm>>) dst(%dma_wait3A_51 : memref<16x64xf32, #tpu.memory_space<vmem_shared>>)
        tpu.yield
      }) : () -> ()
    } else {
    }
    %barrier3A = arith.constant 0 : index
    tpu.barrier barrier_id(%barrier3A)
    %eq3A_3 = arith.constant 0 : i32
    %eq3A_4 = arith.cmpi eq, %arg0, %eq3A_3 : i32
    %jit3A = arith.constant 72 : i32
    %jit3A_5 = arith.constant 8 : i32
    %select_n3A = arith.select %eq3A_4, %jit3A, %jit3A_5 : i32
    %mul3A_6 = arith.constant 1152 : i32
    %mul3A_7 = arith.muli %arg0, %mul3A_6 : i32
    %mul3A_8 = arith.muli %arg1, %select_n3A : i32
    %add3A = arith.addi %mul3A_7, %mul3A_8 : i32
    %jit3A_9 = arith.constant 4 : i32
    %div3A = arith.divsi %select_n3A, %jit3A_9 : i32
    %sign3A = arith.constant 0 : i32
    %sign3A_10 = arith.cmpi sgt, %select_n3A, %sign3A : i32
    %sign3A_11 = arith.extui %sign3A_10 : i1 to i32
    %sign3A_12 = arith.constant 0 : i32
    %sign3A_13 = arith.cmpi slt, %select_n3A, %sign3A_12 : i32
    %sign3A_14 = arith.extui %sign3A_13 : i1 to i32
    %sign3A_15 = arith.subi %sign3A_11, %sign3A_14 : i32
    %sign3A_16 = arith.constant 0 : i32
    %sign3A_17 = arith.cmpi sgt, %jit3A_9, %sign3A_16 : i32
    %sign3A_18 = arith.extui %sign3A_17 : i1 to i32
    %sign3A_19 = arith.constant 0 : i32
    %sign3A_20 = arith.cmpi slt, %jit3A_9, %sign3A_19 : i32
    %sign3A_21 = arith.extui %sign3A_20 : i1 to i32
    %sign3A_22 = arith.subi %sign3A_18, %sign3A_21 : i32
    %ne3A = arith.cmpi ne, %sign3A_15, %sign3A_22 : i32
    %rem3A = arith.remsi %select_n3A, %jit3A_9 : i32
    %ne3A_23 = arith.constant 0 : i32
    %ne3A_24 = arith.cmpi ne, %rem3A, %ne3A_23 : i32
    %and3A = arith.andi %ne3A, %ne3A_24 : i1
    %sub3A = arith.constant 1 : i32
    %sub3A_25 = arith.subi %div3A, %sub3A : i32
    %select_n3A_26 = arith.select %and3A, %sub3A_25, %div3A : i32
    %while3A = arith.constant 0 : i32
    %while3A_27 = arith.constant 0 : i32
    %while3A_28 = arith.subi %select_n3A_26, %while3A_27 : i32
    %while3A_29 = arith.addi %while3A_27, %while3A_28 : i32
    %while3A_30 = arith.constant 1 : i32
    %while3A_31 = arith.divsi %while3A_28, %while3A_30 : i32
    %while3A_32 = arith.muli %while3A_31, %while3A_30 : i32
    %while3A_33 = arith.addi %while3A_27, %while3A_32 : i32
    %while3A_34 = arith.constant 1 : i32
    scf.for %while3A_45 = %while3A_27 to %while3A_33 step %while3A_34  : i32 {
      %mul3A_46 = arith.constant 4 : i32
      %mul3A_47 = arith.muli %mul3A_46, %while3A_45 : i32
      %add3A_48 = arith.addi %add3A, %mul3A_47 : i32
      "tpu.region"() ({
        %run_scoped3A = tpu.sem_alloc : memref<!tpu.dma_semaphore, #tpu.memory_space<semaphore_mem>>
        %dma_start3A_162 = arith.constant 0 : i32
        %dma_start3A_163 = tpu.memref_slice %arg3[%add3A_48, %dma_start3A_162] : memref<1280x128xi32, #tpu.memory_space<hbm>> -> memref<4x128xi32, #tpu.memory_space<hbm>>
        %dma_start3A_164 = arith.constant 0 : i32
        %dma_start3A_165 = tpu.memref_slice %arg3[%add3A_48, %dma_start3A_164] : memref<1280x128xi32, #tpu.memory_space<hbm>> -> memref<4x128xi32, #tpu.memory_space<hbm>>
        tpu.enqueue_dma source(%dma_start3A_165 : memref<4x128xi32, #tpu.memory_space<hbm>>) target(%arg8 : memref<4x128xi32, #tpu.memory_space<vmem>>) target_semaphore(%run_scoped3A : memref<!tpu.dma_semaphore, #tpu.memory_space<semaphore_mem>>)
        %dma_wait3A_166 = arith.constant 0 : i32
        %dma_wait3A_167 = tpu.memref_slice %arg3[%add3A_48, %dma_wait3A_166] : memref<1280x128xi32, #tpu.memory_space<hbm>> -> memref<4x128xi32, #tpu.memory_space<hbm>>
        %dma_wait3A_168 = arith.constant 0 : i32
        %dma_wait3A_169 = tpu.memref_slice %arg3[%add3A_48, %dma_wait3A_168] : memref<1280x128xi32, #tpu.memory_space<hbm>> -> memref<4x128xi32, #tpu.memory_space<hbm>>
        tpu.wait_dma2 semaphore(%run_scoped3A : memref<!tpu.dma_semaphore, #tpu.memory_space<semaphore_mem>>) src(%dma_wait3A_169 : memref<4x128xi32, #tpu.memory_space<hbm>>) dst(%arg8 : memref<4x128xi32, #tpu.memory_space<vmem>>)
        tpu.yield
      }) : () -> ()
      %mul3A_49 = arith.constant 4 : i32
      %mul3A_50 = arith.muli %mul3A_49, %while3A_45 : i32
      %add3A_51 = arith.addi %add3A, %mul3A_50 : i32
      "tpu.region"() ({
        %run_scoped3A = tpu.sem_alloc : memref<!tpu.dma_semaphore, #tpu.memory_space<semaphore_mem>>
        %dma_start3A_162 = arith.constant 0 : i32
        %dma_start3A_163 = tpu.memref_slice %arg4[%add3A_51, %dma_start3A_162] : memref<1280x128xi32, #tpu.memory_space<hbm>> -> memref<4x128xi32, #tpu.memory_space<hbm>>
        %dma_start3A_164 = arith.constant 0 : i32
        %dma_start3A_165 = tpu.memref_slice %arg4[%add3A_51, %dma_start3A_164] : memref<1280x128xi32, #tpu.memory_space<hbm>> -> memref<4x128xi32, #tpu.memory_space<hbm>>
        tpu.enqueue_dma source(%dma_start3A_165 : memref<4x128xi32, #tpu.memory_space<hbm>>) target(%arg9 : memref<4x128xi32, #tpu.memory_space<vmem>>) target_semaphore(%run_scoped3A : memref<!tpu.dma_semaphore, #tpu.memory_space<semaphore_mem>>)
        %dma_wait3A_166 = arith.constant 0 : i32
        %dma_wait3A_167 = tpu.memref_slice %arg4[%add3A_51, %dma_wait3A_166] : memref<1280x128xi32, #tpu.memory_space<hbm>> -> memref<4x128xi32, #tpu.memory_space<hbm>>
        %dma_wait3A_168 = arith.constant 0 : i32
        %dma_wait3A_169 = tpu.memref_slice %arg4[%add3A_51, %dma_wait3A_168] : memref<1280x128xi32, #tpu.memory_space<hbm>> -> memref<4x128xi32, #tpu.memory_space<hbm>>
        tpu.wait_dma2 semaphore(%run_scoped3A : memref<!tpu.dma_semaphore, #tpu.memory_space<semaphore_mem>>) src(%dma_wait3A_169 : memref<4x128xi32, #tpu.memory_space<hbm>>) dst(%arg9 : memref<4x128xi32, #tpu.memory_space<vmem>>)
        tpu.yield
      }) : () -> ()
      %dma_start3A = arith.constant 0 : i32
      %dma_start3A_52 = arith.constant 0 : i32
      %dma_start3A_53 = tpu.memref_slice %arg8[%dma_start3A, %dma_start3A_52] : memref<4x128xi32, #tpu.memory_space<vmem>> -> memref<1x128xi32, #tpu.memory_space<vmem>>
      %dma_start3A_54 = tpu.memref_squeeze %dma_start3A_53 : memref<1x128xi32, #tpu.memory_space<vmem>> -> memref<128xi32, #tpu.memory_space<vmem>>
      %dma_start3A_55 = arith.constant 0 : i32
      %dma_start3A_56 = arith.constant 0 : i32
      %dma_start3A_57 = tpu.memref_slice %arg2[%dma_start3A_55, %dma_start3A_56] : memref<10008x64xf32, #tpu.memory_space<hbm>> -> memref<10008x64xf32, #tpu.memory_space<hbm>>
      tpu.enqueue_indirect_dma source(%dma_start3A_57 : memref<10008x64xf32, #tpu.memory_space<hbm>>) target(%arg10 : memref<128x64xf32, #tpu.memory_space<vmem>>) offsets(%dma_start3A_54 : memref<128xi32, #tpu.memory_space<vmem>>) semaphore(%arg14 : memref<!tpu.dma_semaphore, #tpu.memory_space<semaphore_mem>>)
      %dma_start3A_58 = arith.constant 1 : i32
      %dma_start3A_59 = arith.constant 0 : i32
      %dma_start3A_60 = tpu.memref_slice %arg8[%dma_start3A_58, %dma_start3A_59] : memref<4x128xi32, #tpu.memory_space<vmem>> -> memref<1x128xi32, #tpu.memory_space<vmem>>
      %dma_start3A_61 = tpu.memref_squeeze %dma_start3A_60 : memref<1x128xi32, #tpu.memory_space<vmem>> -> memref<128xi32, #tpu.memory_space<vmem>>
      %dma_start3A_62 = arith.constant 0 : i32
      %dma_start3A_63 = arith.constant 0 : i32
      %dma_start3A_64 = tpu.memref_slice %arg2[%dma_start3A_62, %dma_start3A_63] : memref<10008x64xf32, #tpu.memory_space<hbm>> -> memref<10008x64xf32, #tpu.memory_space<hbm>>
      tpu.enqueue_indirect_dma source(%dma_start3A_64 : memref<10008x64xf32, #tpu.memory_space<hbm>>) target(%arg11 : memref<128x64xf32, #tpu.memory_space<vmem>>) offsets(%dma_start3A_61 : memref<128xi32, #tpu.memory_space<vmem>>) semaphore(%arg15 : memref<!tpu.dma_semaphore, #tpu.memory_space<semaphore_mem>>)
      %dma_start3A_65 = arith.constant 2 : i32
      %dma_start3A_66 = arith.constant 0 : i32
      %dma_start3A_67 = tpu.memref_slice %arg8[%dma_start3A_65, %dma_start3A_66] : memref<4x128xi32, #tpu.memory_space<vmem>> -> memref<1x128xi32, #tpu.memory_space<vmem>>
      %dma_start3A_68 = tpu.memref_squeeze %dma_start3A_67 : memref<1x128xi32, #tpu.memory_space<vmem>> -> memref<128xi32, #tpu.memory_space<vmem>>
      %dma_start3A_69 = arith.constant 0 : i32
      %dma_start3A_70 = arith.constant 0 : i32
      %dma_start3A_71 = tpu.memref_slice %arg2[%dma_start3A_69, %dma_start3A_70] : memref<10008x64xf32, #tpu.memory_space<hbm>> -> memref<10008x64xf32, #tpu.memory_space<hbm>>
      tpu.enqueue_indirect_dma source(%dma_start3A_71 : memref<10008x64xf32, #tpu.memory_space<hbm>>) target(%arg12 : memref<128x64xf32, #tpu.memory_space<vmem>>) offsets(%dma_start3A_68 : memref<128xi32, #tpu.memory_space<vmem>>) semaphore(%arg16 : memref<!tpu.dma_semaphore, #tpu.memory_space<semaphore_mem>>)
      %dma_start3A_72 = arith.constant 3 : i32
      %dma_start3A_73 = arith.constant 0 : i32
      %dma_start3A_74 = tpu.memref_slice %arg8[%dma_start3A_72, %dma_start3A_73] : memref<4x128xi32, #tpu.memory_space<vmem>> -> memref<1x128xi32, #tpu.memory_space<vmem>>
      %dma_start3A_75 = tpu.memref_squeeze %dma_start3A_74 : memref<1x128xi32, #tpu.memory_space<vmem>> -> memref<128xi32, #tpu.memory_space<vmem>>
      %dma_start3A_76 = arith.constant 0 : i32
      %dma_start3A_77 = arith.constant 0 : i32
      %dma_start3A_78 = tpu.memref_slice %arg2[%dma_start3A_76, %dma_start3A_77] : memref<10008x64xf32, #tpu.memory_space<hbm>> -> memref<10008x64xf32, #tpu.memory_space<hbm>>
      tpu.enqueue_indirect_dma source(%dma_start3A_78 : memref<10008x64xf32, #tpu.memory_space<hbm>>) target(%arg13 : memref<128x64xf32, #tpu.memory_space<vmem>>) offsets(%dma_start3A_75 : memref<128xi32, #tpu.memory_space<vmem>>) semaphore(%arg17 : memref<!tpu.dma_semaphore, #tpu.memory_space<semaphore_mem>>)
      %dma_wait3A = arith.constant 0 : i32
      %dma_wait3A_79 = arith.constant 0 : i32
      %dma_wait3A_80 = tpu.memref_slice %arg8[%dma_wait3A, %dma_wait3A_79] : memref<4x128xi32, #tpu.memory_space<vmem>> -> memref<1x128xi32, #tpu.memory_space<vmem>>
      %dma_wait3A_81 = tpu.memref_squeeze %dma_wait3A_80 : memref<1x128xi32, #tpu.memory_space<vmem>> -> memref<128xi32, #tpu.memory_space<vmem>>
      %dma_wait3A_82 = arith.constant 0 : i32
      %dma_wait3A_83 = arith.constant 0 : i32
      %dma_wait3A_84 = tpu.memref_slice %arg2[%dma_wait3A_82, %dma_wait3A_83] : memref<10008x64xf32, #tpu.memory_space<hbm>> -> memref<10008x64xf32, #tpu.memory_space<hbm>>
      tpu.wait_indirect_dma semaphore(%arg14 : memref<!tpu.dma_semaphore, #tpu.memory_space<semaphore_mem>>) src(%dma_wait3A_84 : memref<10008x64xf32, #tpu.memory_space<hbm>>) dst(%arg10 : memref<128x64xf32, #tpu.memory_space<vmem>>)
      %dma_start3A_85 = arith.constant 0 : i32
      %dma_start3A_86 = arith.constant 0 : i32
      %dma_start3A_87 = tpu.memref_slice %arg9[%dma_start3A_85, %dma_start3A_86] : memref<4x128xi32, #tpu.memory_space<vmem>> -> memref<1x128xi32, #tpu.memory_space<vmem>>
      %dma_start3A_88 = tpu.memref_squeeze %dma_start3A_87 : memref<1x128xi32, #tpu.memory_space<vmem>> -> memref<128xi32, #tpu.memory_space<vmem>>
      %dma_start3A_89 = arith.constant 0 : i32
      %dma_start3A_90 = arith.constant 0 : i32
      %dma_start3A_91 = tpu.memref_slice %arg7[%dma_start3A_89, %dma_start3A_90] : memref<10016x64xf32, #tpu.memory_space<vmem_shared>> -> memref<10016x64xf32, #tpu.memory_space<vmem_shared>>
      tpu.enqueue_indirect_dma source(%arg10 : memref<128x64xf32, #tpu.memory_space<vmem>>) target(%dma_start3A_91 : memref<10016x64xf32, #tpu.memory_space<vmem_shared>>) offsets(%dma_start3A_88 : memref<128xi32, #tpu.memory_space<vmem>>) semaphore(%arg18 : memref<!tpu.dma_semaphore, #tpu.memory_space<semaphore_mem>>) {add = true}
      %dma_wait3A_92 = arith.constant 1 : i32
      %dma_wait3A_93 = arith.constant 0 : i32
      %dma_wait3A_94 = tpu.memref_slice %arg8[%dma_wait3A_92, %dma_wait3A_93] : memref<4x128xi32, #tpu.memory_space<vmem>> -> memref<1x128xi32, #tpu.memory_space<vmem>>
      %dma_wait3A_95 = tpu.memref_squeeze %dma_wait3A_94 : memref<1x128xi32, #tpu.memory_space<vmem>> -> memref<128xi32, #tpu.memory_space<vmem>>
      %dma_wait3A_96 = arith.constant 0 : i32
      %dma_wait3A_97 = arith.constant 0 : i32
      %dma_wait3A_98 = tpu.memref_slice %arg2[%dma_wait3A_96, %dma_wait3A_97] : memref<10008x64xf32, #tpu.memory_space<hbm>> -> memref<10008x64xf32, #tpu.memory_space<hbm>>
      tpu.wait_indirect_dma semaphore(%arg15 : memref<!tpu.dma_semaphore, #tpu.memory_space<semaphore_mem>>) src(%dma_wait3A_98 : memref<10008x64xf32, #tpu.memory_space<hbm>>) dst(%arg11 : memref<128x64xf32, #tpu.memory_space<vmem>>)
      %dma_start3A_99 = arith.constant 1 : i32
      %dma_start3A_100 = arith.constant 0 : i32
      %dma_start3A_101 = tpu.memref_slice %arg9[%dma_start3A_99, %dma_start3A_100] : memref<4x128xi32, #tpu.memory_space<vmem>> -> memref<1x128xi32, #tpu.memory_space<vmem>>
      %dma_start3A_102 = tpu.memref_squeeze %dma_start3A_101 : memref<1x128xi32, #tpu.memory_space<vmem>> -> memref<128xi32, #tpu.memory_space<vmem>>
      %dma_start3A_103 = arith.constant 0 : i32
      %dma_start3A_104 = arith.constant 0 : i32
      %dma_start3A_105 = tpu.memref_slice %arg7[%dma_start3A_103, %dma_start3A_104] : memref<10016x64xf32, #tpu.memory_space<vmem_shared>> -> memref<10016x64xf32, #tpu.memory_space<vmem_shared>>
      tpu.enqueue_indirect_dma source(%arg11 : memref<128x64xf32, #tpu.memory_space<vmem>>) target(%dma_start3A_105 : memref<10016x64xf32, #tpu.memory_space<vmem_shared>>) offsets(%dma_start3A_102 : memref<128xi32, #tpu.memory_space<vmem>>) semaphore(%arg19 : memref<!tpu.dma_semaphore, #tpu.memory_space<semaphore_mem>>) {add = true}
      %dma_wait3A_106 = arith.constant 2 : i32
      %dma_wait3A_107 = arith.constant 0 : i32
      %dma_wait3A_108 = tpu.memref_slice %arg8[%dma_wait3A_106, %dma_wait3A_107] : memref<4x128xi32, #tpu.memory_space<vmem>> -> memref<1x128xi32, #tpu.memory_space<vmem>>
      %dma_wait3A_109 = tpu.memref_squeeze %dma_wait3A_108 : memref<1x128xi32, #tpu.memory_space<vmem>> -> memref<128xi32, #tpu.memory_space<vmem>>
      %dma_wait3A_110 = arith.constant 0 : i32
      %dma_wait3A_111 = arith.constant 0 : i32
      %dma_wait3A_112 = tpu.memref_slice %arg2[%dma_wait3A_110, %dma_wait3A_111] : memref<10008x64xf32, #tpu.memory_space<hbm>> -> memref<10008x64xf32, #tpu.memory_space<hbm>>
      tpu.wait_indirect_dma semaphore(%arg16 : memref<!tpu.dma_semaphore, #tpu.memory_space<semaphore_mem>>) src(%dma_wait3A_112 : memref<10008x64xf32, #tpu.memory_space<hbm>>) dst(%arg12 : memref<128x64xf32, #tpu.memory_space<vmem>>)
      %dma_start3A_113 = arith.constant 2 : i32
      %dma_start3A_114 = arith.constant 0 : i32
      %dma_start3A_115 = tpu.memref_slice %arg9[%dma_start3A_113, %dma_start3A_114] : memref<4x128xi32, #tpu.memory_space<vmem>> -> memref<1x128xi32, #tpu.memory_space<vmem>>
      %dma_start3A_116 = tpu.memref_squeeze %dma_start3A_115 : memref<1x128xi32, #tpu.memory_space<vmem>> -> memref<128xi32, #tpu.memory_space<vmem>>
      %dma_start3A_117 = arith.constant 0 : i32
      %dma_start3A_118 = arith.constant 0 : i32
      %dma_start3A_119 = tpu.memref_slice %arg7[%dma_start3A_117, %dma_start3A_118] : memref<10016x64xf32, #tpu.memory_space<vmem_shared>> -> memref<10016x64xf32, #tpu.memory_space<vmem_shared>>
      tpu.enqueue_indirect_dma source(%arg12 : memref<128x64xf32, #tpu.memory_space<vmem>>) target(%dma_start3A_119 : memref<10016x64xf32, #tpu.memory_space<vmem_shared>>) offsets(%dma_start3A_116 : memref<128xi32, #tpu.memory_space<vmem>>) semaphore(%arg20 : memref<!tpu.dma_semaphore, #tpu.memory_space<semaphore_mem>>) {add = true}
      %dma_wait3A_120 = arith.constant 3 : i32
      %dma_wait3A_121 = arith.constant 0 : i32
      %dma_wait3A_122 = tpu.memref_slice %arg8[%dma_wait3A_120, %dma_wait3A_121] : memref<4x128xi32, #tpu.memory_space<vmem>> -> memref<1x128xi32, #tpu.memory_space<vmem>>
      %dma_wait3A_123 = tpu.memref_squeeze %dma_wait3A_122 : memref<1x128xi32, #tpu.memory_space<vmem>> -> memref<128xi32, #tpu.memory_space<vmem>>
      %dma_wait3A_124 = arith.constant 0 : i32
      %dma_wait3A_125 = arith.constant 0 : i32
      %dma_wait3A_126 = tpu.memref_slice %arg2[%dma_wait3A_124, %dma_wait3A_125] : memref<10008x64xf32, #tpu.memory_space<hbm>> -> memref<10008x64xf32, #tpu.memory_space<hbm>>
      tpu.wait_indirect_dma semaphore(%arg17 : memref<!tpu.dma_semaphore, #tpu.memory_space<semaphore_mem>>) src(%dma_wait3A_126 : memref<10008x64xf32, #tpu.memory_space<hbm>>) dst(%arg13 : memref<128x64xf32, #tpu.memory_space<vmem>>)
      %dma_start3A_127 = arith.constant 3 : i32
      %dma_start3A_128 = arith.constant 0 : i32
      %dma_start3A_129 = tpu.memref_slice %arg9[%dma_start3A_127, %dma_start3A_128] : memref<4x128xi32, #tpu.memory_space<vmem>> -> memref<1x128xi32, #tpu.memory_space<vmem>>
      %dma_start3A_130 = tpu.memref_squeeze %dma_start3A_129 : memref<1x128xi32, #tpu.memory_space<vmem>> -> memref<128xi32, #tpu.memory_space<vmem>>
      %dma_start3A_131 = arith.constant 0 : i32
      %dma_start3A_132 = arith.constant 0 : i32
      %dma_start3A_133 = tpu.memref_slice %arg7[%dma_start3A_131, %dma_start3A_132] : memref<10016x64xf32, #tpu.memory_space<vmem_shared>> -> memref<10016x64xf32, #tpu.memory_space<vmem_shared>>
      tpu.enqueue_indirect_dma source(%arg13 : memref<128x64xf32, #tpu.memory_space<vmem>>) target(%dma_start3A_133 : memref<10016x64xf32, #tpu.memory_space<vmem_shared>>) offsets(%dma_start3A_130 : memref<128xi32, #tpu.memory_space<vmem>>) semaphore(%arg21 : memref<!tpu.dma_semaphore, #tpu.memory_space<semaphore_mem>>) {add = true}
      %dma_wait3A_134 = arith.constant 0 : i32
      %dma_wait3A_135 = arith.constant 0 : i32
      %dma_wait3A_136 = tpu.memref_slice %arg9[%dma_wait3A_134, %dma_wait3A_135] : memref<4x128xi32, #tpu.memory_space<vmem>> -> memref<1x128xi32, #tpu.memory_space<vmem>>
      %dma_wait3A_137 = tpu.memref_squeeze %dma_wait3A_136 : memref<1x128xi32, #tpu.memory_space<vmem>> -> memref<128xi32, #tpu.memory_space<vmem>>
      %dma_wait3A_138 = arith.constant 0 : i32
      %dma_wait3A_139 = arith.constant 0 : i32
      %dma_wait3A_140 = tpu.memref_slice %arg7[%dma_wait3A_138, %dma_wait3A_139] : memref<10016x64xf32, #tpu.memory_space<vmem_shared>> -> memref<10016x64xf32, #tpu.memory_space<vmem_shared>>
      tpu.wait_indirect_dma semaphore(%arg18 : memref<!tpu.dma_semaphore, #tpu.memory_space<semaphore_mem>>) src(%arg10 : memref<128x64xf32, #tpu.memory_space<vmem>>) dst(%dma_wait3A_140 : memref<10016x64xf32, #tpu.memory_space<vmem_shared>>)
      %dma_wait3A_141 = arith.constant 1 : i32
      %dma_wait3A_142 = arith.constant 0 : i32
      %dma_wait3A_143 = tpu.memref_slice %arg9[%dma_wait3A_141, %dma_wait3A_142] : memref<4x128xi32, #tpu.memory_space<vmem>> -> memref<1x128xi32, #tpu.memory_space<vmem>>
      %dma_wait3A_144 = tpu.memref_squeeze %dma_wait3A_143 : memref<1x128xi32, #tpu.memory_space<vmem>> -> memref<128xi32, #tpu.memory_space<vmem>>
      %dma_wait3A_145 = arith.constant 0 : i32
      %dma_wait3A_146 = arith.constant 0 : i32
      %dma_wait3A_147 = tpu.memref_slice %arg7[%dma_wait3A_145, %dma_wait3A_146] : memref<10016x64xf32, #tpu.memory_space<vmem_shared>> -> memref<10016x64xf32, #tpu.memory_space<vmem_shared>>
      tpu.wait_indirect_dma semaphore(%arg19 : memref<!tpu.dma_semaphore, #tpu.memory_space<semaphore_mem>>) src(%arg11 : memref<128x64xf32, #tpu.memory_space<vmem>>) dst(%dma_wait3A_147 : memref<10016x64xf32, #tpu.memory_space<vmem_shared>>)
      %dma_wait3A_148 = arith.constant 2 : i32
      %dma_wait3A_149 = arith.constant 0 : i32
      %dma_wait3A_150 = tpu.memref_slice %arg9[%dma_wait3A_148, %dma_wait3A_149] : memref<4x128xi32, #tpu.memory_space<vmem>> -> memref<1x128xi32, #tpu.memory_space<vmem>>
      %dma_wait3A_151 = tpu.memref_squeeze %dma_wait3A_150 : memref<1x128xi32, #tpu.memory_space<vmem>> -> memref<128xi32, #tpu.memory_space<vmem>>
      %dma_wait3A_152 = arith.constant 0 : i32
      %dma_wait3A_153 = arith.constant 0 : i32
      %dma_wait3A_154 = tpu.memref_slice %arg7[%dma_wait3A_152, %dma_wait3A_153] : memref<10016x64xf32, #tpu.memory_space<vmem_shared>> -> memref<10016x64xf32, #tpu.memory_space<vmem_shared>>
      tpu.wait_indirect_dma semaphore(%arg20 : memref<!tpu.dma_semaphore, #tpu.memory_space<semaphore_mem>>) src(%arg12 : memref<128x64xf32, #tpu.memory_space<vmem>>) dst(%dma_wait3A_154 : memref<10016x64xf32, #tpu.memory_space<vmem_shared>>)
      %dma_wait3A_155 = arith.constant 3 : i32
      %dma_wait3A_156 = arith.constant 0 : i32
      %dma_wait3A_157 = tpu.memref_slice %arg9[%dma_wait3A_155, %dma_wait3A_156] : memref<4x128xi32, #tpu.memory_space<vmem>> -> memref<1x128xi32, #tpu.memory_space<vmem>>
      %dma_wait3A_158 = tpu.memref_squeeze %dma_wait3A_157 : memref<1x128xi32, #tpu.memory_space<vmem>> -> memref<128xi32, #tpu.memory_space<vmem>>
      %dma_wait3A_159 = arith.constant 0 : i32
      %dma_wait3A_160 = arith.constant 0 : i32
      %dma_wait3A_161 = tpu.memref_slice %arg7[%dma_wait3A_159, %dma_wait3A_160] : memref<10016x64xf32, #tpu.memory_space<vmem_shared>> -> memref<10016x64xf32, #tpu.memory_space<vmem_shared>>
      tpu.wait_indirect_dma semaphore(%arg21 : memref<!tpu.dma_semaphore, #tpu.memory_space<semaphore_mem>>) src(%arg13 : memref<128x64xf32, #tpu.memory_space<vmem>>) dst(%dma_wait3A_161 : memref<10016x64xf32, #tpu.memory_space<vmem_shared>>)
    }
    %while3A_35 = arith.constant 1 : i32
    scf.for %while3A_45 = %while3A_33 to %while3A_29 step %while3A_35  : i32 {
      %mul3A_46 = arith.constant 4 : i32
      %mul3A_47 = arith.muli %mul3A_46, %while3A_45 : i32
      %add3A_48 = arith.addi %add3A, %mul3A_47 : i32
      "tpu.region"() ({
        %run_scoped3A = tpu.sem_alloc : memref<!tpu.dma_semaphore, #tpu.memory_space<semaphore_mem>>
        %dma_start3A_162 = arith.constant 0 : i32
        %dma_start3A_163 = tpu.memref_slice %arg3[%add3A_48, %dma_start3A_162] : memref<1280x128xi32, #tpu.memory_space<hbm>> -> memref<4x128xi32, #tpu.memory_space<hbm>>
        %dma_start3A_164 = arith.constant 0 : i32
        %dma_start3A_165 = tpu.memref_slice %arg3[%add3A_48, %dma_start3A_164] : memref<1280x128xi32, #tpu.memory_space<hbm>> -> memref<4x128xi32, #tpu.memory_space<hbm>>
        tpu.enqueue_dma source(%dma_start3A_165 : memref<4x128xi32, #tpu.memory_space<hbm>>) target(%arg8 : memref<4x128xi32, #tpu.memory_space<vmem>>) target_semaphore(%run_scoped3A : memref<!tpu.dma_semaphore, #tpu.memory_space<semaphore_mem>>)
        %dma_wait3A_166 = arith.constant 0 : i32
        %dma_wait3A_167 = tpu.memref_slice %arg3[%add3A_48, %dma_wait3A_166] : memref<1280x128xi32, #tpu.memory_space<hbm>> -> memref<4x128xi32, #tpu.memory_space<hbm>>
        %dma_wait3A_168 = arith.constant 0 : i32
        %dma_wait3A_169 = tpu.memref_slice %arg3[%add3A_48, %dma_wait3A_168] : memref<1280x128xi32, #tpu.memory_space<hbm>> -> memref<4x128xi32, #tpu.memory_space<hbm>>
        tpu.wait_dma2 semaphore(%run_scoped3A : memref<!tpu.dma_semaphore, #tpu.memory_space<semaphore_mem>>) src(%dma_wait3A_169 : memref<4x128xi32, #tpu.memory_space<hbm>>) dst(%arg8 : memref<4x128xi32, #tpu.memory_space<vmem>>)
        tpu.yield
      }) : () -> ()
      %mul3A_49 = arith.constant 4 : i32
      %mul3A_50 = arith.muli %mul3A_49, %while3A_45 : i32
      %add3A_51 = arith.addi %add3A, %mul3A_50 : i32
      "tpu.region"() ({
        %run_scoped3A = tpu.sem_alloc : memref<!tpu.dma_semaphore, #tpu.memory_space<semaphore_mem>>
        %dma_start3A_162 = arith.constant 0 : i32
        %dma_start3A_163 = tpu.memref_slice %arg4[%add3A_51, %dma_start3A_162] : memref<1280x128xi32, #tpu.memory_space<hbm>> -> memref<4x128xi32, #tpu.memory_space<hbm>>
        %dma_start3A_164 = arith.constant 0 : i32
        %dma_start3A_165 = tpu.memref_slice %arg4[%add3A_51, %dma_start3A_164] : memref<1280x128xi32, #tpu.memory_space<hbm>> -> memref<4x128xi32, #tpu.memory_space<hbm>>
        tpu.enqueue_dma source(%dma_start3A_165 : memref<4x128xi32, #tpu.memory_space<hbm>>) target(%arg9 : memref<4x128xi32, #tpu.memory_space<vmem>>) target_semaphore(%run_scoped3A : memref<!tpu.dma_semaphore, #tpu.memory_space<semaphore_mem>>)
        %dma_wait3A_166 = arith.constant 0 : i32
        %dma_wait3A_167 = tpu.memref_slice %arg4[%add3A_51, %dma_wait3A_166] : memref<1280x128xi32, #tpu.memory_space<hbm>> -> memref<4x128xi32, #tpu.memory_space<hbm>>
        %dma_wait3A_168 = arith.constant 0 : i32
        %dma_wait3A_169 = tpu.memref_slice %arg4[%add3A_51, %dma_wait3A_168] : memref<1280x128xi32, #tpu.memory_space<hbm>> -> memref<4x128xi32, #tpu.memory_space<hbm>>
        tpu.wait_dma2 semaphore(%run_scoped3A : memref<!tpu.dma_semaphore, #tpu.memory_space<semaphore_mem>>) src(%dma_wait3A_169 : memref<4x128xi32, #tpu.memory_space<hbm>>) dst(%arg9 : memref<4x128xi32, #tpu.memory_space<vmem>>)
        tpu.yield
      }) : () -> ()
      %dma_start3A = arith.constant 0 : i32
      %dma_start3A_52 = arith.constant 0 : i32
      %dma_start3A_53 = tpu.memref_slice %arg8[%dma_start3A, %dma_start3A_52] : memref<4x128xi32, #tpu.memory_space<vmem>> -> memref<1x128xi32, #tpu.memory_space<vmem>>
      %dma_start3A_54 = tpu.memref_squeeze %dma_start3A_53 : memref<1x128xi32, #tpu.memory_space<vmem>> -> memref<128xi32, #tpu.memory_space<vmem>>
      %dma_start3A_55 = arith.constant 0 : i32
      %dma_start3A_56 = arith.constant 0 : i32
      %dma_start3A_57 = tpu.memref_slice %arg2[%dma_start3A_55, %dma_start3A_56] : memref<10008x64xf32, #tpu.memory_space<hbm>> -> memref<10008x64xf32, #tpu.memory_space<hbm>>
      tpu.enqueue_indirect_dma source(%dma_start3A_57 : memref<10008x64xf32, #tpu.memory_space<hbm>>) target(%arg10 : memref<128x64xf32, #tpu.memory_space<vmem>>) offsets(%dma_start3A_54 : memref<128xi32, #tpu.memory_space<vmem>>) semaphore(%arg14 : memref<!tpu.dma_semaphore, #tpu.memory_space<semaphore_mem>>)
      %dma_start3A_58 = arith.constant 1 : i32
      %dma_start3A_59 = arith.constant 0 : i32
      %dma_start3A_60 = tpu.memref_slice %arg8[%dma_start3A_58, %dma_start3A_59] : memref<4x128xi32, #tpu.memory_space<vmem>> -> memref<1x128xi32, #tpu.memory_space<vmem>>
      %dma_start3A_61 = tpu.memref_squeeze %dma_start3A_60 : memref<1x128xi32, #tpu.memory_space<vmem>> -> memref<128xi32, #tpu.memory_space<vmem>>
      %dma_start3A_62 = arith.constant 0 : i32
      %dma_start3A_63 = arith.constant 0 : i32
      %dma_start3A_64 = tpu.memref_slice %arg2[%dma_start3A_62, %dma_start3A_63] : memref<10008x64xf32, #tpu.memory_space<hbm>> -> memref<10008x64xf32, #tpu.memory_space<hbm>>
      tpu.enqueue_indirect_dma source(%dma_start3A_64 : memref<10008x64xf32, #tpu.memory_space<hbm>>) target(%arg11 : memref<128x64xf32, #tpu.memory_space<vmem>>) offsets(%dma_start3A_61 : memref<128xi32, #tpu.memory_space<vmem>>) semaphore(%arg15 : memref<!tpu.dma_semaphore, #tpu.memory_space<semaphore_mem>>)
      %dma_start3A_65 = arith.constant 2 : i32
      %dma_start3A_66 = arith.constant 0 : i32
      %dma_start3A_67 = tpu.memref_slice %arg8[%dma_start3A_65, %dma_start3A_66] : memref<4x128xi32, #tpu.memory_space<vmem>> -> memref<1x128xi32, #tpu.memory_space<vmem>>
      %dma_start3A_68 = tpu.memref_squeeze %dma_start3A_67 : memref<1x128xi32, #tpu.memory_space<vmem>> -> memref<128xi32, #tpu.memory_space<vmem>>
      %dma_start3A_69 = arith.constant 0 : i32
      %dma_start3A_70 = arith.constant 0 : i32
      %dma_start3A_71 = tpu.memref_slice %arg2[%dma_start3A_69, %dma_start3A_70] : memref<10008x64xf32, #tpu.memory_space<hbm>> -> memref<10008x64xf32, #tpu.memory_space<hbm>>
      tpu.enqueue_indirect_dma source(%dma_start3A_71 : memref<10008x64xf32, #tpu.memory_space<hbm>>) target(%arg12 : memref<128x64xf32, #tpu.memory_space<vmem>>) offsets(%dma_start3A_68 : memref<128xi32, #tpu.memory_space<vmem>>) semaphore(%arg16 : memref<!tpu.dma_semaphore, #tpu.memory_space<semaphore_mem>>)
      %dma_start3A_72 = arith.constant 3 : i32
      %dma_start3A_73 = arith.constant 0 : i32
      %dma_start3A_74 = tpu.memref_slice %arg8[%dma_start3A_72, %dma_start3A_73] : memref<4x128xi32, #tpu.memory_space<vmem>> -> memref<1x128xi32, #tpu.memory_space<vmem>>
      %dma_start3A_75 = tpu.memref_squeeze %dma_start3A_74 : memref<1x128xi32, #tpu.memory_space<vmem>> -> memref<128xi32, #tpu.memory_space<vmem>>
      %dma_start3A_76 = arith.constant 0 : i32
      %dma_start3A_77 = arith.constant 0 : i32
      %dma_start3A_78 = tpu.memref_slice %arg2[%dma_start3A_76, %dma_start3A_77] : memref<10008x64xf32, #tpu.memory_space<hbm>> -> memref<10008x64xf32, #tpu.memory_space<hbm>>
      tpu.enqueue_indirect_dma source(%dma_start3A_78 : memref<10008x64xf32, #tpu.memory_space<hbm>>) target(%arg13 : memref<128x64xf32, #tpu.memory_space<vmem>>) offsets(%dma_start3A_75 : memref<128xi32, #tpu.memory_space<vmem>>) semaphore(%arg17 : memref<!tpu.dma_semaphore, #tpu.memory_space<semaphore_mem>>)
      %dma_wait3A = arith.constant 0 : i32
      %dma_wait3A_79 = arith.constant 0 : i32
      %dma_wait3A_80 = tpu.memref_slice %arg8[%dma_wait3A, %dma_wait3A_79] : memref<4x128xi32, #tpu.memory_space<vmem>> -> memref<1x128xi32, #tpu.memory_space<vmem>>
      %dma_wait3A_81 = tpu.memref_squeeze %dma_wait3A_80 : memref<1x128xi32, #tpu.memory_space<vmem>> -> memref<128xi32, #tpu.memory_space<vmem>>
      %dma_wait3A_82 = arith.constant 0 : i32
      %dma_wait3A_83 = arith.constant 0 : i32
      %dma_wait3A_84 = tpu.memref_slice %arg2[%dma_wait3A_82, %dma_wait3A_83] : memref<10008x64xf32, #tpu.memory_space<hbm>> -> memref<10008x64xf32, #tpu.memory_space<hbm>>
      tpu.wait_indirect_dma semaphore(%arg14 : memref<!tpu.dma_semaphore, #tpu.memory_space<semaphore_mem>>) src(%dma_wait3A_84 : memref<10008x64xf32, #tpu.memory_space<hbm>>) dst(%arg10 : memref<128x64xf32, #tpu.memory_space<vmem>>)
      %dma_start3A_85 = arith.constant 0 : i32
      %dma_start3A_86 = arith.constant 0 : i32
      %dma_start3A_87 = tpu.memref_slice %arg9[%dma_start3A_85, %dma_start3A_86] : memref<4x128xi32, #tpu.memory_space<vmem>> -> memref<1x128xi32, #tpu.memory_space<vmem>>
      %dma_start3A_88 = tpu.memref_squeeze %dma_start3A_87 : memref<1x128xi32, #tpu.memory_space<vmem>> -> memref<128xi32, #tpu.memory_space<vmem>>
      %dma_start3A_89 = arith.constant 0 : i32
      %dma_start3A_90 = arith.constant 0 : i32
      %dma_start3A_91 = tpu.memref_slice %arg7[%dma_start3A_89, %dma_start3A_90] : memref<10016x64xf32, #tpu.memory_space<vmem_shared>> -> memref<10016x64xf32, #tpu.memory_space<vmem_shared>>
      tpu.enqueue_indirect_dma source(%arg10 : memref<128x64xf32, #tpu.memory_space<vmem>>) target(%dma_start3A_91 : memref<10016x64xf32, #tpu.memory_space<vmem_shared>>) offsets(%dma_start3A_88 : memref<128xi32, #tpu.memory_space<vmem>>) semaphore(%arg18 : memref<!tpu.dma_semaphore, #tpu.memory_space<semaphore_mem>>) {add = true}
      %dma_wait3A_92 = arith.constant 1 : i32
      %dma_wait3A_93 = arith.constant 0 : i32
      %dma_wait3A_94 = tpu.memref_slice %arg8[%dma_wait3A_92, %dma_wait3A_93] : memref<4x128xi32, #tpu.memory_space<vmem>> -> memref<1x128xi32, #tpu.memory_space<vmem>>
      %dma_wait3A_95 = tpu.memref_squeeze %dma_wait3A_94 : memref<1x128xi32, #tpu.memory_space<vmem>> -> memref<128xi32, #tpu.memory_space<vmem>>
      %dma_wait3A_96 = arith.constant 0 : i32
      %dma_wait3A_97 = arith.constant 0 : i32
      %dma_wait3A_98 = tpu.memref_slice %arg2[%dma_wait3A_96, %dma_wait3A_97] : memref<10008x64xf32, #tpu.memory_space<hbm>> -> memref<10008x64xf32, #tpu.memory_space<hbm>>
      tpu.wait_indirect_dma semaphore(%arg15 : memref<!tpu.dma_semaphore, #tpu.memory_space<semaphore_mem>>) src(%dma_wait3A_98 : memref<10008x64xf32, #tpu.memory_space<hbm>>) dst(%arg11 : memref<128x64xf32, #tpu.memory_space<vmem>>)
      %dma_start3A_99 = arith.constant 1 : i32
      %dma_start3A_100 = arith.constant 0 : i32
      %dma_start3A_101 = tpu.memref_slice %arg9[%dma_start3A_99, %dma_start3A_100] : memref<4x128xi32, #tpu.memory_space<vmem>> -> memref<1x128xi32, #tpu.memory_space<vmem>>
      %dma_start3A_102 = tpu.memref_squeeze %dma_start3A_101 : memref<1x128xi32, #tpu.memory_space<vmem>> -> memref<128xi32, #tpu.memory_space<vmem>>
      %dma_start3A_103 = arith.constant 0 : i32
      %dma_start3A_104 = arith.constant 0 : i32
      %dma_start3A_105 = tpu.memref_slice %arg7[%dma_start3A_103, %dma_start3A_104] : memref<10016x64xf32, #tpu.memory_space<vmem_shared>> -> memref<10016x64xf32, #tpu.memory_space<vmem_shared>>
      tpu.enqueue_indirect_dma source(%arg11 : memref<128x64xf32, #tpu.memory_space<vmem>>) target(%dma_start3A_105 : memref<10016x64xf32, #tpu.memory_space<vmem_shared>>) offsets(%dma_start3A_102 : memref<128xi32, #tpu.memory_space<vmem>>) semaphore(%arg19 : memref<!tpu.dma_semaphore, #tpu.memory_space<semaphore_mem>>) {add = true}
      %dma_wait3A_106 = arith.constant 2 : i32
      %dma_wait3A_107 = arith.constant 0 : i32
      %dma_wait3A_108 = tpu.memref_slice %arg8[%dma_wait3A_106, %dma_wait3A_107] : memref<4x128xi32, #tpu.memory_space<vmem>> -> memref<1x128xi32, #tpu.memory_space<vmem>>
      %dma_wait3A_109 = tpu.memref_squeeze %dma_wait3A_108 : memref<1x128xi32, #tpu.memory_space<vmem>> -> memref<128xi32, #tpu.memory_space<vmem>>
      %dma_wait3A_110 = arith.constant 0 : i32
      %dma_wait3A_111 = arith.constant 0 : i32
      %dma_wait3A_112 = tpu.memref_slice %arg2[%dma_wait3A_110, %dma_wait3A_111] : memref<10008x64xf32, #tpu.memory_space<hbm>> -> memref<10008x64xf32, #tpu.memory_space<hbm>>
      tpu.wait_indirect_dma semaphore(%arg16 : memref<!tpu.dma_semaphore, #tpu.memory_space<semaphore_mem>>) src(%dma_wait3A_112 : memref<10008x64xf32, #tpu.memory_space<hbm>>) dst(%arg12 : memref<128x64xf32, #tpu.memory_space<vmem>>)
      %dma_start3A_113 = arith.constant 2 : i32
      %dma_start3A_114 = arith.constant 0 : i32
      %dma_start3A_115 = tpu.memref_slice %arg9[%dma_start3A_113, %dma_start3A_114] : memref<4x128xi32, #tpu.memory_space<vmem>> -> memref<1x128xi32, #tpu.memory_space<vmem>>
      %dma_start3A_116 = tpu.memref_squeeze %dma_start3A_115 : memref<1x128xi32, #tpu.memory_space<vmem>> -> memref<128xi32, #tpu.memory_space<vmem>>
      %dma_start3A_117 = arith.constant 0 : i32
      %dma_start3A_118 = arith.constant 0 : i32
      %dma_start3A_119 = tpu.memref_slice %arg7[%dma_start3A_117, %dma_start3A_118] : memref<10016x64xf32, #tpu.memory_space<vmem_shared>> -> memref<10016x64xf32, #tpu.memory_space<vmem_shared>>
      tpu.enqueue_indirect_dma source(%arg12 : memref<128x64xf32, #tpu.memory_space<vmem>>) target(%dma_start3A_119 : memref<10016x64xf32, #tpu.memory_space<vmem_shared>>) offsets(%dma_start3A_116 : memref<128xi32, #tpu.memory_space<vmem>>) semaphore(%arg20 : memref<!tpu.dma_semaphore, #tpu.memory_space<semaphore_mem>>) {add = true}
      %dma_wait3A_120 = arith.constant 3 : i32
      %dma_wait3A_121 = arith.constant 0 : i32
      %dma_wait3A_122 = tpu.memref_slice %arg8[%dma_wait3A_120, %dma_wait3A_121] : memref<4x128xi32, #tpu.memory_space<vmem>> -> memref<1x128xi32, #tpu.memory_space<vmem>>
      %dma_wait3A_123 = tpu.memref_squeeze %dma_wait3A_122 : memref<1x128xi32, #tpu.memory_space<vmem>> -> memref<128xi32, #tpu.memory_space<vmem>>
      %dma_wait3A_124 = arith.constant 0 : i32
      %dma_wait3A_125 = arith.constant 0 : i32
      %dma_wait3A_126 = tpu.memref_slice %arg2[%dma_wait3A_124, %dma_wait3A_125] : memref<10008x64xf32, #tpu.memory_space<hbm>> -> memref<10008x64xf32, #tpu.memory_space<hbm>>
      tpu.wait_indirect_dma semaphore(%arg17 : memref<!tpu.dma_semaphore, #tpu.memory_space<semaphore_mem>>) src(%dma_wait3A_126 : memref<10008x64xf32, #tpu.memory_space<hbm>>) dst(%arg13 : memref<128x64xf32, #tpu.memory_space<vmem>>)
      %dma_start3A_127 = arith.constant 3 : i32
      %dma_start3A_128 = arith.constant 0 : i32
      %dma_start3A_129 = tpu.memref_slice %arg9[%dma_start3A_127, %dma_start3A_128] : memref<4x128xi32, #tpu.memory_space<vmem>> -> memref<1x128xi32, #tpu.memory_space<vmem>>
      %dma_start3A_130 = tpu.memref_squeeze %dma_start3A_129 : memref<1x128xi32, #tpu.memory_space<vmem>> -> memref<128xi32, #tpu.memory_space<vmem>>
      %dma_start3A_131 = arith.constant 0 : i32
      %dma_start3A_132 = arith.constant 0 : i32
      %dma_start3A_133 = tpu.memref_slice %arg7[%dma_start3A_131, %dma_start3A_132] : memref<10016x64xf32, #tpu.memory_space<vmem_shared>> -> memref<10016x64xf32, #tpu.memory_space<vmem_shared>>
      tpu.enqueue_indirect_dma source(%arg13 : memref<128x64xf32, #tpu.memory_space<vmem>>) target(%dma_start3A_133 : memref<10016x64xf32, #tpu.memory_space<vmem_shared>>) offsets(%dma_start3A_130 : memref<128xi32, #tpu.memory_space<vmem>>) semaphore(%arg21 : memref<!tpu.dma_semaphore, #tpu.memory_space<semaphore_mem>>) {add = true}
      %dma_wait3A_134 = arith.constant 0 : i32
      %dma_wait3A_135 = arith.constant 0 : i32
      %dma_wait3A_136 = tpu.memref_slice %arg9[%dma_wait3A_134, %dma_wait3A_135] : memref<4x128xi32, #tpu.memory_space<vmem>> -> memref<1x128xi32, #tpu.memory_space<vmem>>
      %dma_wait3A_137 = tpu.memref_squeeze %dma_wait3A_136 : memref<1x128xi32, #tpu.memory_space<vmem>> -> memref<128xi32, #tpu.memory_space<vmem>>
      %dma_wait3A_138 = arith.constant 0 : i32
      %dma_wait3A_139 = arith.constant 0 : i32
      %dma_wait3A_140 = tpu.memref_slice %arg7[%dma_wait3A_138, %dma_wait3A_139] : memref<10016x64xf32, #tpu.memory_space<vmem_shared>> -> memref<10016x64xf32, #tpu.memory_space<vmem_shared>>
      tpu.wait_indirect_dma semaphore(%arg18 : memref<!tpu.dma_semaphore, #tpu.memory_space<semaphore_mem>>) src(%arg10 : memref<128x64xf32, #tpu.memory_space<vmem>>) dst(%dma_wait3A_140 : memref<10016x64xf32, #tpu.memory_space<vmem_shared>>)
      %dma_wait3A_141 = arith.constant 1 : i32
      %dma_wait3A_142 = arith.constant 0 : i32
      %dma_wait3A_143 = tpu.memref_slice %arg9[%dma_wait3A_141, %dma_wait3A_142] : memref<4x128xi32, #tpu.memory_space<vmem>> -> memref<1x128xi32, #tpu.memory_space<vmem>>
      %dma_wait3A_144 = tpu.memref_squeeze %dma_wait3A_143 : memref<1x128xi32, #tpu.memory_space<vmem>> -> memref<128xi32, #tpu.memory_space<vmem>>
      %dma_wait3A_145 = arith.constant 0 : i32
      %dma_wait3A_146 = arith.constant 0 : i32
      %dma_wait3A_147 = tpu.memref_slice %arg7[%dma_wait3A_145, %dma_wait3A_146] : memref<10016x64xf32, #tpu.memory_space<vmem_shared>> -> memref<10016x64xf32, #tpu.memory_space<vmem_shared>>
      tpu.wait_indirect_dma semaphore(%arg19 : memref<!tpu.dma_semaphore, #tpu.memory_space<semaphore_mem>>) src(%arg11 : memref<128x64xf32, #tpu.memory_space<vmem>>) dst(%dma_wait3A_147 : memref<10016x64xf32, #tpu.memory_space<vmem_shared>>)
      %dma_wait3A_148 = arith.constant 2 : i32
      %dma_wait3A_149 = arith.constant 0 : i32
      %dma_wait3A_150 = tpu.memref_slice %arg9[%dma_wait3A_148, %dma_wait3A_149] : memref<4x128xi32, #tpu.memory_space<vmem>> -> memref<1x128xi32, #tpu.memory_space<vmem>>
      %dma_wait3A_151 = tpu.memref_squeeze %dma_wait3A_150 : memref<1x128xi32, #tpu.memory_space<vmem>> -> memref<128xi32, #tpu.memory_space<vmem>>
      %dma_wait3A_152 = arith.constant 0 : i32
      %dma_wait3A_153 = arith.constant 0 : i32
      %dma_wait3A_154 = tpu.memref_slice %arg7[%dma_wait3A_152, %dma_wait3A_153] : memref<10016x64xf32, #tpu.memory_space<vmem_shared>> -> memref<10016x64xf32, #tpu.memory_space<vmem_shared>>
      tpu.wait_indirect_dma semaphore(%arg20 : memref<!tpu.dma_semaphore, #tpu.memory_space<semaphore_mem>>) src(%arg12 : memref<128x64xf32, #tpu.memory_space<vmem>>) dst(%dma_wait3A_154 : memref<10016x64xf32, #tpu.memory_space<vmem_shared>>)
      %dma_wait3A_155 = arith.constant 3 : i32
      %dma_wait3A_156 = arith.constant 0 : i32
      %dma_wait3A_157 = tpu.memref_slice %arg9[%dma_wait3A_155, %dma_wait3A_156] : memref<4x128xi32, #tpu.memory_space<vmem>> -> memref<1x128xi32, #tpu.memory_space<vmem>>
      %dma_wait3A_158 = tpu.memref_squeeze %dma_wait3A_157 : memref<1x128xi32, #tpu.memory_space<vmem>> -> memref<128xi32, #tpu.memory_space<vmem>>
      %dma_wait3A_159 = arith.constant 0 : i32
      %dma_wait3A_160 = arith.constant 0 : i32
      %dma_wait3A_161 = tpu.memref_slice %arg7[%dma_wait3A_159, %dma_wait3A_160] : memref<10016x64xf32, #tpu.memory_space<vmem_shared>> -> memref<10016x64xf32, #tpu.memory_space<vmem_shared>>
      tpu.wait_indirect_dma semaphore(%arg21 : memref<!tpu.dma_semaphore, #tpu.memory_space<semaphore_mem>>) src(%arg13 : memref<128x64xf32, #tpu.memory_space<vmem>>) dst(%dma_wait3A_161 : memref<10016x64xf32, #tpu.memory_space<vmem_shared>>)
    }
    %barrier3A_36 = arith.constant 0 : index
    tpu.barrier barrier_id(%barrier3A_36)
    %mul3A_37 = arith.constant 10000 : i32
    %mul3A_38 = arith.muli %arg0, %mul3A_37 : i32
    %add3A_39 = arith.addi %mul3A_38, %mul3A_0 : i32
    "tpu.region"() ({
      %run_scoped3A = tpu.sem_alloc : memref<!tpu.dma_semaphore, #tpu.memory_space<semaphore_mem>>
      %dma_start3A = arith.constant 0 : i32
      %dma_start3A_45 = tpu.memref_slice %arg6[%add3A_39, %dma_start3A] : memref<20000x64xf32, #tpu.memory_space<hbm>> -> memref<624x64xf32, #tpu.memory_space<hbm>>
      %dma_start3A_46 = arith.constant 0 : i32
      %dma_start3A_47 = tpu.memref_slice %arg7[%mul3A_0, %dma_start3A_46] : memref<10016x64xf32, #tpu.memory_space<vmem_shared>> -> memref<624x64xf32, #tpu.memory_space<vmem_shared>>
      tpu.enqueue_dma source(%dma_start3A_47 : memref<624x64xf32, #tpu.memory_space<vmem_shared>>) target(%dma_start3A_45 : memref<624x64xf32, #tpu.memory_space<hbm>>) target_semaphore(%run_scoped3A : memref<!tpu.dma_semaphore, #tpu.memory_space<semaphore_mem>>)
      %dma_wait3A = arith.constant 0 : i32
      %dma_wait3A_48 = tpu.memref_slice %arg6[%add3A_39, %dma_wait3A] : memref<20000x64xf32, #tpu.memory_space<hbm>> -> memref<624x64xf32, #tpu.memory_space<hbm>>
      %dma_wait3A_49 = arith.constant 0 : i32
      %dma_wait3A_50 = tpu.memref_slice %arg7[%mul3A_0, %dma_wait3A_49] : memref<10016x64xf32, #tpu.memory_space<vmem_shared>> -> memref<624x64xf32, #tpu.memory_space<vmem_shared>>
      tpu.wait_dma2 semaphore(%run_scoped3A : memref<!tpu.dma_semaphore, #tpu.memory_space<semaphore_mem>>) src(%dma_wait3A_50 : memref<624x64xf32, #tpu.memory_space<vmem_shared>>) dst(%dma_wait3A_48 : memref<624x64xf32, #tpu.memory_space<hbm>>)
      tpu.yield
    }) : () -> ()
    %eq3A_40 = arith.constant 15 : i32
    %eq3A_41 = arith.cmpi eq, %arg1, %eq3A_40 : i32
    %convert_element_type3A_42 = arith.extui %eq3A_41 : i1 to i32
    %cond3A_43 = arith.constant 0 : i32
    %cond3A_44 = arith.cmpi ne, %convert_element_type3A_42, %cond3A_43 : i32
    scf.if %cond3A_44 {
      %mul3A_45 = arith.constant 10000 : i32
      %mul3A_46 = arith.muli %arg0, %mul3A_45 : i32
      %add3A_47 = arith.constant 9984 : i32
      %add3A_48 = arith.addi %mul3A_46, %add3A_47 : i32
      "tpu.region"() ({
        %run_scoped3A = tpu.sem_alloc : memref<!tpu.dma_semaphore, #tpu.memory_space<semaphore_mem>>
        %dma_start3A = arith.constant 0 : i32
        %dma_start3A_49 = tpu.memref_slice %arg6[%add3A_48, %dma_start3A] : memref<20000x64xf32, #tpu.memory_space<hbm>> -> memref<16x64xf32, #tpu.memory_space<hbm>>
        %dma_start3A_50 = arith.constant 9984 : i32
        %dma_start3A_51 = arith.constant 0 : i32
        %dma_start3A_52 = tpu.memref_slice %arg7[%dma_start3A_50, %dma_start3A_51] : memref<10016x64xf32, #tpu.memory_space<vmem_shared>> -> memref<16x64xf32, #tpu.memory_space<vmem_shared>>
        tpu.enqueue_dma source(%dma_start3A_52 : memref<16x64xf32, #tpu.memory_space<vmem_shared>>) target(%dma_start3A_49 : memref<16x64xf32, #tpu.memory_space<hbm>>) target_semaphore(%run_scoped3A : memref<!tpu.dma_semaphore, #tpu.memory_space<semaphore_mem>>)
        %dma_wait3A = arith.constant 0 : i32
        %dma_wait3A_53 = tpu.memref_slice %arg6[%add3A_48, %dma_wait3A] : memref<20000x64xf32, #tpu.memory_space<hbm>> -> memref<16x64xf32, #tpu.memory_space<hbm>>
        %dma_wait3A_54 = arith.constant 9984 : i32
        %dma_wait3A_55 = arith.constant 0 : i32
        %dma_wait3A_56 = tpu.memref_slice %arg7[%dma_wait3A_54, %dma_wait3A_55] : memref<10016x64xf32, #tpu.memory_space<vmem_shared>> -> memref<16x64xf32, #tpu.memory_space<vmem_shared>>
        tpu.wait_dma2 semaphore(%run_scoped3A : memref<!tpu.dma_semaphore, #tpu.memory_space<semaphore_mem>>) src(%dma_wait3A_56 : memref<16x64xf32, #tpu.memory_space<vmem_shared>>) dst(%dma_wait3A_53 : memref<16x64xf32, #tpu.memory_space<hbm>>)
        tpu.yield
      }) : () -> ()
    } else {
    }
    return
  }
}

#map = affine_map<(d0, d1) -> (0, 0)>
module attributes {stable_mosaic.version = 14 : i64} {
  func.func @body(%arg0: i32, %arg1: i32, %arg2: memref<10008x32xf32, #tpu.memory_space<hbm>>, %arg3: memref<1280x128xi32, #tpu.memory_space<hbm>>, %arg4: memref<1280x128xi32, #tpu.memory_space<hbm>>, %arg5: memref<10000x32xf32, #tpu.memory_space<hbm>>, %arg6: memref<20000x32xf32, #tpu.memory_space<hbm>>, %arg7: memref<10016x32xf32, #tpu.memory_space<vmem_shared>>, %arg8: memref<4x128xi32, #tpu.memory_space<vmem>>, %arg9: memref<4x128xi32, #tpu.memory_space<vmem>>, %arg10: memref<128x32xf32, #tpu.memory_space<vmem>>, %arg11: memref<128x32xf32, #tpu.memory_space<vmem>>, %arg12: memref<128x32xf32, #tpu.memory_space<vmem>>, %arg13: memref<128x32xf32, #tpu.memory_space<vmem>>, %arg14: memref<!tpu.dma_semaphore, #tpu.memory_space<semaphore_mem>>, %arg15: memref<!tpu.dma_semaphore, #tpu.memory_space<semaphore_mem>>, %arg16: memref<!tpu.dma_semaphore, #tpu.memory_space<semaphore_mem>>, %arg17: memref<!tpu.dma_semaphore, #tpu.memory_space<semaphore_mem>>, %arg18: memref<!tpu.dma_semaphore, #tpu.memory_space<semaphore_mem>>, %arg19: memref<!tpu.dma_semaphore, #tpu.memory_space<semaphore_mem>>, %arg20: memref<!tpu.dma_semaphore, #tpu.memory_space<semaphore_mem>>, %arg21: memref<!tpu.dma_semaphore, #tpu.memory_space<semaphore_mem>>) attributes {dimension_semantics = [#tpu.dimension_semantics<core_parallel>, #tpu.dimension_semantics<subcore_parallel>], iteration_bounds = array<i64: 2, 16>, scalar_prefetch = 0 : i64, scratch_operands = 15 : i64, tpu.core_type = #tpu.core_type<sc_vector_subcore>, window_params = [{transform_indices = #map}, {transform_indices = #map}, {transform_indices = #map}, {transform_indices = #map}, {transform_indices = #map}]} {
    %mul3A = arith.constant 624 : i32
    %mul3A_0 = arith.muli %arg1, %mul3A : i32
    "tpu.region"() ({
      %run_scoped3A = tpu.sem_alloc : memref<!tpu.dma_semaphore, #tpu.memory_space<semaphore_mem>>
      %dma_start3A = arith.constant 0 : i32
      %dma_start3A_45 = tpu.memref_slice %arg7[%mul3A_0, %dma_start3A] : memref<10016x32xf32, #tpu.memory_space<vmem_shared>> -> memref<624x32xf32, #tpu.memory_space<vmem_shared>>
      %dma_start3A_46 = arith.constant 0 : i32
      %dma_start3A_47 = tpu.memref_slice %arg5[%mul3A_0, %dma_start3A_46] : memref<10000x32xf32, #tpu.memory_space<hbm>> -> memref<624x32xf32, #tpu.memory_space<hbm>>
      tpu.enqueue_dma source(%dma_start3A_47 : memref<624x32xf32, #tpu.memory_space<hbm>>) target(%dma_start3A_45 : memref<624x32xf32, #tpu.memory_space<vmem_shared>>) target_semaphore(%run_scoped3A : memref<!tpu.dma_semaphore, #tpu.memory_space<semaphore_mem>>)
      %dma_wait3A = arith.constant 0 : i32
      %dma_wait3A_48 = tpu.memref_slice %arg7[%mul3A_0, %dma_wait3A] : memref<10016x32xf32, #tpu.memory_space<vmem_shared>> -> memref<624x32xf32, #tpu.memory_space<vmem_shared>>
      %dma_wait3A_49 = arith.constant 0 : i32
      %dma_wait3A_50 = tpu.memref_slice %arg5[%mul3A_0, %dma_wait3A_49] : memref<10000x32xf32, #tpu.memory_space<hbm>> -> memref<624x32xf32, #tpu.memory_space<hbm>>
      tpu.wait_dma2 semaphore(%run_scoped3A : memref<!tpu.dma_semaphore, #tpu.memory_space<semaphore_mem>>) src(%dma_wait3A_50 : memref<624x32xf32, #tpu.memory_space<hbm>>) dst(%dma_wait3A_48 : memref<624x32xf32, #tpu.memory_space<vmem_shared>>)
      tpu.yield
    }) : () -> ()
    %eq3A = arith.constant 15 : i32
    %eq3A_1 = arith.cmpi eq, %arg1, %eq3A : i32
    %convert_element_type3A = arith.extui %eq3A_1 : i1 to i32
    %cond3A = arith.constant 0 : i32
    %cond3A_2 = arith.cmpi ne, %convert_element_type3A, %cond3A : i32
    scf.if %cond3A_2 {
      "tpu.region"() ({
        %run_scoped3A = tpu.sem_alloc : memref<!tpu.dma_semaphore, #tpu.memory_space<semaphore_mem>>
        %dma_start3A = arith.constant 9984 : i32
        %dma_start3A_45 = arith.constant 0 : i32
        %dma_start3A_46 = tpu.memref_slice %arg7[%dma_start3A, %dma_start3A_45] : memref<10016x32xf32, #tpu.memory_space<vmem_shared>> -> memref<16x32xf32, #tpu.memory_space<vmem_shared>>
        %dma_start3A_47 = arith.constant 9984 : i32
        %dma_start3A_48 = arith.constant 0 : i32
        %dma_start3A_49 = tpu.memref_slice %arg5[%dma_start3A_47, %dma_start3A_48] : memref<10000x32xf32, #tpu.memory_space<hbm>> -> memref<16x32xf32, #tpu.memory_space<hbm>>
        tpu.enqueue_dma source(%dma_start3A_49 : memref<16x32xf32, #tpu.memory_space<hbm>>) target(%dma_start3A_46 : memref<16x32xf32, #tpu.memory_space<vmem_shared>>) target_semaphore(%run_scoped3A : memref<!tpu.dma_semaphore, #tpu.memory_space<semaphore_mem>>)
        %dma_wait3A = arith.constant 9984 : i32
        %dma_wait3A_50 = arith.constant 0 : i32
        %dma_wait3A_51 = tpu.memref_slice %arg7[%dma_wait3A, %dma_wait3A_50] : memref<10016x32xf32, #tpu.memory_space<vmem_shared>> -> memref<16x32xf32, #tpu.memory_space<vmem_shared>>
        %dma_wait3A_52 = arith.constant 9984 : i32
        %dma_wait3A_53 = arith.constant 0 : i32
        %dma_wait3A_54 = tpu.memref_slice %arg5[%dma_wait3A_52, %dma_wait3A_53] : memref<10000x32xf32, #tpu.memory_space<hbm>> -> memref<16x32xf32, #tpu.memory_space<hbm>>
        tpu.wait_dma2 semaphore(%run_scoped3A : memref<!tpu.dma_semaphore, #tpu.memory_space<semaphore_mem>>) src(%dma_wait3A_54 : memref<16x32xf32, #tpu.memory_space<hbm>>) dst(%dma_wait3A_51 : memref<16x32xf32, #tpu.memory_space<vmem_shared>>)
        tpu.yield
      }) : () -> ()
    } else {
    }
    %barrier3A = arith.constant 0 : index
    tpu.barrier barrier_id(%barrier3A)
    %eq3A_3 = arith.constant 0 : i32
    %eq3A_4 = arith.cmpi eq, %arg0, %eq3A_3 : i32
    %jit3A = arith.constant 64 : i32
    %jit3A_5 = arith.constant 16 : i32
    %select_n3A = arith.select %eq3A_4, %jit3A, %jit3A_5 : i32
    %mul3A_6 = arith.constant 1024 : i32
    %mul3A_7 = arith.muli %arg0, %mul3A_6 : i32
    %mul3A_8 = arith.muli %arg1, %select_n3A : i32
    %add3A = arith.addi %mul3A_7, %mul3A_8 : i32
    %jit3A_9 = arith.constant 4 : i32
    %div3A = arith.divsi %select_n3A, %jit3A_9 : i32
    %sign3A = arith.constant 0 : i32
    %sign3A_10 = arith.cmpi sgt, %select_n3A, %sign3A : i32
    %sign3A_11 = arith.extui %sign3A_10 : i1 to i32
    %sign3A_12 = arith.constant 0 : i32
    %sign3A_13 = arith.cmpi slt, %select_n3A, %sign3A_12 : i32
    %sign3A_14 = arith.extui %sign3A_13 : i1 to i32
    %sign3A_15 = arith.subi %sign3A_11, %sign3A_14 : i32
    %sign3A_16 = arith.constant 0 : i32
    %sign3A_17 = arith.cmpi sgt, %jit3A_9, %sign3A_16 : i32
    %sign3A_18 = arith.extui %sign3A_17 : i1 to i32
    %sign3A_19 = arith.constant 0 : i32
    %sign3A_20 = arith.cmpi slt, %jit3A_9, %sign3A_19 : i32
    %sign3A_21 = arith.extui %sign3A_20 : i1 to i32
    %sign3A_22 = arith.subi %sign3A_18, %sign3A_21 : i32
    %ne3A = arith.cmpi ne, %sign3A_15, %sign3A_22 : i32
    %rem3A = arith.remsi %select_n3A, %jit3A_9 : i32
    %ne3A_23 = arith.constant 0 : i32
    %ne3A_24 = arith.cmpi ne, %rem3A, %ne3A_23 : i32
    %and3A = arith.andi %ne3A, %ne3A_24 : i1
    %sub3A = arith.constant 1 : i32
    %sub3A_25 = arith.subi %div3A, %sub3A : i32
    %select_n3A_26 = arith.select %and3A, %sub3A_25, %div3A : i32
    %while3A = arith.constant 0 : i32
    %while3A_27 = arith.constant 0 : i32
    %while3A_28 = arith.subi %select_n3A_26, %while3A_27 : i32
    %while3A_29 = arith.addi %while3A_27, %while3A_28 : i32
    %while3A_30 = arith.constant 1 : i32
    %while3A_31 = arith.divsi %while3A_28, %while3A_30 : i32
    %while3A_32 = arith.muli %while3A_31, %while3A_30 : i32
    %while3A_33 = arith.addi %while3A_27, %while3A_32 : i32
    %while3A_34 = arith.constant 1 : i32
    scf.for %while3A_45 = %while3A_27 to %while3A_33 step %while3A_34  : i32 {
      %mul3A_46 = arith.constant 4 : i32
      %mul3A_47 = arith.muli %mul3A_46, %while3A_45 : i32
      %add3A_48 = arith.addi %add3A, %mul3A_47 : i32
      "tpu.region"() ({
        %run_scoped3A = tpu.sem_alloc : memref<!tpu.dma_semaphore, #tpu.memory_space<semaphore_mem>>
        %dma_start3A_162 = arith.constant 0 : i32
        %dma_start3A_163 = tpu.memref_slice %arg3[%add3A_48, %dma_start3A_162] : memref<1280x128xi32, #tpu.memory_space<hbm>> -> memref<4x128xi32, #tpu.memory_space<hbm>>
        %dma_start3A_164 = arith.constant 0 : i32
        %dma_start3A_165 = tpu.memref_slice %arg3[%add3A_48, %dma_start3A_164] : memref<1280x128xi32, #tpu.memory_space<hbm>> -> memref<4x128xi32, #tpu.memory_space<hbm>>
        tpu.enqueue_dma source(%dma_start3A_165 : memref<4x128xi32, #tpu.memory_space<hbm>>) target(%arg8 : memref<4x128xi32, #tpu.memory_space<vmem>>) target_semaphore(%run_scoped3A : memref<!tpu.dma_semaphore, #tpu.memory_space<semaphore_mem>>)
        %dma_wait3A_166 = arith.constant 0 : i32
        %dma_wait3A_167 = tpu.memref_slice %arg3[%add3A_48, %dma_wait3A_166] : memref<1280x128xi32, #tpu.memory_space<hbm>> -> memref<4x128xi32, #tpu.memory_space<hbm>>
        %dma_wait3A_168 = arith.constant 0 : i32
        %dma_wait3A_169 = tpu.memref_slice %arg3[%add3A_48, %dma_wait3A_168] : memref<1280x128xi32, #tpu.memory_space<hbm>> -> memref<4x128xi32, #tpu.memory_space<hbm>>
        tpu.wait_dma2 semaphore(%run_scoped3A : memref<!tpu.dma_semaphore, #tpu.memory_space<semaphore_mem>>) src(%dma_wait3A_169 : memref<4x128xi32, #tpu.memory_space<hbm>>) dst(%arg8 : memref<4x128xi32, #tpu.memory_space<vmem>>)
        tpu.yield
      }) : () -> ()
      %mul3A_49 = arith.constant 4 : i32
      %mul3A_50 = arith.muli %mul3A_49, %while3A_45 : i32
      %add3A_51 = arith.addi %add3A, %mul3A_50 : i32
      "tpu.region"() ({
        %run_scoped3A = tpu.sem_alloc : memref<!tpu.dma_semaphore, #tpu.memory_space<semaphore_mem>>
        %dma_start3A_162 = arith.constant 0 : i32
        %dma_start3A_163 = tpu.memref_slice %arg4[%add3A_51, %dma_start3A_162] : memref<1280x128xi32, #tpu.memory_space<hbm>> -> memref<4x128xi32, #tpu.memory_space<hbm>>
        %dma_start3A_164 = arith.constant 0 : i32
        %dma_start3A_165 = tpu.memref_slice %arg4[%add3A_51, %dma_start3A_164] : memref<1280x128xi32, #tpu.memory_space<hbm>> -> memref<4x128xi32, #tpu.memory_space<hbm>>
        tpu.enqueue_dma source(%dma_start3A_165 : memref<4x128xi32, #tpu.memory_space<hbm>>) target(%arg9 : memref<4x128xi32, #tpu.memory_space<vmem>>) target_semaphore(%run_scoped3A : memref<!tpu.dma_semaphore, #tpu.memory_space<semaphore_mem>>)
        %dma_wait3A_166 = arith.constant 0 : i32
        %dma_wait3A_167 = tpu.memref_slice %arg4[%add3A_51, %dma_wait3A_166] : memref<1280x128xi32, #tpu.memory_space<hbm>> -> memref<4x128xi32, #tpu.memory_space<hbm>>
        %dma_wait3A_168 = arith.constant 0 : i32
        %dma_wait3A_169 = tpu.memref_slice %arg4[%add3A_51, %dma_wait3A_168] : memref<1280x128xi32, #tpu.memory_space<hbm>> -> memref<4x128xi32, #tpu.memory_space<hbm>>
        tpu.wait_dma2 semaphore(%run_scoped3A : memref<!tpu.dma_semaphore, #tpu.memory_space<semaphore_mem>>) src(%dma_wait3A_169 : memref<4x128xi32, #tpu.memory_space<hbm>>) dst(%arg9 : memref<4x128xi32, #tpu.memory_space<vmem>>)
        tpu.yield
      }) : () -> ()
      %dma_start3A = arith.constant 0 : i32
      %dma_start3A_52 = arith.constant 0 : i32
      %dma_start3A_53 = tpu.memref_slice %arg8[%dma_start3A, %dma_start3A_52] : memref<4x128xi32, #tpu.memory_space<vmem>> -> memref<1x128xi32, #tpu.memory_space<vmem>>
      %dma_start3A_54 = tpu.memref_squeeze %dma_start3A_53 : memref<1x128xi32, #tpu.memory_space<vmem>> -> memref<128xi32, #tpu.memory_space<vmem>>
      %dma_start3A_55 = arith.constant 0 : i32
      %dma_start3A_56 = arith.constant 0 : i32
      %dma_start3A_57 = tpu.memref_slice %arg2[%dma_start3A_55, %dma_start3A_56] : memref<10008x32xf32, #tpu.memory_space<hbm>> -> memref<10008x32xf32, #tpu.memory_space<hbm>>
      tpu.enqueue_indirect_dma source(%dma_start3A_57 : memref<10008x32xf32, #tpu.memory_space<hbm>>) target(%arg10 : memref<128x32xf32, #tpu.memory_space<vmem>>) offsets(%dma_start3A_54 : memref<128xi32, #tpu.memory_space<vmem>>) semaphore(%arg14 : memref<!tpu.dma_semaphore, #tpu.memory_space<semaphore_mem>>)
      %dma_start3A_58 = arith.constant 1 : i32
      %dma_start3A_59 = arith.constant 0 : i32
      %dma_start3A_60 = tpu.memref_slice %arg8[%dma_start3A_58, %dma_start3A_59] : memref<4x128xi32, #tpu.memory_space<vmem>> -> memref<1x128xi32, #tpu.memory_space<vmem>>
      %dma_start3A_61 = tpu.memref_squeeze %dma_start3A_60 : memref<1x128xi32, #tpu.memory_space<vmem>> -> memref<128xi32, #tpu.memory_space<vmem>>
      %dma_start3A_62 = arith.constant 0 : i32
      %dma_start3A_63 = arith.constant 0 : i32
      %dma_start3A_64 = tpu.memref_slice %arg2[%dma_start3A_62, %dma_start3A_63] : memref<10008x32xf32, #tpu.memory_space<hbm>> -> memref<10008x32xf32, #tpu.memory_space<hbm>>
      tpu.enqueue_indirect_dma source(%dma_start3A_64 : memref<10008x32xf32, #tpu.memory_space<hbm>>) target(%arg11 : memref<128x32xf32, #tpu.memory_space<vmem>>) offsets(%dma_start3A_61 : memref<128xi32, #tpu.memory_space<vmem>>) semaphore(%arg15 : memref<!tpu.dma_semaphore, #tpu.memory_space<semaphore_mem>>)
      %dma_start3A_65 = arith.constant 2 : i32
      %dma_start3A_66 = arith.constant 0 : i32
      %dma_start3A_67 = tpu.memref_slice %arg8[%dma_start3A_65, %dma_start3A_66] : memref<4x128xi32, #tpu.memory_space<vmem>> -> memref<1x128xi32, #tpu.memory_space<vmem>>
      %dma_start3A_68 = tpu.memref_squeeze %dma_start3A_67 : memref<1x128xi32, #tpu.memory_space<vmem>> -> memref<128xi32, #tpu.memory_space<vmem>>
      %dma_start3A_69 = arith.constant 0 : i32
      %dma_start3A_70 = arith.constant 0 : i32
      %dma_start3A_71 = tpu.memref_slice %arg2[%dma_start3A_69, %dma_start3A_70] : memref<10008x32xf32, #tpu.memory_space<hbm>> -> memref<10008x32xf32, #tpu.memory_space<hbm>>
      tpu.enqueue_indirect_dma source(%dma_start3A_71 : memref<10008x32xf32, #tpu.memory_space<hbm>>) target(%arg12 : memref<128x32xf32, #tpu.memory_space<vmem>>) offsets(%dma_start3A_68 : memref<128xi32, #tpu.memory_space<vmem>>) semaphore(%arg16 : memref<!tpu.dma_semaphore, #tpu.memory_space<semaphore_mem>>)
      %dma_start3A_72 = arith.constant 3 : i32
      %dma_start3A_73 = arith.constant 0 : i32
      %dma_start3A_74 = tpu.memref_slice %arg8[%dma_start3A_72, %dma_start3A_73] : memref<4x128xi32, #tpu.memory_space<vmem>> -> memref<1x128xi32, #tpu.memory_space<vmem>>
      %dma_start3A_75 = tpu.memref_squeeze %dma_start3A_74 : memref<1x128xi32, #tpu.memory_space<vmem>> -> memref<128xi32, #tpu.memory_space<vmem>>
      %dma_start3A_76 = arith.constant 0 : i32
      %dma_start3A_77 = arith.constant 0 : i32
      %dma_start3A_78 = tpu.memref_slice %arg2[%dma_start3A_76, %dma_start3A_77] : memref<10008x32xf32, #tpu.memory_space<hbm>> -> memref<10008x32xf32, #tpu.memory_space<hbm>>
      tpu.enqueue_indirect_dma source(%dma_start3A_78 : memref<10008x32xf32, #tpu.memory_space<hbm>>) target(%arg13 : memref<128x32xf32, #tpu.memory_space<vmem>>) offsets(%dma_start3A_75 : memref<128xi32, #tpu.memory_space<vmem>>) semaphore(%arg17 : memref<!tpu.dma_semaphore, #tpu.memory_space<semaphore_mem>>)
      %dma_wait3A = arith.constant 0 : i32
      %dma_wait3A_79 = arith.constant 0 : i32
      %dma_wait3A_80 = tpu.memref_slice %arg8[%dma_wait3A, %dma_wait3A_79] : memref<4x128xi32, #tpu.memory_space<vmem>> -> memref<1x128xi32, #tpu.memory_space<vmem>>
      %dma_wait3A_81 = tpu.memref_squeeze %dma_wait3A_80 : memref<1x128xi32, #tpu.memory_space<vmem>> -> memref<128xi32, #tpu.memory_space<vmem>>
      %dma_wait3A_82 = arith.constant 0 : i32
      %dma_wait3A_83 = arith.constant 0 : i32
      %dma_wait3A_84 = tpu.memref_slice %arg2[%dma_wait3A_82, %dma_wait3A_83] : memref<10008x32xf32, #tpu.memory_space<hbm>> -> memref<10008x32xf32, #tpu.memory_space<hbm>>
      tpu.wait_indirect_dma semaphore(%arg14 : memref<!tpu.dma_semaphore, #tpu.memory_space<semaphore_mem>>) src(%dma_wait3A_84 : memref<10008x32xf32, #tpu.memory_space<hbm>>) dst(%arg10 : memref<128x32xf32, #tpu.memory_space<vmem>>)
      %dma_start3A_85 = arith.constant 0 : i32
      %dma_start3A_86 = arith.constant 0 : i32
      %dma_start3A_87 = tpu.memref_slice %arg9[%dma_start3A_85, %dma_start3A_86] : memref<4x128xi32, #tpu.memory_space<vmem>> -> memref<1x128xi32, #tpu.memory_space<vmem>>
      %dma_start3A_88 = tpu.memref_squeeze %dma_start3A_87 : memref<1x128xi32, #tpu.memory_space<vmem>> -> memref<128xi32, #tpu.memory_space<vmem>>
      %dma_start3A_89 = arith.constant 0 : i32
      %dma_start3A_90 = arith.constant 0 : i32
      %dma_start3A_91 = tpu.memref_slice %arg7[%dma_start3A_89, %dma_start3A_90] : memref<10016x32xf32, #tpu.memory_space<vmem_shared>> -> memref<10016x32xf32, #tpu.memory_space<vmem_shared>>
      tpu.enqueue_indirect_dma source(%arg10 : memref<128x32xf32, #tpu.memory_space<vmem>>) target(%dma_start3A_91 : memref<10016x32xf32, #tpu.memory_space<vmem_shared>>) offsets(%dma_start3A_88 : memref<128xi32, #tpu.memory_space<vmem>>) semaphore(%arg18 : memref<!tpu.dma_semaphore, #tpu.memory_space<semaphore_mem>>) {add = true}
      %dma_wait3A_92 = arith.constant 1 : i32
      %dma_wait3A_93 = arith.constant 0 : i32
      %dma_wait3A_94 = tpu.memref_slice %arg8[%dma_wait3A_92, %dma_wait3A_93] : memref<4x128xi32, #tpu.memory_space<vmem>> -> memref<1x128xi32, #tpu.memory_space<vmem>>
      %dma_wait3A_95 = tpu.memref_squeeze %dma_wait3A_94 : memref<1x128xi32, #tpu.memory_space<vmem>> -> memref<128xi32, #tpu.memory_space<vmem>>
      %dma_wait3A_96 = arith.constant 0 : i32
      %dma_wait3A_97 = arith.constant 0 : i32
      %dma_wait3A_98 = tpu.memref_slice %arg2[%dma_wait3A_96, %dma_wait3A_97] : memref<10008x32xf32, #tpu.memory_space<hbm>> -> memref<10008x32xf32, #tpu.memory_space<hbm>>
      tpu.wait_indirect_dma semaphore(%arg15 : memref<!tpu.dma_semaphore, #tpu.memory_space<semaphore_mem>>) src(%dma_wait3A_98 : memref<10008x32xf32, #tpu.memory_space<hbm>>) dst(%arg11 : memref<128x32xf32, #tpu.memory_space<vmem>>)
      %dma_start3A_99 = arith.constant 1 : i32
      %dma_start3A_100 = arith.constant 0 : i32
      %dma_start3A_101 = tpu.memref_slice %arg9[%dma_start3A_99, %dma_start3A_100] : memref<4x128xi32, #tpu.memory_space<vmem>> -> memref<1x128xi32, #tpu.memory_space<vmem>>
      %dma_start3A_102 = tpu.memref_squeeze %dma_start3A_101 : memref<1x128xi32, #tpu.memory_space<vmem>> -> memref<128xi32, #tpu.memory_space<vmem>>
      %dma_start3A_103 = arith.constant 0 : i32
      %dma_start3A_104 = arith.constant 0 : i32
      %dma_start3A_105 = tpu.memref_slice %arg7[%dma_start3A_103, %dma_start3A_104] : memref<10016x32xf32, #tpu.memory_space<vmem_shared>> -> memref<10016x32xf32, #tpu.memory_space<vmem_shared>>
      tpu.enqueue_indirect_dma source(%arg11 : memref<128x32xf32, #tpu.memory_space<vmem>>) target(%dma_start3A_105 : memref<10016x32xf32, #tpu.memory_space<vmem_shared>>) offsets(%dma_start3A_102 : memref<128xi32, #tpu.memory_space<vmem>>) semaphore(%arg19 : memref<!tpu.dma_semaphore, #tpu.memory_space<semaphore_mem>>) {add = true}
      %dma_wait3A_106 = arith.constant 2 : i32
      %dma_wait3A_107 = arith.constant 0 : i32
      %dma_wait3A_108 = tpu.memref_slice %arg8[%dma_wait3A_106, %dma_wait3A_107] : memref<4x128xi32, #tpu.memory_space<vmem>> -> memref<1x128xi32, #tpu.memory_space<vmem>>
      %dma_wait3A_109 = tpu.memref_squeeze %dma_wait3A_108 : memref<1x128xi32, #tpu.memory_space<vmem>> -> memref<128xi32, #tpu.memory_space<vmem>>
      %dma_wait3A_110 = arith.constant 0 : i32
      %dma_wait3A_111 = arith.constant 0 : i32
      %dma_wait3A_112 = tpu.memref_slice %arg2[%dma_wait3A_110, %dma_wait3A_111] : memref<10008x32xf32, #tpu.memory_space<hbm>> -> memref<10008x32xf32, #tpu.memory_space<hbm>>
      tpu.wait_indirect_dma semaphore(%arg16 : memref<!tpu.dma_semaphore, #tpu.memory_space<semaphore_mem>>) src(%dma_wait3A_112 : memref<10008x32xf32, #tpu.memory_space<hbm>>) dst(%arg12 : memref<128x32xf32, #tpu.memory_space<vmem>>)
      %dma_start3A_113 = arith.constant 2 : i32
      %dma_start3A_114 = arith.constant 0 : i32
      %dma_start3A_115 = tpu.memref_slice %arg9[%dma_start3A_113, %dma_start3A_114] : memref<4x128xi32, #tpu.memory_space<vmem>> -> memref<1x128xi32, #tpu.memory_space<vmem>>
      %dma_start3A_116 = tpu.memref_squeeze %dma_start3A_115 : memref<1x128xi32, #tpu.memory_space<vmem>> -> memref<128xi32, #tpu.memory_space<vmem>>
      %dma_start3A_117 = arith.constant 0 : i32
      %dma_start3A_118 = arith.constant 0 : i32
      %dma_start3A_119 = tpu.memref_slice %arg7[%dma_start3A_117, %dma_start3A_118] : memref<10016x32xf32, #tpu.memory_space<vmem_shared>> -> memref<10016x32xf32, #tpu.memory_space<vmem_shared>>
      tpu.enqueue_indirect_dma source(%arg12 : memref<128x32xf32, #tpu.memory_space<vmem>>) target(%dma_start3A_119 : memref<10016x32xf32, #tpu.memory_space<vmem_shared>>) offsets(%dma_start3A_116 : memref<128xi32, #tpu.memory_space<vmem>>) semaphore(%arg20 : memref<!tpu.dma_semaphore, #tpu.memory_space<semaphore_mem>>) {add = true}
      %dma_wait3A_120 = arith.constant 3 : i32
      %dma_wait3A_121 = arith.constant 0 : i32
      %dma_wait3A_122 = tpu.memref_slice %arg8[%dma_wait3A_120, %dma_wait3A_121] : memref<4x128xi32, #tpu.memory_space<vmem>> -> memref<1x128xi32, #tpu.memory_space<vmem>>
      %dma_wait3A_123 = tpu.memref_squeeze %dma_wait3A_122 : memref<1x128xi32, #tpu.memory_space<vmem>> -> memref<128xi32, #tpu.memory_space<vmem>>
      %dma_wait3A_124 = arith.constant 0 : i32
      %dma_wait3A_125 = arith.constant 0 : i32
      %dma_wait3A_126 = tpu.memref_slice %arg2[%dma_wait3A_124, %dma_wait3A_125] : memref<10008x32xf32, #tpu.memory_space<hbm>> -> memref<10008x32xf32, #tpu.memory_space<hbm>>
      tpu.wait_indirect_dma semaphore(%arg17 : memref<!tpu.dma_semaphore, #tpu.memory_space<semaphore_mem>>) src(%dma_wait3A_126 : memref<10008x32xf32, #tpu.memory_space<hbm>>) dst(%arg13 : memref<128x32xf32, #tpu.memory_space<vmem>>)
      %dma_start3A_127 = arith.constant 3 : i32
      %dma_start3A_128 = arith.constant 0 : i32
      %dma_start3A_129 = tpu.memref_slice %arg9[%dma_start3A_127, %dma_start3A_128] : memref<4x128xi32, #tpu.memory_space<vmem>> -> memref<1x128xi32, #tpu.memory_space<vmem>>
      %dma_start3A_130 = tpu.memref_squeeze %dma_start3A_129 : memref<1x128xi32, #tpu.memory_space<vmem>> -> memref<128xi32, #tpu.memory_space<vmem>>
      %dma_start3A_131 = arith.constant 0 : i32
      %dma_start3A_132 = arith.constant 0 : i32
      %dma_start3A_133 = tpu.memref_slice %arg7[%dma_start3A_131, %dma_start3A_132] : memref<10016x32xf32, #tpu.memory_space<vmem_shared>> -> memref<10016x32xf32, #tpu.memory_space<vmem_shared>>
      tpu.enqueue_indirect_dma source(%arg13 : memref<128x32xf32, #tpu.memory_space<vmem>>) target(%dma_start3A_133 : memref<10016x32xf32, #tpu.memory_space<vmem_shared>>) offsets(%dma_start3A_130 : memref<128xi32, #tpu.memory_space<vmem>>) semaphore(%arg21 : memref<!tpu.dma_semaphore, #tpu.memory_space<semaphore_mem>>) {add = true}
      %dma_wait3A_134 = arith.constant 0 : i32
      %dma_wait3A_135 = arith.constant 0 : i32
      %dma_wait3A_136 = tpu.memref_slice %arg9[%dma_wait3A_134, %dma_wait3A_135] : memref<4x128xi32, #tpu.memory_space<vmem>> -> memref<1x128xi32, #tpu.memory_space<vmem>>
      %dma_wait3A_137 = tpu.memref_squeeze %dma_wait3A_136 : memref<1x128xi32, #tpu.memory_space<vmem>> -> memref<128xi32, #tpu.memory_space<vmem>>
      %dma_wait3A_138 = arith.constant 0 : i32
      %dma_wait3A_139 = arith.constant 0 : i32
      %dma_wait3A_140 = tpu.memref_slice %arg7[%dma_wait3A_138, %dma_wait3A_139] : memref<10016x32xf32, #tpu.memory_space<vmem_shared>> -> memref<10016x32xf32, #tpu.memory_space<vmem_shared>>
      tpu.wait_indirect_dma semaphore(%arg18 : memref<!tpu.dma_semaphore, #tpu.memory_space<semaphore_mem>>) src(%arg10 : memref<128x32xf32, #tpu.memory_space<vmem>>) dst(%dma_wait3A_140 : memref<10016x32xf32, #tpu.memory_space<vmem_shared>>)
      %dma_wait3A_141 = arith.constant 1 : i32
      %dma_wait3A_142 = arith.constant 0 : i32
      %dma_wait3A_143 = tpu.memref_slice %arg9[%dma_wait3A_141, %dma_wait3A_142] : memref<4x128xi32, #tpu.memory_space<vmem>> -> memref<1x128xi32, #tpu.memory_space<vmem>>
      %dma_wait3A_144 = tpu.memref_squeeze %dma_wait3A_143 : memref<1x128xi32, #tpu.memory_space<vmem>> -> memref<128xi32, #tpu.memory_space<vmem>>
      %dma_wait3A_145 = arith.constant 0 : i32
      %dma_wait3A_146 = arith.constant 0 : i32
      %dma_wait3A_147 = tpu.memref_slice %arg7[%dma_wait3A_145, %dma_wait3A_146] : memref<10016x32xf32, #tpu.memory_space<vmem_shared>> -> memref<10016x32xf32, #tpu.memory_space<vmem_shared>>
      tpu.wait_indirect_dma semaphore(%arg19 : memref<!tpu.dma_semaphore, #tpu.memory_space<semaphore_mem>>) src(%arg11 : memref<128x32xf32, #tpu.memory_space<vmem>>) dst(%dma_wait3A_147 : memref<10016x32xf32, #tpu.memory_space<vmem_shared>>)
      %dma_wait3A_148 = arith.constant 2 : i32
      %dma_wait3A_149 = arith.constant 0 : i32
      %dma_wait3A_150 = tpu.memref_slice %arg9[%dma_wait3A_148, %dma_wait3A_149] : memref<4x128xi32, #tpu.memory_space<vmem>> -> memref<1x128xi32, #tpu.memory_space<vmem>>
      %dma_wait3A_151 = tpu.memref_squeeze %dma_wait3A_150 : memref<1x128xi32, #tpu.memory_space<vmem>> -> memref<128xi32, #tpu.memory_space<vmem>>
      %dma_wait3A_152 = arith.constant 0 : i32
      %dma_wait3A_153 = arith.constant 0 : i32
      %dma_wait3A_154 = tpu.memref_slice %arg7[%dma_wait3A_152, %dma_wait3A_153] : memref<10016x32xf32, #tpu.memory_space<vmem_shared>> -> memref<10016x32xf32, #tpu.memory_space<vmem_shared>>
      tpu.wait_indirect_dma semaphore(%arg20 : memref<!tpu.dma_semaphore, #tpu.memory_space<semaphore_mem>>) src(%arg12 : memref<128x32xf32, #tpu.memory_space<vmem>>) dst(%dma_wait3A_154 : memref<10016x32xf32, #tpu.memory_space<vmem_shared>>)
      %dma_wait3A_155 = arith.constant 3 : i32
      %dma_wait3A_156 = arith.constant 0 : i32
      %dma_wait3A_157 = tpu.memref_slice %arg9[%dma_wait3A_155, %dma_wait3A_156] : memref<4x128xi32, #tpu.memory_space<vmem>> -> memref<1x128xi32, #tpu.memory_space<vmem>>
      %dma_wait3A_158 = tpu.memref_squeeze %dma_wait3A_157 : memref<1x128xi32, #tpu.memory_space<vmem>> -> memref<128xi32, #tpu.memory_space<vmem>>
      %dma_wait3A_159 = arith.constant 0 : i32
      %dma_wait3A_160 = arith.constant 0 : i32
      %dma_wait3A_161 = tpu.memref_slice %arg7[%dma_wait3A_159, %dma_wait3A_160] : memref<10016x32xf32, #tpu.memory_space<vmem_shared>> -> memref<10016x32xf32, #tpu.memory_space<vmem_shared>>
      tpu.wait_indirect_dma semaphore(%arg21 : memref<!tpu.dma_semaphore, #tpu.memory_space<semaphore_mem>>) src(%arg13 : memref<128x32xf32, #tpu.memory_space<vmem>>) dst(%dma_wait3A_161 : memref<10016x32xf32, #tpu.memory_space<vmem_shared>>)
    }
    %while3A_35 = arith.constant 1 : i32
    scf.for %while3A_45 = %while3A_33 to %while3A_29 step %while3A_35  : i32 {
      %mul3A_46 = arith.constant 4 : i32
      %mul3A_47 = arith.muli %mul3A_46, %while3A_45 : i32
      %add3A_48 = arith.addi %add3A, %mul3A_47 : i32
      "tpu.region"() ({
        %run_scoped3A = tpu.sem_alloc : memref<!tpu.dma_semaphore, #tpu.memory_space<semaphore_mem>>
        %dma_start3A_162 = arith.constant 0 : i32
        %dma_start3A_163 = tpu.memref_slice %arg3[%add3A_48, %dma_start3A_162] : memref<1280x128xi32, #tpu.memory_space<hbm>> -> memref<4x128xi32, #tpu.memory_space<hbm>>
        %dma_start3A_164 = arith.constant 0 : i32
        %dma_start3A_165 = tpu.memref_slice %arg3[%add3A_48, %dma_start3A_164] : memref<1280x128xi32, #tpu.memory_space<hbm>> -> memref<4x128xi32, #tpu.memory_space<hbm>>
        tpu.enqueue_dma source(%dma_start3A_165 : memref<4x128xi32, #tpu.memory_space<hbm>>) target(%arg8 : memref<4x128xi32, #tpu.memory_space<vmem>>) target_semaphore(%run_scoped3A : memref<!tpu.dma_semaphore, #tpu.memory_space<semaphore_mem>>)
        %dma_wait3A_166 = arith.constant 0 : i32
        %dma_wait3A_167 = tpu.memref_slice %arg3[%add3A_48, %dma_wait3A_166] : memref<1280x128xi32, #tpu.memory_space<hbm>> -> memref<4x128xi32, #tpu.memory_space<hbm>>
        %dma_wait3A_168 = arith.constant 0 : i32
        %dma_wait3A_169 = tpu.memref_slice %arg3[%add3A_48, %dma_wait3A_168] : memref<1280x128xi32, #tpu.memory_space<hbm>> -> memref<4x128xi32, #tpu.memory_space<hbm>>
        tpu.wait_dma2 semaphore(%run_scoped3A : memref<!tpu.dma_semaphore, #tpu.memory_space<semaphore_mem>>) src(%dma_wait3A_169 : memref<4x128xi32, #tpu.memory_space<hbm>>) dst(%arg8 : memref<4x128xi32, #tpu.memory_space<vmem>>)
        tpu.yield
      }) : () -> ()
      %mul3A_49 = arith.constant 4 : i32
      %mul3A_50 = arith.muli %mul3A_49, %while3A_45 : i32
      %add3A_51 = arith.addi %add3A, %mul3A_50 : i32
      "tpu.region"() ({
        %run_scoped3A = tpu.sem_alloc : memref<!tpu.dma_semaphore, #tpu.memory_space<semaphore_mem>>
        %dma_start3A_162 = arith.constant 0 : i32
        %dma_start3A_163 = tpu.memref_slice %arg4[%add3A_51, %dma_start3A_162] : memref<1280x128xi32, #tpu.memory_space<hbm>> -> memref<4x128xi32, #tpu.memory_space<hbm>>
        %dma_start3A_164 = arith.constant 0 : i32
        %dma_start3A_165 = tpu.memref_slice %arg4[%add3A_51, %dma_start3A_164] : memref<1280x128xi32, #tpu.memory_space<hbm>> -> memref<4x128xi32, #tpu.memory_space<hbm>>
        tpu.enqueue_dma source(%dma_start3A_165 : memref<4x128xi32, #tpu.memory_space<hbm>>) target(%arg9 : memref<4x128xi32, #tpu.memory_space<vmem>>) target_semaphore(%run_scoped3A : memref<!tpu.dma_semaphore, #tpu.memory_space<semaphore_mem>>)
        %dma_wait3A_166 = arith.constant 0 : i32
        %dma_wait3A_167 = tpu.memref_slice %arg4[%add3A_51, %dma_wait3A_166] : memref<1280x128xi32, #tpu.memory_space<hbm>> -> memref<4x128xi32, #tpu.memory_space<hbm>>
        %dma_wait3A_168 = arith.constant 0 : i32
        %dma_wait3A_169 = tpu.memref_slice %arg4[%add3A_51, %dma_wait3A_168] : memref<1280x128xi32, #tpu.memory_space<hbm>> -> memref<4x128xi32, #tpu.memory_space<hbm>>
        tpu.wait_dma2 semaphore(%run_scoped3A : memref<!tpu.dma_semaphore, #tpu.memory_space<semaphore_mem>>) src(%dma_wait3A_169 : memref<4x128xi32, #tpu.memory_space<hbm>>) dst(%arg9 : memref<4x128xi32, #tpu.memory_space<vmem>>)
        tpu.yield
      }) : () -> ()
      %dma_start3A = arith.constant 0 : i32
      %dma_start3A_52 = arith.constant 0 : i32
      %dma_start3A_53 = tpu.memref_slice %arg8[%dma_start3A, %dma_start3A_52] : memref<4x128xi32, #tpu.memory_space<vmem>> -> memref<1x128xi32, #tpu.memory_space<vmem>>
      %dma_start3A_54 = tpu.memref_squeeze %dma_start3A_53 : memref<1x128xi32, #tpu.memory_space<vmem>> -> memref<128xi32, #tpu.memory_space<vmem>>
      %dma_start3A_55 = arith.constant 0 : i32
      %dma_start3A_56 = arith.constant 0 : i32
      %dma_start3A_57 = tpu.memref_slice %arg2[%dma_start3A_55, %dma_start3A_56] : memref<10008x32xf32, #tpu.memory_space<hbm>> -> memref<10008x32xf32, #tpu.memory_space<hbm>>
      tpu.enqueue_indirect_dma source(%dma_start3A_57 : memref<10008x32xf32, #tpu.memory_space<hbm>>) target(%arg10 : memref<128x32xf32, #tpu.memory_space<vmem>>) offsets(%dma_start3A_54 : memref<128xi32, #tpu.memory_space<vmem>>) semaphore(%arg14 : memref<!tpu.dma_semaphore, #tpu.memory_space<semaphore_mem>>)
      %dma_start3A_58 = arith.constant 1 : i32
      %dma_start3A_59 = arith.constant 0 : i32
      %dma_start3A_60 = tpu.memref_slice %arg8[%dma_start3A_58, %dma_start3A_59] : memref<4x128xi32, #tpu.memory_space<vmem>> -> memref<1x128xi32, #tpu.memory_space<vmem>>
      %dma_start3A_61 = tpu.memref_squeeze %dma_start3A_60 : memref<1x128xi32, #tpu.memory_space<vmem>> -> memref<128xi32, #tpu.memory_space<vmem>>
      %dma_start3A_62 = arith.constant 0 : i32
      %dma_start3A_63 = arith.constant 0 : i32
      %dma_start3A_64 = tpu.memref_slice %arg2[%dma_start3A_62, %dma_start3A_63] : memref<10008x32xf32, #tpu.memory_space<hbm>> -> memref<10008x32xf32, #tpu.memory_space<hbm>>
      tpu.enqueue_indirect_dma source(%dma_start3A_64 : memref<10008x32xf32, #tpu.memory_space<hbm>>) target(%arg11 : memref<128x32xf32, #tpu.memory_space<vmem>>) offsets(%dma_start3A_61 : memref<128xi32, #tpu.memory_space<vmem>>) semaphore(%arg15 : memref<!tpu.dma_semaphore, #tpu.memory_space<semaphore_mem>>)
      %dma_start3A_65 = arith.constant 2 : i32
      %dma_start3A_66 = arith.constant 0 : i32
      %dma_start3A_67 = tpu.memref_slice %arg8[%dma_start3A_65, %dma_start3A_66] : memref<4x128xi32, #tpu.memory_space<vmem>> -> memref<1x128xi32, #tpu.memory_space<vmem>>
      %dma_start3A_68 = tpu.memref_squeeze %dma_start3A_67 : memref<1x128xi32, #tpu.memory_space<vmem>> -> memref<128xi32, #tpu.memory_space<vmem>>
      %dma_start3A_69 = arith.constant 0 : i32
      %dma_start3A_70 = arith.constant 0 : i32
      %dma_start3A_71 = tpu.memref_slice %arg2[%dma_start3A_69, %dma_start3A_70] : memref<10008x32xf32, #tpu.memory_space<hbm>> -> memref<10008x32xf32, #tpu.memory_space<hbm>>
      tpu.enqueue_indirect_dma source(%dma_start3A_71 : memref<10008x32xf32, #tpu.memory_space<hbm>>) target(%arg12 : memref<128x32xf32, #tpu.memory_space<vmem>>) offsets(%dma_start3A_68 : memref<128xi32, #tpu.memory_space<vmem>>) semaphore(%arg16 : memref<!tpu.dma_semaphore, #tpu.memory_space<semaphore_mem>>)
      %dma_start3A_72 = arith.constant 3 : i32
      %dma_start3A_73 = arith.constant 0 : i32
      %dma_start3A_74 = tpu.memref_slice %arg8[%dma_start3A_72, %dma_start3A_73] : memref<4x128xi32, #tpu.memory_space<vmem>> -> memref<1x128xi32, #tpu.memory_space<vmem>>
      %dma_start3A_75 = tpu.memref_squeeze %dma_start3A_74 : memref<1x128xi32, #tpu.memory_space<vmem>> -> memref<128xi32, #tpu.memory_space<vmem>>
      %dma_start3A_76 = arith.constant 0 : i32
      %dma_start3A_77 = arith.constant 0 : i32
      %dma_start3A_78 = tpu.memref_slice %arg2[%dma_start3A_76, %dma_start3A_77] : memref<10008x32xf32, #tpu.memory_space<hbm>> -> memref<10008x32xf32, #tpu.memory_space<hbm>>
      tpu.enqueue_indirect_dma source(%dma_start3A_78 : memref<10008x32xf32, #tpu.memory_space<hbm>>) target(%arg13 : memref<128x32xf32, #tpu.memory_space<vmem>>) offsets(%dma_start3A_75 : memref<128xi32, #tpu.memory_space<vmem>>) semaphore(%arg17 : memref<!tpu.dma_semaphore, #tpu.memory_space<semaphore_mem>>)
      %dma_wait3A = arith.constant 0 : i32
      %dma_wait3A_79 = arith.constant 0 : i32
      %dma_wait3A_80 = tpu.memref_slice %arg8[%dma_wait3A, %dma_wait3A_79] : memref<4x128xi32, #tpu.memory_space<vmem>> -> memref<1x128xi32, #tpu.memory_space<vmem>>
      %dma_wait3A_81 = tpu.memref_squeeze %dma_wait3A_80 : memref<1x128xi32, #tpu.memory_space<vmem>> -> memref<128xi32, #tpu.memory_space<vmem>>
      %dma_wait3A_82 = arith.constant 0 : i32
      %dma_wait3A_83 = arith.constant 0 : i32
      %dma_wait3A_84 = tpu.memref_slice %arg2[%dma_wait3A_82, %dma_wait3A_83] : memref<10008x32xf32, #tpu.memory_space<hbm>> -> memref<10008x32xf32, #tpu.memory_space<hbm>>
      tpu.wait_indirect_dma semaphore(%arg14 : memref<!tpu.dma_semaphore, #tpu.memory_space<semaphore_mem>>) src(%dma_wait3A_84 : memref<10008x32xf32, #tpu.memory_space<hbm>>) dst(%arg10 : memref<128x32xf32, #tpu.memory_space<vmem>>)
      %dma_start3A_85 = arith.constant 0 : i32
      %dma_start3A_86 = arith.constant 0 : i32
      %dma_start3A_87 = tpu.memref_slice %arg9[%dma_start3A_85, %dma_start3A_86] : memref<4x128xi32, #tpu.memory_space<vmem>> -> memref<1x128xi32, #tpu.memory_space<vmem>>
      %dma_start3A_88 = tpu.memref_squeeze %dma_start3A_87 : memref<1x128xi32, #tpu.memory_space<vmem>> -> memref<128xi32, #tpu.memory_space<vmem>>
      %dma_start3A_89 = arith.constant 0 : i32
      %dma_start3A_90 = arith.constant 0 : i32
      %dma_start3A_91 = tpu.memref_slice %arg7[%dma_start3A_89, %dma_start3A_90] : memref<10016x32xf32, #tpu.memory_space<vmem_shared>> -> memref<10016x32xf32, #tpu.memory_space<vmem_shared>>
      tpu.enqueue_indirect_dma source(%arg10 : memref<128x32xf32, #tpu.memory_space<vmem>>) target(%dma_start3A_91 : memref<10016x32xf32, #tpu.memory_space<vmem_shared>>) offsets(%dma_start3A_88 : memref<128xi32, #tpu.memory_space<vmem>>) semaphore(%arg18 : memref<!tpu.dma_semaphore, #tpu.memory_space<semaphore_mem>>) {add = true}
      %dma_wait3A_92 = arith.constant 1 : i32
      %dma_wait3A_93 = arith.constant 0 : i32
      %dma_wait3A_94 = tpu.memref_slice %arg8[%dma_wait3A_92, %dma_wait3A_93] : memref<4x128xi32, #tpu.memory_space<vmem>> -> memref<1x128xi32, #tpu.memory_space<vmem>>
      %dma_wait3A_95 = tpu.memref_squeeze %dma_wait3A_94 : memref<1x128xi32, #tpu.memory_space<vmem>> -> memref<128xi32, #tpu.memory_space<vmem>>
      %dma_wait3A_96 = arith.constant 0 : i32
      %dma_wait3A_97 = arith.constant 0 : i32
      %dma_wait3A_98 = tpu.memref_slice %arg2[%dma_wait3A_96, %dma_wait3A_97] : memref<10008x32xf32, #tpu.memory_space<hbm>> -> memref<10008x32xf32, #tpu.memory_space<hbm>>
      tpu.wait_indirect_dma semaphore(%arg15 : memref<!tpu.dma_semaphore, #tpu.memory_space<semaphore_mem>>) src(%dma_wait3A_98 : memref<10008x32xf32, #tpu.memory_space<hbm>>) dst(%arg11 : memref<128x32xf32, #tpu.memory_space<vmem>>)
      %dma_start3A_99 = arith.constant 1 : i32
      %dma_start3A_100 = arith.constant 0 : i32
      %dma_start3A_101 = tpu.memref_slice %arg9[%dma_start3A_99, %dma_start3A_100] : memref<4x128xi32, #tpu.memory_space<vmem>> -> memref<1x128xi32, #tpu.memory_space<vmem>>
      %dma_start3A_102 = tpu.memref_squeeze %dma_start3A_101 : memref<1x128xi32, #tpu.memory_space<vmem>> -> memref<128xi32, #tpu.memory_space<vmem>>
      %dma_start3A_103 = arith.constant 0 : i32
      %dma_start3A_104 = arith.constant 0 : i32
      %dma_start3A_105 = tpu.memref_slice %arg7[%dma_start3A_103, %dma_start3A_104] : memref<10016x32xf32, #tpu.memory_space<vmem_shared>> -> memref<10016x32xf32, #tpu.memory_space<vmem_shared>>
      tpu.enqueue_indirect_dma source(%arg11 : memref<128x32xf32, #tpu.memory_space<vmem>>) target(%dma_start3A_105 : memref<10016x32xf32, #tpu.memory_space<vmem_shared>>) offsets(%dma_start3A_102 : memref<128xi32, #tpu.memory_space<vmem>>) semaphore(%arg19 : memref<!tpu.dma_semaphore, #tpu.memory_space<semaphore_mem>>) {add = true}
      %dma_wait3A_106 = arith.constant 2 : i32
      %dma_wait3A_107 = arith.constant 0 : i32
      %dma_wait3A_108 = tpu.memref_slice %arg8[%dma_wait3A_106, %dma_wait3A_107] : memref<4x128xi32, #tpu.memory_space<vmem>> -> memref<1x128xi32, #tpu.memory_space<vmem>>
      %dma_wait3A_109 = tpu.memref_squeeze %dma_wait3A_108 : memref<1x128xi32, #tpu.memory_space<vmem>> -> memref<128xi32, #tpu.memory_space<vmem>>
      %dma_wait3A_110 = arith.constant 0 : i32
      %dma_wait3A_111 = arith.constant 0 : i32
      %dma_wait3A_112 = tpu.memref_slice %arg2[%dma_wait3A_110, %dma_wait3A_111] : memref<10008x32xf32, #tpu.memory_space<hbm>> -> memref<10008x32xf32, #tpu.memory_space<hbm>>
      tpu.wait_indirect_dma semaphore(%arg16 : memref<!tpu.dma_semaphore, #tpu.memory_space<semaphore_mem>>) src(%dma_wait3A_112 : memref<10008x32xf32, #tpu.memory_space<hbm>>) dst(%arg12 : memref<128x32xf32, #tpu.memory_space<vmem>>)
      %dma_start3A_113 = arith.constant 2 : i32
      %dma_start3A_114 = arith.constant 0 : i32
      %dma_start3A_115 = tpu.memref_slice %arg9[%dma_start3A_113, %dma_start3A_114] : memref<4x128xi32, #tpu.memory_space<vmem>> -> memref<1x128xi32, #tpu.memory_space<vmem>>
      %dma_start3A_116 = tpu.memref_squeeze %dma_start3A_115 : memref<1x128xi32, #tpu.memory_space<vmem>> -> memref<128xi32, #tpu.memory_space<vmem>>
      %dma_start3A_117 = arith.constant 0 : i32
      %dma_start3A_118 = arith.constant 0 : i32
      %dma_start3A_119 = tpu.memref_slice %arg7[%dma_start3A_117, %dma_start3A_118] : memref<10016x32xf32, #tpu.memory_space<vmem_shared>> -> memref<10016x32xf32, #tpu.memory_space<vmem_shared>>
      tpu.enqueue_indirect_dma source(%arg12 : memref<128x32xf32, #tpu.memory_space<vmem>>) target(%dma_start3A_119 : memref<10016x32xf32, #tpu.memory_space<vmem_shared>>) offsets(%dma_start3A_116 : memref<128xi32, #tpu.memory_space<vmem>>) semaphore(%arg20 : memref<!tpu.dma_semaphore, #tpu.memory_space<semaphore_mem>>) {add = true}
      %dma_wait3A_120 = arith.constant 3 : i32
      %dma_wait3A_121 = arith.constant 0 : i32
      %dma_wait3A_122 = tpu.memref_slice %arg8[%dma_wait3A_120, %dma_wait3A_121] : memref<4x128xi32, #tpu.memory_space<vmem>> -> memref<1x128xi32, #tpu.memory_space<vmem>>
      %dma_wait3A_123 = tpu.memref_squeeze %dma_wait3A_122 : memref<1x128xi32, #tpu.memory_space<vmem>> -> memref<128xi32, #tpu.memory_space<vmem>>
      %dma_wait3A_124 = arith.constant 0 : i32
      %dma_wait3A_125 = arith.constant 0 : i32
      %dma_wait3A_126 = tpu.memref_slice %arg2[%dma_wait3A_124, %dma_wait3A_125] : memref<10008x32xf32, #tpu.memory_space<hbm>> -> memref<10008x32xf32, #tpu.memory_space<hbm>>
      tpu.wait_indirect_dma semaphore(%arg17 : memref<!tpu.dma_semaphore, #tpu.memory_space<semaphore_mem>>) src(%dma_wait3A_126 : memref<10008x32xf32, #tpu.memory_space<hbm>>) dst(%arg13 : memref<128x32xf32, #tpu.memory_space<vmem>>)
      %dma_start3A_127 = arith.constant 3 : i32
      %dma_start3A_128 = arith.constant 0 : i32
      %dma_start3A_129 = tpu.memref_slice %arg9[%dma_start3A_127, %dma_start3A_128] : memref<4x128xi32, #tpu.memory_space<vmem>> -> memref<1x128xi32, #tpu.memory_space<vmem>>
      %dma_start3A_130 = tpu.memref_squeeze %dma_start3A_129 : memref<1x128xi32, #tpu.memory_space<vmem>> -> memref<128xi32, #tpu.memory_space<vmem>>
      %dma_start3A_131 = arith.constant 0 : i32
      %dma_start3A_132 = arith.constant 0 : i32
      %dma_start3A_133 = tpu.memref_slice %arg7[%dma_start3A_131, %dma_start3A_132] : memref<10016x32xf32, #tpu.memory_space<vmem_shared>> -> memref<10016x32xf32, #tpu.memory_space<vmem_shared>>
      tpu.enqueue_indirect_dma source(%arg13 : memref<128x32xf32, #tpu.memory_space<vmem>>) target(%dma_start3A_133 : memref<10016x32xf32, #tpu.memory_space<vmem_shared>>) offsets(%dma_start3A_130 : memref<128xi32, #tpu.memory_space<vmem>>) semaphore(%arg21 : memref<!tpu.dma_semaphore, #tpu.memory_space<semaphore_mem>>) {add = true}
      %dma_wait3A_134 = arith.constant 0 : i32
      %dma_wait3A_135 = arith.constant 0 : i32
      %dma_wait3A_136 = tpu.memref_slice %arg9[%dma_wait3A_134, %dma_wait3A_135] : memref<4x128xi32, #tpu.memory_space<vmem>> -> memref<1x128xi32, #tpu.memory_space<vmem>>
      %dma_wait3A_137 = tpu.memref_squeeze %dma_wait3A_136 : memref<1x128xi32, #tpu.memory_space<vmem>> -> memref<128xi32, #tpu.memory_space<vmem>>
      %dma_wait3A_138 = arith.constant 0 : i32
      %dma_wait3A_139 = arith.constant 0 : i32
      %dma_wait3A_140 = tpu.memref_slice %arg7[%dma_wait3A_138, %dma_wait3A_139] : memref<10016x32xf32, #tpu.memory_space<vmem_shared>> -> memref<10016x32xf32, #tpu.memory_space<vmem_shared>>
      tpu.wait_indirect_dma semaphore(%arg18 : memref<!tpu.dma_semaphore, #tpu.memory_space<semaphore_mem>>) src(%arg10 : memref<128x32xf32, #tpu.memory_space<vmem>>) dst(%dma_wait3A_140 : memref<10016x32xf32, #tpu.memory_space<vmem_shared>>)
      %dma_wait3A_141 = arith.constant 1 : i32
      %dma_wait3A_142 = arith.constant 0 : i32
      %dma_wait3A_143 = tpu.memref_slice %arg9[%dma_wait3A_141, %dma_wait3A_142] : memref<4x128xi32, #tpu.memory_space<vmem>> -> memref<1x128xi32, #tpu.memory_space<vmem>>
      %dma_wait3A_144 = tpu.memref_squeeze %dma_wait3A_143 : memref<1x128xi32, #tpu.memory_space<vmem>> -> memref<128xi32, #tpu.memory_space<vmem>>
      %dma_wait3A_145 = arith.constant 0 : i32
      %dma_wait3A_146 = arith.constant 0 : i32
      %dma_wait3A_147 = tpu.memref_slice %arg7[%dma_wait3A_145, %dma_wait3A_146] : memref<10016x32xf32, #tpu.memory_space<vmem_shared>> -> memref<10016x32xf32, #tpu.memory_space<vmem_shared>>
      tpu.wait_indirect_dma semaphore(%arg19 : memref<!tpu.dma_semaphore, #tpu.memory_space<semaphore_mem>>) src(%arg11 : memref<128x32xf32, #tpu.memory_space<vmem>>) dst(%dma_wait3A_147 : memref<10016x32xf32, #tpu.memory_space<vmem_shared>>)
      %dma_wait3A_148 = arith.constant 2 : i32
      %dma_wait3A_149 = arith.constant 0 : i32
      %dma_wait3A_150 = tpu.memref_slice %arg9[%dma_wait3A_148, %dma_wait3A_149] : memref<4x128xi32, #tpu.memory_space<vmem>> -> memref<1x128xi32, #tpu.memory_space<vmem>>
      %dma_wait3A_151 = tpu.memref_squeeze %dma_wait3A_150 : memref<1x128xi32, #tpu.memory_space<vmem>> -> memref<128xi32, #tpu.memory_space<vmem>>
      %dma_wait3A_152 = arith.constant 0 : i32
      %dma_wait3A_153 = arith.constant 0 : i32
      %dma_wait3A_154 = tpu.memref_slice %arg7[%dma_wait3A_152, %dma_wait3A_153] : memref<10016x32xf32, #tpu.memory_space<vmem_shared>> -> memref<10016x32xf32, #tpu.memory_space<vmem_shared>>
      tpu.wait_indirect_dma semaphore(%arg20 : memref<!tpu.dma_semaphore, #tpu.memory_space<semaphore_mem>>) src(%arg12 : memref<128x32xf32, #tpu.memory_space<vmem>>) dst(%dma_wait3A_154 : memref<10016x32xf32, #tpu.memory_space<vmem_shared>>)
      %dma_wait3A_155 = arith.constant 3 : i32
      %dma_wait3A_156 = arith.constant 0 : i32
      %dma_wait3A_157 = tpu.memref_slice %arg9[%dma_wait3A_155, %dma_wait3A_156] : memref<4x128xi32, #tpu.memory_space<vmem>> -> memref<1x128xi32, #tpu.memory_space<vmem>>
      %dma_wait3A_158 = tpu.memref_squeeze %dma_wait3A_157 : memref<1x128xi32, #tpu.memory_space<vmem>> -> memref<128xi32, #tpu.memory_space<vmem>>
      %dma_wait3A_159 = arith.constant 0 : i32
      %dma_wait3A_160 = arith.constant 0 : i32
      %dma_wait3A_161 = tpu.memref_slice %arg7[%dma_wait3A_159, %dma_wait3A_160] : memref<10016x32xf32, #tpu.memory_space<vmem_shared>> -> memref<10016x32xf32, #tpu.memory_space<vmem_shared>>
      tpu.wait_indirect_dma semaphore(%arg21 : memref<!tpu.dma_semaphore, #tpu.memory_space<semaphore_mem>>) src(%arg13 : memref<128x32xf32, #tpu.memory_space<vmem>>) dst(%dma_wait3A_161 : memref<10016x32xf32, #tpu.memory_space<vmem_shared>>)
    }
    %barrier3A_36 = arith.constant 0 : index
    tpu.barrier barrier_id(%barrier3A_36)
    %mul3A_37 = arith.constant 10000 : i32
    %mul3A_38 = arith.muli %arg0, %mul3A_37 : i32
    %add3A_39 = arith.addi %mul3A_38, %mul3A_0 : i32
    "tpu.region"() ({
      %run_scoped3A = tpu.sem_alloc : memref<!tpu.dma_semaphore, #tpu.memory_space<semaphore_mem>>
      %dma_start3A = arith.constant 0 : i32
      %dma_start3A_45 = tpu.memref_slice %arg6[%add3A_39, %dma_start3A] : memref<20000x32xf32, #tpu.memory_space<hbm>> -> memref<624x32xf32, #tpu.memory_space<hbm>>
      %dma_start3A_46 = arith.constant 0 : i32
      %dma_start3A_47 = tpu.memref_slice %arg7[%mul3A_0, %dma_start3A_46] : memref<10016x32xf32, #tpu.memory_space<vmem_shared>> -> memref<624x32xf32, #tpu.memory_space<vmem_shared>>
      tpu.enqueue_dma source(%dma_start3A_47 : memref<624x32xf32, #tpu.memory_space<vmem_shared>>) target(%dma_start3A_45 : memref<624x32xf32, #tpu.memory_space<hbm>>) target_semaphore(%run_scoped3A : memref<!tpu.dma_semaphore, #tpu.memory_space<semaphore_mem>>)
      %dma_wait3A = arith.constant 0 : i32
      %dma_wait3A_48 = tpu.memref_slice %arg6[%add3A_39, %dma_wait3A] : memref<20000x32xf32, #tpu.memory_space<hbm>> -> memref<624x32xf32, #tpu.memory_space<hbm>>
      %dma_wait3A_49 = arith.constant 0 : i32
      %dma_wait3A_50 = tpu.memref_slice %arg7[%mul3A_0, %dma_wait3A_49] : memref<10016x32xf32, #tpu.memory_space<vmem_shared>> -> memref<624x32xf32, #tpu.memory_space<vmem_shared>>
      tpu.wait_dma2 semaphore(%run_scoped3A : memref<!tpu.dma_semaphore, #tpu.memory_space<semaphore_mem>>) src(%dma_wait3A_50 : memref<624x32xf32, #tpu.memory_space<vmem_shared>>) dst(%dma_wait3A_48 : memref<624x32xf32, #tpu.memory_space<hbm>>)
      tpu.yield
    }) : () -> ()
    %eq3A_40 = arith.constant 15 : i32
    %eq3A_41 = arith.cmpi eq, %arg1, %eq3A_40 : i32
    %convert_element_type3A_42 = arith.extui %eq3A_41 : i1 to i32
    %cond3A_43 = arith.constant 0 : i32
    %cond3A_44 = arith.cmpi ne, %convert_element_type3A_42, %cond3A_43 : i32
    scf.if %cond3A_44 {
      %mul3A_45 = arith.constant 10000 : i32
      %mul3A_46 = arith.muli %arg0, %mul3A_45 : i32
      %add3A_47 = arith.constant 9984 : i32
      %add3A_48 = arith.addi %mul3A_46, %add3A_47 : i32
      "tpu.region"() ({
        %run_scoped3A = tpu.sem_alloc : memref<!tpu.dma_semaphore, #tpu.memory_space<semaphore_mem>>
        %dma_start3A = arith.constant 0 : i32
        %dma_start3A_49 = tpu.memref_slice %arg6[%add3A_48, %dma_start3A] : memref<20000x32xf32, #tpu.memory_space<hbm>> -> memref<16x32xf32, #tpu.memory_space<hbm>>
        %dma_start3A_50 = arith.constant 9984 : i32
        %dma_start3A_51 = arith.constant 0 : i32
        %dma_start3A_52 = tpu.memref_slice %arg7[%dma_start3A_50, %dma_start3A_51] : memref<10016x32xf32, #tpu.memory_space<vmem_shared>> -> memref<16x32xf32, #tpu.memory_space<vmem_shared>>
        tpu.enqueue_dma source(%dma_start3A_52 : memref<16x32xf32, #tpu.memory_space<vmem_shared>>) target(%dma_start3A_49 : memref<16x32xf32, #tpu.memory_space<hbm>>) target_semaphore(%run_scoped3A : memref<!tpu.dma_semaphore, #tpu.memory_space<semaphore_mem>>)
        %dma_wait3A = arith.constant 0 : i32
        %dma_wait3A_53 = tpu.memref_slice %arg6[%add3A_48, %dma_wait3A] : memref<20000x32xf32, #tpu.memory_space<hbm>> -> memref<16x32xf32, #tpu.memory_space<hbm>>
        %dma_wait3A_54 = arith.constant 9984 : i32
        %dma_wait3A_55 = arith.constant 0 : i32
        %dma_wait3A_56 = tpu.memref_slice %arg7[%dma_wait3A_54, %dma_wait3A_55] : memref<10016x32xf32, #tpu.memory_space<vmem_shared>> -> memref<16x32xf32, #tpu.memory_space<vmem_shared>>
        tpu.wait_dma2 semaphore(%run_scoped3A : memref<!tpu.dma_semaphore, #tpu.memory_space<semaphore_mem>>) src(%dma_wait3A_56 : memref<16x32xf32, #tpu.memory_space<vmem_shared>>) dst(%dma_wait3A_53 : memref<16x32xf32, #tpu.memory_space<hbm>>)
        tpu.yield
      }) : () -> ()
    } else {
    }
    return
  }
}

#map = affine_map<(d0, d1) -> (0, 0)>
module attributes {stable_mosaic.version = 14 : i64} {
  func.func @body(%arg0: i32, %arg1: i32, %arg2: memref<10008x128xf32, #tpu.memory_space<hbm>>, %arg3: memref<1280x128xi32, #tpu.memory_space<hbm>>, %arg4: memref<1280x128xi32, #tpu.memory_space<hbm>>, %arg5: memref<10000x128xf32, #tpu.memory_space<hbm>>, %arg6: memref<20000x128xf32, #tpu.memory_space<hbm>>, %arg7: memref<10016x128xf32, #tpu.memory_space<vmem_shared>>, %arg8: memref<2x128xi32, #tpu.memory_space<vmem>>, %arg9: memref<2x128xi32, #tpu.memory_space<vmem>>, %arg10: memref<128x128xf32, #tpu.memory_space<vmem>>, %arg11: memref<128x128xf32, #tpu.memory_space<vmem>>, %arg12: memref<!tpu.dma_semaphore, #tpu.memory_space<semaphore_mem>>, %arg13: memref<!tpu.dma_semaphore, #tpu.memory_space<semaphore_mem>>, %arg14: memref<!tpu.dma_semaphore, #tpu.memory_space<semaphore_mem>>, %arg15: memref<!tpu.dma_semaphore, #tpu.memory_space<semaphore_mem>>) attributes {dimension_semantics = [#tpu.dimension_semantics<core_parallel>, #tpu.dimension_semantics<subcore_parallel>], iteration_bounds = array<i64: 2, 16>, scalar_prefetch = 0 : i64, scratch_operands = 9 : i64, tpu.core_type = #tpu.core_type<sc_vector_subcore>, window_params = [{transform_indices = #map}, {transform_indices = #map}, {transform_indices = #map}, {transform_indices = #map}, {transform_indices = #map}]} {
    %mul3A = arith.constant 624 : i32
    %mul3A_0 = arith.muli %arg1, %mul3A : i32
    "tpu.region"() ({
      %run_scoped3A = tpu.sem_alloc : memref<!tpu.dma_semaphore, #tpu.memory_space<semaphore_mem>>
      %dma_start3A = arith.constant 0 : i32
      %dma_start3A_45 = tpu.memref_slice %arg7[%mul3A_0, %dma_start3A] : memref<10016x128xf32, #tpu.memory_space<vmem_shared>> -> memref<624x128xf32, #tpu.memory_space<vmem_shared>>
      %dma_start3A_46 = arith.constant 0 : i32
      %dma_start3A_47 = tpu.memref_slice %arg5[%mul3A_0, %dma_start3A_46] : memref<10000x128xf32, #tpu.memory_space<hbm>> -> memref<624x128xf32, #tpu.memory_space<hbm>>
      tpu.enqueue_dma source(%dma_start3A_47 : memref<624x128xf32, #tpu.memory_space<hbm>>) target(%dma_start3A_45 : memref<624x128xf32, #tpu.memory_space<vmem_shared>>) target_semaphore(%run_scoped3A : memref<!tpu.dma_semaphore, #tpu.memory_space<semaphore_mem>>)
      %dma_wait3A = arith.constant 0 : i32
      %dma_wait3A_48 = tpu.memref_slice %arg7[%mul3A_0, %dma_wait3A] : memref<10016x128xf32, #tpu.memory_space<vmem_shared>> -> memref<624x128xf32, #tpu.memory_space<vmem_shared>>
      %dma_wait3A_49 = arith.constant 0 : i32
      %dma_wait3A_50 = tpu.memref_slice %arg5[%mul3A_0, %dma_wait3A_49] : memref<10000x128xf32, #tpu.memory_space<hbm>> -> memref<624x128xf32, #tpu.memory_space<hbm>>
      tpu.wait_dma2 semaphore(%run_scoped3A : memref<!tpu.dma_semaphore, #tpu.memory_space<semaphore_mem>>) src(%dma_wait3A_50 : memref<624x128xf32, #tpu.memory_space<hbm>>) dst(%dma_wait3A_48 : memref<624x128xf32, #tpu.memory_space<vmem_shared>>)
      tpu.yield
    }) : () -> ()
    %eq3A = arith.constant 15 : i32
    %eq3A_1 = arith.cmpi eq, %arg1, %eq3A : i32
    %convert_element_type3A = arith.extui %eq3A_1 : i1 to i32
    %cond3A = arith.constant 0 : i32
    %cond3A_2 = arith.cmpi ne, %convert_element_type3A, %cond3A : i32
    scf.if %cond3A_2 {
      "tpu.region"() ({
        %run_scoped3A = tpu.sem_alloc : memref<!tpu.dma_semaphore, #tpu.memory_space<semaphore_mem>>
        %dma_start3A = arith.constant 9984 : i32
        %dma_start3A_45 = arith.constant 0 : i32
        %dma_start3A_46 = tpu.memref_slice %arg7[%dma_start3A, %dma_start3A_45] : memref<10016x128xf32, #tpu.memory_space<vmem_shared>> -> memref<16x128xf32, #tpu.memory_space<vmem_shared>>
        %dma_start3A_47 = arith.constant 9984 : i32
        %dma_start3A_48 = arith.constant 0 : i32
        %dma_start3A_49 = tpu.memref_slice %arg5[%dma_start3A_47, %dma_start3A_48] : memref<10000x128xf32, #tpu.memory_space<hbm>> -> memref<16x128xf32, #tpu.memory_space<hbm>>
        tpu.enqueue_dma source(%dma_start3A_49 : memref<16x128xf32, #tpu.memory_space<hbm>>) target(%dma_start3A_46 : memref<16x128xf32, #tpu.memory_space<vmem_shared>>) target_semaphore(%run_scoped3A : memref<!tpu.dma_semaphore, #tpu.memory_space<semaphore_mem>>)
        %dma_wait3A = arith.constant 9984 : i32
        %dma_wait3A_50 = arith.constant 0 : i32
        %dma_wait3A_51 = tpu.memref_slice %arg7[%dma_wait3A, %dma_wait3A_50] : memref<10016x128xf32, #tpu.memory_space<vmem_shared>> -> memref<16x128xf32, #tpu.memory_space<vmem_shared>>
        %dma_wait3A_52 = arith.constant 9984 : i32
        %dma_wait3A_53 = arith.constant 0 : i32
        %dma_wait3A_54 = tpu.memref_slice %arg5[%dma_wait3A_52, %dma_wait3A_53] : memref<10000x128xf32, #tpu.memory_space<hbm>> -> memref<16x128xf32, #tpu.memory_space<hbm>>
        tpu.wait_dma2 semaphore(%run_scoped3A : memref<!tpu.dma_semaphore, #tpu.memory_space<semaphore_mem>>) src(%dma_wait3A_54 : memref<16x128xf32, #tpu.memory_space<hbm>>) dst(%dma_wait3A_51 : memref<16x128xf32, #tpu.memory_space<vmem_shared>>)
        tpu.yield
      }) : () -> ()
    } else {
    }
    %barrier3A = arith.constant 0 : index
    tpu.barrier barrier_id(%barrier3A)
    %eq3A_3 = arith.constant 0 : i32
    %eq3A_4 = arith.cmpi eq, %arg0, %eq3A_3 : i32
    %jit3A = arith.constant 72 : i32
    %jit3A_5 = arith.constant 8 : i32
    %select_n3A = arith.select %eq3A_4, %jit3A, %jit3A_5 : i32
    %mul3A_6 = arith.constant 1152 : i32
    %mul3A_7 = arith.muli %arg0, %mul3A_6 : i32
    %mul3A_8 = arith.muli %arg1, %select_n3A : i32
    %add3A = arith.addi %mul3A_7, %mul3A_8 : i32
    %jit3A_9 = arith.constant 2 : i32
    %div3A = arith.divsi %select_n3A, %jit3A_9 : i32
    %sign3A = arith.constant 0 : i32
    %sign3A_10 = arith.cmpi sgt, %select_n3A, %sign3A : i32
    %sign3A_11 = arith.extui %sign3A_10 : i1 to i32
    %sign3A_12 = arith.constant 0 : i32
    %sign3A_13 = arith.cmpi slt, %select_n3A, %sign3A_12 : i32
    %sign3A_14 = arith.extui %sign3A_13 : i1 to i32
    %sign3A_15 = arith.subi %sign3A_11, %sign3A_14 : i32
    %sign3A_16 = arith.constant 0 : i32
    %sign3A_17 = arith.cmpi sgt, %jit3A_9, %sign3A_16 : i32
    %sign3A_18 = arith.extui %sign3A_17 : i1 to i32
    %sign3A_19 = arith.constant 0 : i32
    %sign3A_20 = arith.cmpi slt, %jit3A_9, %sign3A_19 : i32
    %sign3A_21 = arith.extui %sign3A_20 : i1 to i32
    %sign3A_22 = arith.subi %sign3A_18, %sign3A_21 : i32
    %ne3A = arith.cmpi ne, %sign3A_15, %sign3A_22 : i32
    %rem3A = arith.remsi %select_n3A, %jit3A_9 : i32
    %ne3A_23 = arith.constant 0 : i32
    %ne3A_24 = arith.cmpi ne, %rem3A, %ne3A_23 : i32
    %and3A = arith.andi %ne3A, %ne3A_24 : i1
    %sub3A = arith.constant 1 : i32
    %sub3A_25 = arith.subi %div3A, %sub3A : i32
    %select_n3A_26 = arith.select %and3A, %sub3A_25, %div3A : i32
    %while3A = arith.constant 0 : i32
    %while3A_27 = arith.constant 0 : i32
    %while3A_28 = arith.subi %select_n3A_26, %while3A_27 : i32
    %while3A_29 = arith.addi %while3A_27, %while3A_28 : i32
    %while3A_30 = arith.constant 1 : i32
    %while3A_31 = arith.divsi %while3A_28, %while3A_30 : i32
    %while3A_32 = arith.muli %while3A_31, %while3A_30 : i32
    %while3A_33 = arith.addi %while3A_27, %while3A_32 : i32
    %while3A_34 = arith.constant 1 : i32
    scf.for %while3A_45 = %while3A_27 to %while3A_33 step %while3A_34  : i32 {
      %mul3A_46 = arith.constant 2 : i32
      %mul3A_47 = arith.muli %mul3A_46, %while3A_45 : i32
      %add3A_48 = arith.addi %add3A, %mul3A_47 : i32
      "tpu.region"() ({
        %run_scoped3A = tpu.sem_alloc : memref<!tpu.dma_semaphore, #tpu.memory_space<semaphore_mem>>
        %dma_start3A_106 = arith.constant 0 : i32
        %dma_start3A_107 = tpu.memref_slice %arg3[%add3A_48, %dma_start3A_106] : memref<1280x128xi32, #tpu.memory_space<hbm>> -> memref<2x128xi32, #tpu.memory_space<hbm>>
        %dma_start3A_108 = arith.constant 0 : i32
        %dma_start3A_109 = tpu.memref_slice %arg3[%add3A_48, %dma_start3A_108] : memref<1280x128xi32, #tpu.memory_space<hbm>> -> memref<2x128xi32, #tpu.memory_space<hbm>>
        tpu.enqueue_dma source(%dma_start3A_109 : memref<2x128xi32, #tpu.memory_space<hbm>>) target(%arg8 : memref<2x128xi32, #tpu.memory_space<vmem>>) target_semaphore(%run_scoped3A : memref<!tpu.dma_semaphore, #tpu.memory_space<semaphore_mem>>)
        %dma_wait3A_110 = arith.constant 0 : i32
        %dma_wait3A_111 = tpu.memref_slice %arg3[%add3A_48, %dma_wait3A_110] : memref<1280x128xi32, #tpu.memory_space<hbm>> -> memref<2x128xi32, #tpu.memory_space<hbm>>
        %dma_wait3A_112 = arith.constant 0 : i32
        %dma_wait3A_113 = tpu.memref_slice %arg3[%add3A_48, %dma_wait3A_112] : memref<1280x128xi32, #tpu.memory_space<hbm>> -> memref<2x128xi32, #tpu.memory_space<hbm>>
        tpu.wait_dma2 semaphore(%run_scoped3A : memref<!tpu.dma_semaphore, #tpu.memory_space<semaphore_mem>>) src(%dma_wait3A_113 : memref<2x128xi32, #tpu.memory_space<hbm>>) dst(%arg8 : memref<2x128xi32, #tpu.memory_space<vmem>>)
        tpu.yield
      }) : () -> ()
      %mul3A_49 = arith.constant 2 : i32
      %mul3A_50 = arith.muli %mul3A_49, %while3A_45 : i32
      %add3A_51 = arith.addi %add3A, %mul3A_50 : i32
      "tpu.region"() ({
        %run_scoped3A = tpu.sem_alloc : memref<!tpu.dma_semaphore, #tpu.memory_space<semaphore_mem>>
        %dma_start3A_106 = arith.constant 0 : i32
        %dma_start3A_107 = tpu.memref_slice %arg4[%add3A_51, %dma_start3A_106] : memref<1280x128xi32, #tpu.memory_space<hbm>> -> memref<2x128xi32, #tpu.memory_space<hbm>>
        %dma_start3A_108 = arith.constant 0 : i32
        %dma_start3A_109 = tpu.memref_slice %arg4[%add3A_51, %dma_start3A_108] : memref<1280x128xi32, #tpu.memory_space<hbm>> -> memref<2x128xi32, #tpu.memory_space<hbm>>
        tpu.enqueue_dma source(%dma_start3A_109 : memref<2x128xi32, #tpu.memory_space<hbm>>) target(%arg9 : memref<2x128xi32, #tpu.memory_space<vmem>>) target_semaphore(%run_scoped3A : memref<!tpu.dma_semaphore, #tpu.memory_space<semaphore_mem>>)
        %dma_wait3A_110 = arith.constant 0 : i32
        %dma_wait3A_111 = tpu.memref_slice %arg4[%add3A_51, %dma_wait3A_110] : memref<1280x128xi32, #tpu.memory_space<hbm>> -> memref<2x128xi32, #tpu.memory_space<hbm>>
        %dma_wait3A_112 = arith.constant 0 : i32
        %dma_wait3A_113 = tpu.memref_slice %arg4[%add3A_51, %dma_wait3A_112] : memref<1280x128xi32, #tpu.memory_space<hbm>> -> memref<2x128xi32, #tpu.memory_space<hbm>>
        tpu.wait_dma2 semaphore(%run_scoped3A : memref<!tpu.dma_semaphore, #tpu.memory_space<semaphore_mem>>) src(%dma_wait3A_113 : memref<2x128xi32, #tpu.memory_space<hbm>>) dst(%arg9 : memref<2x128xi32, #tpu.memory_space<vmem>>)
        tpu.yield
      }) : () -> ()
      %dma_start3A = arith.constant 0 : i32
      %dma_start3A_52 = arith.constant 0 : i32
      %dma_start3A_53 = tpu.memref_slice %arg8[%dma_start3A, %dma_start3A_52] : memref<2x128xi32, #tpu.memory_space<vmem>> -> memref<1x128xi32, #tpu.memory_space<vmem>>
      %dma_start3A_54 = tpu.memref_squeeze %dma_start3A_53 : memref<1x128xi32, #tpu.memory_space<vmem>> -> memref<128xi32, #tpu.memory_space<vmem>>
      %dma_start3A_55 = arith.constant 0 : i32
      %dma_start3A_56 = arith.constant 0 : i32
      %dma_start3A_57 = tpu.memref_slice %arg2[%dma_start3A_55, %dma_start3A_56] : memref<10008x128xf32, #tpu.memory_space<hbm>> -> memref<10008x128xf32, #tpu.memory_space<hbm>>
      tpu.enqueue_indirect_dma source(%dma_start3A_57 : memref<10008x128xf32, #tpu.memory_space<hbm>>) target(%arg10 : memref<128x128xf32, #tpu.memory_space<vmem>>) offsets(%dma_start3A_54 : memref<128xi32, #tpu.memory_space<vmem>>) semaphore(%arg12 : memref<!tpu.dma_semaphore, #tpu.memory_space<semaphore_mem>>)
      %dma_start3A_58 = arith.constant 1 : i32
      %dma_start3A_59 = arith.constant 0 : i32
      %dma_start3A_60 = tpu.memref_slice %arg8[%dma_start3A_58, %dma_start3A_59] : memref<2x128xi32, #tpu.memory_space<vmem>> -> memref<1x128xi32, #tpu.memory_space<vmem>>
      %dma_start3A_61 = tpu.memref_squeeze %dma_start3A_60 : memref<1x128xi32, #tpu.memory_space<vmem>> -> memref<128xi32, #tpu.memory_space<vmem>>
      %dma_start3A_62 = arith.constant 0 : i32
      %dma_start3A_63 = arith.constant 0 : i32
      %dma_start3A_64 = tpu.memref_slice %arg2[%dma_start3A_62, %dma_start3A_63] : memref<10008x128xf32, #tpu.memory_space<hbm>> -> memref<10008x128xf32, #tpu.memory_space<hbm>>
      tpu.enqueue_indirect_dma source(%dma_start3A_64 : memref<10008x128xf32, #tpu.memory_space<hbm>>) target(%arg11 : memref<128x128xf32, #tpu.memory_space<vmem>>) offsets(%dma_start3A_61 : memref<128xi32, #tpu.memory_space<vmem>>) semaphore(%arg13 : memref<!tpu.dma_semaphore, #tpu.memory_space<semaphore_mem>>)
      %dma_wait3A = arith.constant 0 : i32
      %dma_wait3A_65 = arith.constant 0 : i32
      %dma_wait3A_66 = tpu.memref_slice %arg8[%dma_wait3A, %dma_wait3A_65] : memref<2x128xi32, #tpu.memory_space<vmem>> -> memref<1x128xi32, #tpu.memory_space<vmem>>
      %dma_wait3A_67 = tpu.memref_squeeze %dma_wait3A_66 : memref<1x128xi32, #tpu.memory_space<vmem>> -> memref<128xi32, #tpu.memory_space<vmem>>
      %dma_wait3A_68 = arith.constant 0 : i32
      %dma_wait3A_69 = arith.constant 0 : i32
      %dma_wait3A_70 = tpu.memref_slice %arg2[%dma_wait3A_68, %dma_wait3A_69] : memref<10008x128xf32, #tpu.memory_space<hbm>> -> memref<10008x128xf32, #tpu.memory_space<hbm>>
      tpu.wait_indirect_dma semaphore(%arg12 : memref<!tpu.dma_semaphore, #tpu.memory_space<semaphore_mem>>) src(%dma_wait3A_70 : memref<10008x128xf32, #tpu.memory_space<hbm>>) dst(%arg10 : memref<128x128xf32, #tpu.memory_space<vmem>>)
      %dma_start3A_71 = arith.constant 0 : i32
      %dma_start3A_72 = arith.constant 0 : i32
      %dma_start3A_73 = tpu.memref_slice %arg9[%dma_start3A_71, %dma_start3A_72] : memref<2x128xi32, #tpu.memory_space<vmem>> -> memref<1x128xi32, #tpu.memory_space<vmem>>
      %dma_start3A_74 = tpu.memref_squeeze %dma_start3A_73 : memref<1x128xi32, #tpu.memory_space<vmem>> -> memref<128xi32, #tpu.memory_space<vmem>>
      %dma_start3A_75 = arith.constant 0 : i32
      %dma_start3A_76 = arith.constant 0 : i32
      %dma_start3A_77 = tpu.memref_slice %arg7[%dma_start3A_75, %dma_start3A_76] : memref<10016x128xf32, #tpu.memory_space<vmem_shared>> -> memref<10016x128xf32, #tpu.memory_space<vmem_shared>>
      tpu.enqueue_indirect_dma source(%arg10 : memref<128x128xf32, #tpu.memory_space<vmem>>) target(%dma_start3A_77 : memref<10016x128xf32, #tpu.memory_space<vmem_shared>>) offsets(%dma_start3A_74 : memref<128xi32, #tpu.memory_space<vmem>>) semaphore(%arg14 : memref<!tpu.dma_semaphore, #tpu.memory_space<semaphore_mem>>) {add = true}
      %dma_wait3A_78 = arith.constant 1 : i32
      %dma_wait3A_79 = arith.constant 0 : i32
      %dma_wait3A_80 = tpu.memref_slice %arg8[%dma_wait3A_78, %dma_wait3A_79] : memref<2x128xi32, #tpu.memory_space<vmem>> -> memref<1x128xi32, #tpu.memory_space<vmem>>
      %dma_wait3A_81 = tpu.memref_squeeze %dma_wait3A_80 : memref<1x128xi32, #tpu.memory_space<vmem>> -> memref<128xi32, #tpu.memory_space<vmem>>
      %dma_wait3A_82 = arith.constant 0 : i32
      %dma_wait3A_83 = arith.constant 0 : i32
      %dma_wait3A_84 = tpu.memref_slice %arg2[%dma_wait3A_82, %dma_wait3A_83] : memref<10008x128xf32, #tpu.memory_space<hbm>> -> memref<10008x128xf32, #tpu.memory_space<hbm>>
      tpu.wait_indirect_dma semaphore(%arg13 : memref<!tpu.dma_semaphore, #tpu.memory_space<semaphore_mem>>) src(%dma_wait3A_84 : memref<10008x128xf32, #tpu.memory_space<hbm>>) dst(%arg11 : memref<128x128xf32, #tpu.memory_space<vmem>>)
      %dma_start3A_85 = arith.constant 1 : i32
      %dma_start3A_86 = arith.constant 0 : i32
      %dma_start3A_87 = tpu.memref_slice %arg9[%dma_start3A_85, %dma_start3A_86] : memref<2x128xi32, #tpu.memory_space<vmem>> -> memref<1x128xi32, #tpu.memory_space<vmem>>
      %dma_start3A_88 = tpu.memref_squeeze %dma_start3A_87 : memref<1x128xi32, #tpu.memory_space<vmem>> -> memref<128xi32, #tpu.memory_space<vmem>>
      %dma_start3A_89 = arith.constant 0 : i32
      %dma_start3A_90 = arith.constant 0 : i32
      %dma_start3A_91 = tpu.memref_slice %arg7[%dma_start3A_89, %dma_start3A_90] : memref<10016x128xf32, #tpu.memory_space<vmem_shared>> -> memref<10016x128xf32, #tpu.memory_space<vmem_shared>>
      tpu.enqueue_indirect_dma source(%arg11 : memref<128x128xf32, #tpu.memory_space<vmem>>) target(%dma_start3A_91 : memref<10016x128xf32, #tpu.memory_space<vmem_shared>>) offsets(%dma_start3A_88 : memref<128xi32, #tpu.memory_space<vmem>>) semaphore(%arg15 : memref<!tpu.dma_semaphore, #tpu.memory_space<semaphore_mem>>) {add = true}
      %dma_wait3A_92 = arith.constant 0 : i32
      %dma_wait3A_93 = arith.constant 0 : i32
      %dma_wait3A_94 = tpu.memref_slice %arg9[%dma_wait3A_92, %dma_wait3A_93] : memref<2x128xi32, #tpu.memory_space<vmem>> -> memref<1x128xi32, #tpu.memory_space<vmem>>
      %dma_wait3A_95 = tpu.memref_squeeze %dma_wait3A_94 : memref<1x128xi32, #tpu.memory_space<vmem>> -> memref<128xi32, #tpu.memory_space<vmem>>
      %dma_wait3A_96 = arith.constant 0 : i32
      %dma_wait3A_97 = arith.constant 0 : i32
      %dma_wait3A_98 = tpu.memref_slice %arg7[%dma_wait3A_96, %dma_wait3A_97] : memref<10016x128xf32, #tpu.memory_space<vmem_shared>> -> memref<10016x128xf32, #tpu.memory_space<vmem_shared>>
      tpu.wait_indirect_dma semaphore(%arg14 : memref<!tpu.dma_semaphore, #tpu.memory_space<semaphore_mem>>) src(%arg10 : memref<128x128xf32, #tpu.memory_space<vmem>>) dst(%dma_wait3A_98 : memref<10016x128xf32, #tpu.memory_space<vmem_shared>>)
      %dma_wait3A_99 = arith.constant 1 : i32
      %dma_wait3A_100 = arith.constant 0 : i32
      %dma_wait3A_101 = tpu.memref_slice %arg9[%dma_wait3A_99, %dma_wait3A_100] : memref<2x128xi32, #tpu.memory_space<vmem>> -> memref<1x128xi32, #tpu.memory_space<vmem>>
      %dma_wait3A_102 = tpu.memref_squeeze %dma_wait3A_101 : memref<1x128xi32, #tpu.memory_space<vmem>> -> memref<128xi32, #tpu.memory_space<vmem>>
      %dma_wait3A_103 = arith.constant 0 : i32
      %dma_wait3A_104 = arith.constant 0 : i32
      %dma_wait3A_105 = tpu.memref_slice %arg7[%dma_wait3A_103, %dma_wait3A_104] : memref<10016x128xf32, #tpu.memory_space<vmem_shared>> -> memref<10016x128xf32, #tpu.memory_space<vmem_shared>>
      tpu.wait_indirect_dma semaphore(%arg15 : memref<!tpu.dma_semaphore, #tpu.memory_space<semaphore_mem>>) src(%arg11 : memref<128x128xf32, #tpu.memory_space<vmem>>) dst(%dma_wait3A_105 : memref<10016x128xf32, #tpu.memory_space<vmem_shared>>)
    }
    %while3A_35 = arith.constant 1 : i32
    scf.for %while3A_45 = %while3A_33 to %while3A_29 step %while3A_35  : i32 {
      %mul3A_46 = arith.constant 2 : i32
      %mul3A_47 = arith.muli %mul3A_46, %while3A_45 : i32
      %add3A_48 = arith.addi %add3A, %mul3A_47 : i32
      "tpu.region"() ({
        %run_scoped3A = tpu.sem_alloc : memref<!tpu.dma_semaphore, #tpu.memory_space<semaphore_mem>>
        %dma_start3A_106 = arith.constant 0 : i32
        %dma_start3A_107 = tpu.memref_slice %arg3[%add3A_48, %dma_start3A_106] : memref<1280x128xi32, #tpu.memory_space<hbm>> -> memref<2x128xi32, #tpu.memory_space<hbm>>
        %dma_start3A_108 = arith.constant 0 : i32
        %dma_start3A_109 = tpu.memref_slice %arg3[%add3A_48, %dma_start3A_108] : memref<1280x128xi32, #tpu.memory_space<hbm>> -> memref<2x128xi32, #tpu.memory_space<hbm>>
        tpu.enqueue_dma source(%dma_start3A_109 : memref<2x128xi32, #tpu.memory_space<hbm>>) target(%arg8 : memref<2x128xi32, #tpu.memory_space<vmem>>) target_semaphore(%run_scoped3A : memref<!tpu.dma_semaphore, #tpu.memory_space<semaphore_mem>>)
        %dma_wait3A_110 = arith.constant 0 : i32
        %dma_wait3A_111 = tpu.memref_slice %arg3[%add3A_48, %dma_wait3A_110] : memref<1280x128xi32, #tpu.memory_space<hbm>> -> memref<2x128xi32, #tpu.memory_space<hbm>>
        %dma_wait3A_112 = arith.constant 0 : i32
        %dma_wait3A_113 = tpu.memref_slice %arg3[%add3A_48, %dma_wait3A_112] : memref<1280x128xi32, #tpu.memory_space<hbm>> -> memref<2x128xi32, #tpu.memory_space<hbm>>
        tpu.wait_dma2 semaphore(%run_scoped3A : memref<!tpu.dma_semaphore, #tpu.memory_space<semaphore_mem>>) src(%dma_wait3A_113 : memref<2x128xi32, #tpu.memory_space<hbm>>) dst(%arg8 : memref<2x128xi32, #tpu.memory_space<vmem>>)
        tpu.yield
      }) : () -> ()
      %mul3A_49 = arith.constant 2 : i32
      %mul3A_50 = arith.muli %mul3A_49, %while3A_45 : i32
      %add3A_51 = arith.addi %add3A, %mul3A_50 : i32
      "tpu.region"() ({
        %run_scoped3A = tpu.sem_alloc : memref<!tpu.dma_semaphore, #tpu.memory_space<semaphore_mem>>
        %dma_start3A_106 = arith.constant 0 : i32
        %dma_start3A_107 = tpu.memref_slice %arg4[%add3A_51, %dma_start3A_106] : memref<1280x128xi32, #tpu.memory_space<hbm>> -> memref<2x128xi32, #tpu.memory_space<hbm>>
        %dma_start3A_108 = arith.constant 0 : i32
        %dma_start3A_109 = tpu.memref_slice %arg4[%add3A_51, %dma_start3A_108] : memref<1280x128xi32, #tpu.memory_space<hbm>> -> memref<2x128xi32, #tpu.memory_space<hbm>>
        tpu.enqueue_dma source(%dma_start3A_109 : memref<2x128xi32, #tpu.memory_space<hbm>>) target(%arg9 : memref<2x128xi32, #tpu.memory_space<vmem>>) target_semaphore(%run_scoped3A : memref<!tpu.dma_semaphore, #tpu.memory_space<semaphore_mem>>)
        %dma_wait3A_110 = arith.constant 0 : i32
        %dma_wait3A_111 = tpu.memref_slice %arg4[%add3A_51, %dma_wait3A_110] : memref<1280x128xi32, #tpu.memory_space<hbm>> -> memref<2x128xi32, #tpu.memory_space<hbm>>
        %dma_wait3A_112 = arith.constant 0 : i32
        %dma_wait3A_113 = tpu.memref_slice %arg4[%add3A_51, %dma_wait3A_112] : memref<1280x128xi32, #tpu.memory_space<hbm>> -> memref<2x128xi32, #tpu.memory_space<hbm>>
        tpu.wait_dma2 semaphore(%run_scoped3A : memref<!tpu.dma_semaphore, #tpu.memory_space<semaphore_mem>>) src(%dma_wait3A_113 : memref<2x128xi32, #tpu.memory_space<hbm>>) dst(%arg9 : memref<2x128xi32, #tpu.memory_space<vmem>>)
        tpu.yield
      }) : () -> ()
      %dma_start3A = arith.constant 0 : i32
      %dma_start3A_52 = arith.constant 0 : i32
      %dma_start3A_53 = tpu.memref_slice %arg8[%dma_start3A, %dma_start3A_52] : memref<2x128xi32, #tpu.memory_space<vmem>> -> memref<1x128xi32, #tpu.memory_space<vmem>>
      %dma_start3A_54 = tpu.memref_squeeze %dma_start3A_53 : memref<1x128xi32, #tpu.memory_space<vmem>> -> memref<128xi32, #tpu.memory_space<vmem>>
      %dma_start3A_55 = arith.constant 0 : i32
      %dma_start3A_56 = arith.constant 0 : i32
      %dma_start3A_57 = tpu.memref_slice %arg2[%dma_start3A_55, %dma_start3A_56] : memref<10008x128xf32, #tpu.memory_space<hbm>> -> memref<10008x128xf32, #tpu.memory_space<hbm>>
      tpu.enqueue_indirect_dma source(%dma_start3A_57 : memref<10008x128xf32, #tpu.memory_space<hbm>>) target(%arg10 : memref<128x128xf32, #tpu.memory_space<vmem>>) offsets(%dma_start3A_54 : memref<128xi32, #tpu.memory_space<vmem>>) semaphore(%arg12 : memref<!tpu.dma_semaphore, #tpu.memory_space<semaphore_mem>>)
      %dma_start3A_58 = arith.constant 1 : i32
      %dma_start3A_59 = arith.constant 0 : i32
      %dma_start3A_60 = tpu.memref_slice %arg8[%dma_start3A_58, %dma_start3A_59] : memref<2x128xi32, #tpu.memory_space<vmem>> -> memref<1x128xi32, #tpu.memory_space<vmem>>
      %dma_start3A_61 = tpu.memref_squeeze %dma_start3A_60 : memref<1x128xi32, #tpu.memory_space<vmem>> -> memref<128xi32, #tpu.memory_space<vmem>>
      %dma_start3A_62 = arith.constant 0 : i32
      %dma_start3A_63 = arith.constant 0 : i32
      %dma_start3A_64 = tpu.memref_slice %arg2[%dma_start3A_62, %dma_start3A_63] : memref<10008x128xf32, #tpu.memory_space<hbm>> -> memref<10008x128xf32, #tpu.memory_space<hbm>>
      tpu.enqueue_indirect_dma source(%dma_start3A_64 : memref<10008x128xf32, #tpu.memory_space<hbm>>) target(%arg11 : memref<128x128xf32, #tpu.memory_space<vmem>>) offsets(%dma_start3A_61 : memref<128xi32, #tpu.memory_space<vmem>>) semaphore(%arg13 : memref<!tpu.dma_semaphore, #tpu.memory_space<semaphore_mem>>)
      %dma_wait3A = arith.constant 0 : i32
      %dma_wait3A_65 = arith.constant 0 : i32
      %dma_wait3A_66 = tpu.memref_slice %arg8[%dma_wait3A, %dma_wait3A_65] : memref<2x128xi32, #tpu.memory_space<vmem>> -> memref<1x128xi32, #tpu.memory_space<vmem>>
      %dma_wait3A_67 = tpu.memref_squeeze %dma_wait3A_66 : memref<1x128xi32, #tpu.memory_space<vmem>> -> memref<128xi32, #tpu.memory_space<vmem>>
      %dma_wait3A_68 = arith.constant 0 : i32
      %dma_wait3A_69 = arith.constant 0 : i32
      %dma_wait3A_70 = tpu.memref_slice %arg2[%dma_wait3A_68, %dma_wait3A_69] : memref<10008x128xf32, #tpu.memory_space<hbm>> -> memref<10008x128xf32, #tpu.memory_space<hbm>>
      tpu.wait_indirect_dma semaphore(%arg12 : memref<!tpu.dma_semaphore, #tpu.memory_space<semaphore_mem>>) src(%dma_wait3A_70 : memref<10008x128xf32, #tpu.memory_space<hbm>>) dst(%arg10 : memref<128x128xf32, #tpu.memory_space<vmem>>)
      %dma_start3A_71 = arith.constant 0 : i32
      %dma_start3A_72 = arith.constant 0 : i32
      %dma_start3A_73 = tpu.memref_slice %arg9[%dma_start3A_71, %dma_start3A_72] : memref<2x128xi32, #tpu.memory_space<vmem>> -> memref<1x128xi32, #tpu.memory_space<vmem>>
      %dma_start3A_74 = tpu.memref_squeeze %dma_start3A_73 : memref<1x128xi32, #tpu.memory_space<vmem>> -> memref<128xi32, #tpu.memory_space<vmem>>
      %dma_start3A_75 = arith.constant 0 : i32
      %dma_start3A_76 = arith.constant 0 : i32
      %dma_start3A_77 = tpu.memref_slice %arg7[%dma_start3A_75, %dma_start3A_76] : memref<10016x128xf32, #tpu.memory_space<vmem_shared>> -> memref<10016x128xf32, #tpu.memory_space<vmem_shared>>
      tpu.enqueue_indirect_dma source(%arg10 : memref<128x128xf32, #tpu.memory_space<vmem>>) target(%dma_start3A_77 : memref<10016x128xf32, #tpu.memory_space<vmem_shared>>) offsets(%dma_start3A_74 : memref<128xi32, #tpu.memory_space<vmem>>) semaphore(%arg14 : memref<!tpu.dma_semaphore, #tpu.memory_space<semaphore_mem>>) {add = true}
      %dma_wait3A_78 = arith.constant 1 : i32
      %dma_wait3A_79 = arith.constant 0 : i32
      %dma_wait3A_80 = tpu.memref_slice %arg8[%dma_wait3A_78, %dma_wait3A_79] : memref<2x128xi32, #tpu.memory_space<vmem>> -> memref<1x128xi32, #tpu.memory_space<vmem>>
      %dma_wait3A_81 = tpu.memref_squeeze %dma_wait3A_80 : memref<1x128xi32, #tpu.memory_space<vmem>> -> memref<128xi32, #tpu.memory_space<vmem>>
      %dma_wait3A_82 = arith.constant 0 : i32
      %dma_wait3A_83 = arith.constant 0 : i32
      %dma_wait3A_84 = tpu.memref_slice %arg2[%dma_wait3A_82, %dma_wait3A_83] : memref<10008x128xf32, #tpu.memory_space<hbm>> -> memref<10008x128xf32, #tpu.memory_space<hbm>>
      tpu.wait_indirect_dma semaphore(%arg13 : memref<!tpu.dma_semaphore, #tpu.memory_space<semaphore_mem>>) src(%dma_wait3A_84 : memref<10008x128xf32, #tpu.memory_space<hbm>>) dst(%arg11 : memref<128x128xf32, #tpu.memory_space<vmem>>)
      %dma_start3A_85 = arith.constant 1 : i32
      %dma_start3A_86 = arith.constant 0 : i32
      %dma_start3A_87 = tpu.memref_slice %arg9[%dma_start3A_85, %dma_start3A_86] : memref<2x128xi32, #tpu.memory_space<vmem>> -> memref<1x128xi32, #tpu.memory_space<vmem>>
      %dma_start3A_88 = tpu.memref_squeeze %dma_start3A_87 : memref<1x128xi32, #tpu.memory_space<vmem>> -> memref<128xi32, #tpu.memory_space<vmem>>
      %dma_start3A_89 = arith.constant 0 : i32
      %dma_start3A_90 = arith.constant 0 : i32
      %dma_start3A_91 = tpu.memref_slice %arg7[%dma_start3A_89, %dma_start3A_90] : memref<10016x128xf32, #tpu.memory_space<vmem_shared>> -> memref<10016x128xf32, #tpu.memory_space<vmem_shared>>
      tpu.enqueue_indirect_dma source(%arg11 : memref<128x128xf32, #tpu.memory_space<vmem>>) target(%dma_start3A_91 : memref<10016x128xf32, #tpu.memory_space<vmem_shared>>) offsets(%dma_start3A_88 : memref<128xi32, #tpu.memory_space<vmem>>) semaphore(%arg15 : memref<!tpu.dma_semaphore, #tpu.memory_space<semaphore_mem>>) {add = true}
      %dma_wait3A_92 = arith.constant 0 : i32
      %dma_wait3A_93 = arith.constant 0 : i32
      %dma_wait3A_94 = tpu.memref_slice %arg9[%dma_wait3A_92, %dma_wait3A_93] : memref<2x128xi32, #tpu.memory_space<vmem>> -> memref<1x128xi32, #tpu.memory_space<vmem>>
      %dma_wait3A_95 = tpu.memref_squeeze %dma_wait3A_94 : memref<1x128xi32, #tpu.memory_space<vmem>> -> memref<128xi32, #tpu.memory_space<vmem>>
      %dma_wait3A_96 = arith.constant 0 : i32
      %dma_wait3A_97 = arith.constant 0 : i32
      %dma_wait3A_98 = tpu.memref_slice %arg7[%dma_wait3A_96, %dma_wait3A_97] : memref<10016x128xf32, #tpu.memory_space<vmem_shared>> -> memref<10016x128xf32, #tpu.memory_space<vmem_shared>>
      tpu.wait_indirect_dma semaphore(%arg14 : memref<!tpu.dma_semaphore, #tpu.memory_space<semaphore_mem>>) src(%arg10 : memref<128x128xf32, #tpu.memory_space<vmem>>) dst(%dma_wait3A_98 : memref<10016x128xf32, #tpu.memory_space<vmem_shared>>)
      %dma_wait3A_99 = arith.constant 1 : i32
      %dma_wait3A_100 = arith.constant 0 : i32
      %dma_wait3A_101 = tpu.memref_slice %arg9[%dma_wait3A_99, %dma_wait3A_100] : memref<2x128xi32, #tpu.memory_space<vmem>> -> memref<1x128xi32, #tpu.memory_space<vmem>>
      %dma_wait3A_102 = tpu.memref_squeeze %dma_wait3A_101 : memref<1x128xi32, #tpu.memory_space<vmem>> -> memref<128xi32, #tpu.memory_space<vmem>>
      %dma_wait3A_103 = arith.constant 0 : i32
      %dma_wait3A_104 = arith.constant 0 : i32
      %dma_wait3A_105 = tpu.memref_slice %arg7[%dma_wait3A_103, %dma_wait3A_104] : memref<10016x128xf32, #tpu.memory_space<vmem_shared>> -> memref<10016x128xf32, #tpu.memory_space<vmem_shared>>
      tpu.wait_indirect_dma semaphore(%arg15 : memref<!tpu.dma_semaphore, #tpu.memory_space<semaphore_mem>>) src(%arg11 : memref<128x128xf32, #tpu.memory_space<vmem>>) dst(%dma_wait3A_105 : memref<10016x128xf32, #tpu.memory_space<vmem_shared>>)
    }
    %barrier3A_36 = arith.constant 0 : index
    tpu.barrier barrier_id(%barrier3A_36)
    %mul3A_37 = arith.constant 10000 : i32
    %mul3A_38 = arith.muli %arg0, %mul3A_37 : i32
    %add3A_39 = arith.addi %mul3A_38, %mul3A_0 : i32
    "tpu.region"() ({
      %run_scoped3A = tpu.sem_alloc : memref<!tpu.dma_semaphore, #tpu.memory_space<semaphore_mem>>
      %dma_start3A = arith.constant 0 : i32
      %dma_start3A_45 = tpu.memref_slice %arg6[%add3A_39, %dma_start3A] : memref<20000x128xf32, #tpu.memory_space<hbm>> -> memref<624x128xf32, #tpu.memory_space<hbm>>
      %dma_start3A_46 = arith.constant 0 : i32
      %dma_start3A_47 = tpu.memref_slice %arg7[%mul3A_0, %dma_start3A_46] : memref<10016x128xf32, #tpu.memory_space<vmem_shared>> -> memref<624x128xf32, #tpu.memory_space<vmem_shared>>
      tpu.enqueue_dma source(%dma_start3A_47 : memref<624x128xf32, #tpu.memory_space<vmem_shared>>) target(%dma_start3A_45 : memref<624x128xf32, #tpu.memory_space<hbm>>) target_semaphore(%run_scoped3A : memref<!tpu.dma_semaphore, #tpu.memory_space<semaphore_mem>>)
      %dma_wait3A = arith.constant 0 : i32
      %dma_wait3A_48 = tpu.memref_slice %arg6[%add3A_39, %dma_wait3A] : memref<20000x128xf32, #tpu.memory_space<hbm>> -> memref<624x128xf32, #tpu.memory_space<hbm>>
      %dma_wait3A_49 = arith.constant 0 : i32
      %dma_wait3A_50 = tpu.memref_slice %arg7[%mul3A_0, %dma_wait3A_49] : memref<10016x128xf32, #tpu.memory_space<vmem_shared>> -> memref<624x128xf32, #tpu.memory_space<vmem_shared>>
      tpu.wait_dma2 semaphore(%run_scoped3A : memref<!tpu.dma_semaphore, #tpu.memory_space<semaphore_mem>>) src(%dma_wait3A_50 : memref<624x128xf32, #tpu.memory_space<vmem_shared>>) dst(%dma_wait3A_48 : memref<624x128xf32, #tpu.memory_space<hbm>>)
      tpu.yield
    }) : () -> ()
    %eq3A_40 = arith.constant 15 : i32
    %eq3A_41 = arith.cmpi eq, %arg1, %eq3A_40 : i32
    %convert_element_type3A_42 = arith.extui %eq3A_41 : i1 to i32
    %cond3A_43 = arith.constant 0 : i32
    %cond3A_44 = arith.cmpi ne, %convert_element_type3A_42, %cond3A_43 : i32
    scf.if %cond3A_44 {
      %mul3A_45 = arith.constant 10000 : i32
      %mul3A_46 = arith.muli %arg0, %mul3A_45 : i32
      %add3A_47 = arith.constant 9984 : i32
      %add3A_48 = arith.addi %mul3A_46, %add3A_47 : i32
      "tpu.region"() ({
        %run_scoped3A = tpu.sem_alloc : memref<!tpu.dma_semaphore, #tpu.memory_space<semaphore_mem>>
        %dma_start3A = arith.constant 0 : i32
        %dma_start3A_49 = tpu.memref_slice %arg6[%add3A_48, %dma_start3A] : memref<20000x128xf32, #tpu.memory_space<hbm>> -> memref<16x128xf32, #tpu.memory_space<hbm>>
        %dma_start3A_50 = arith.constant 9984 : i32
        %dma_start3A_51 = arith.constant 0 : i32
        %dma_start3A_52 = tpu.memref_slice %arg7[%dma_start3A_50, %dma_start3A_51] : memref<10016x128xf32, #tpu.memory_space<vmem_shared>> -> memref<16x128xf32, #tpu.memory_space<vmem_shared>>
        tpu.enqueue_dma source(%dma_start3A_52 : memref<16x128xf32, #tpu.memory_space<vmem_shared>>) target(%dma_start3A_49 : memref<16x128xf32, #tpu.memory_space<hbm>>) target_semaphore(%run_scoped3A : memref<!tpu.dma_semaphore, #tpu.memory_space<semaphore_mem>>)
        %dma_wait3A = arith.constant 0 : i32
        %dma_wait3A_53 = tpu.memref_slice %arg6[%add3A_48, %dma_wait3A] : memref<20000x128xf32, #tpu.memory_space<hbm>> -> memref<16x128xf32, #tpu.memory_space<hbm>>
        %dma_wait3A_54 = arith.constant 9984 : i32
        %dma_wait3A_55 = arith.constant 0 : i32
        %dma_wait3A_56 = tpu.memref_slice %arg7[%dma_wait3A_54, %dma_wait3A_55] : memref<10016x128xf32, #tpu.memory_space<vmem_shared>> -> memref<16x128xf32, #tpu.memory_space<vmem_shared>>
        tpu.wait_dma2 semaphore(%run_scoped3A : memref<!tpu.dma_semaphore, #tpu.memory_space<semaphore_mem>>) src(%dma_wait3A_56 : memref<16x128xf32, #tpu.memory_space<vmem_shared>>) dst(%dma_wait3A_53 : memref<16x128xf32, #tpu.memory_space<hbm>>)
        tpu.yield
      }) : () -> ()
    } else {
    }
    return
  }
}

module attributes {stable_mosaic.version = 14 : i64} {
  func.func @body(%arg0: i32, %arg1: memref<2000x128xf32, #tpu.memory_space<vmem>>, %arg2: memref<128x64xf32, #tpu.memory_space<vmem>>, %arg3: memref<2000x128xf32, #tpu.memory_space<vmem>>, %arg4: memref<2000x64xf32, #tpu.memory_space<vmem>>) attributes {dimension_semantics = [#tpu.dimension_semantics<arbitrary>], iteration_bounds = array<i64: 5>, scalar_prefetch = 0 : i64, scratch_operands = 0 : i64, tpu.core_type = #tpu.core_type<tc>, window_params = [{transform_indices = @transform_0, window_bounds = array<i64: 2000, 128>}, {pipeline_mode = #tpu.pipeline_mode<synchronous>, transform_indices = @transform_1, window_bounds = array<i64: 128, 64>}, {transform_indices = @transform_2, window_bounds = array<i64: 2000, 128>}, {transform_indices = @transform_3, window_bounds = array<i64: 2000, 64>}]} {
    %get3A = arith.constant 0 : index
    %get3A_0 = arith.constant 0 : index
    %get3A_1 = vector.load %arg1[%get3A, %get3A_0] : memref<2000x128xf32, #tpu.memory_space<vmem>>, vector<2000x128xf32>
    %reduce_sum3A = arith.constant dense<0.000000e+00> : vector<2000xf32>
    %reduce_sum3A_2 = vector.multi_reduction <add>, %get3A_1, %reduce_sum3A [1] : vector<2000x128xf32> to vector<2000xf32>
    %broadcast_in_dim3A = vector.shape_cast %reduce_sum3A_2 : vector<2000xf32> to vector<2000x1xf32>
    %div3A = vector.broadcast %broadcast_in_dim3A : vector<2000x1xf32> to vector<2000x128xf32>
    %div3A_3 = arith.divf %get3A_1, %div3A : vector<2000x128xf32>
    %swap3A = arith.constant 0 : index
    %swap3A_4 = arith.constant 0 : index
    %swap3A_5 = vector.load %arg3[%swap3A, %swap3A_4] : memref<2000x128xf32, #tpu.memory_space<vmem>>, vector<2000x128xf32>
    tpu.vector_store %arg3[%swap3A, %swap3A_4], %div3A_3 {strides = array<i32>} : memref<2000x128xf32, #tpu.memory_space<vmem>>, vector<2000x128xf32>,
    %get3A_6 = arith.constant 0 : index
    %get3A_7 = arith.constant 0 : index
    %get3A_8 = vector.load %arg2[%get3A_6, %get3A_7] : memref<128x64xf32, #tpu.memory_space<vmem>>, vector<128x64xf32>
    %dot_general3A = arith.constant dense<0.000000e+00> : vector<2000x64xf32>
    %dot_general3A_9 = tpu.matmul %div3A_3, %get3A_8, %dot_general3A {dimension_numbers = #tpu.dot_dimension_numbers<[1], [0], [0], [1], [0, 0, 1, 1], [], []>, transpose_lhs_hint = false} : vector<2000x128xf32>, vector<128x64xf32>, vector<2000x64xf32> -> vector<2000x64xf32>
    %swap3A_10 = arith.constant 0 : index
    %swap3A_11 = arith.constant 0 : index
    %swap3A_12 = vector.load %arg4[%swap3A_10, %swap3A_11] : memref<2000x64xf32, #tpu.memory_space<vmem>>, vector<2000x64xf32>
    tpu.vector_store %arg4[%swap3A_10, %swap3A_11], %dot_general3A_9 {strides = array<i32>} : memref<2000x64xf32, #tpu.memory_space<vmem>>, vector<2000x64xf32>,
    return
  }
  func.func @transform_0(%arg0: i32) -> (i32, i32) {
    %c0_i32 = arith.constant 0 : i32
    %c0_i32_0 = arith.constant 0 : i32
    return %arg0, %c0_i32 : i32, i32
  }
  func.func @transform_1(%arg0: i32) -> (i32, i32) {
    %c0_i32 = arith.constant 0 : i32
    %c0_i32_0 = arith.constant 0 : i32
    %c0_i32_1 = arith.constant 0 : i32
    return %c0_i32, %c0_i32_0 : i32, i32
  }
  func.func @transform_2(%arg0: i32) -> (i32, i32) {
    %c0_i32 = arith.constant 0 : i32
    %c0_i32_0 = arith.constant 0 : i32
    return %arg0, %c0_i32 : i32, i32
  }
  func.func @transform_3(%arg0: i32) -> (i32, i32) {
    %c0_i32 = arith.constant 0 : i32
    %c0_i32_0 = arith.constant 0 : i32
    return %arg0, %c0_i32 : i32, i32
  }
}

module attributes {stable_mosaic.version = 14 : i64} {
  func.func @body(%arg0: i32, %arg1: memref<2000x64xf32, #tpu.memory_space<vmem>>, %arg2: memref<2000x64xf32, #tpu.memory_space<vmem>>, %arg3: memref<2000x128xf32, #tpu.memory_space<vmem>>, %arg4: memref<2x2000x16xf32, #tpu.memory_space<vmem>>, %arg5: memref<16x64xf32, #tpu.memory_space<vmem>>, %arg6: memref<1x64xf32, #tpu.memory_space<vmem>>, %arg7: memref<128x128xf32, #tpu.memory_space<vmem>>, %arg8: memref<16x128xf32, #tpu.memory_space<vmem>>, %arg9: memref<2000x128xf32, #tpu.memory_space<vmem>>) attributes {dimension_semantics = [#tpu.dimension_semantics<arbitrary>], iteration_bounds = array<i64: 5>, scalar_prefetch = 0 : i64, scratch_operands = 0 : i64, tpu.core_type = #tpu.core_type<tc>, window_params = [{transform_indices = @transform_0, window_bounds = array<i64: 2000, 64>}, {transform_indices = @transform_1, window_bounds = array<i64: 2000, 64>}, {transform_indices = @transform_2, window_bounds = array<i64: 2000, 128>}, {transform_indices = @transform_3, window_bounds = array<i64: 2, 2000, 16>}, {pipeline_mode = #tpu.pipeline_mode<synchronous>, transform_indices = @transform_4, window_bounds = array<i64: 16, 64>}, {pipeline_mode = #tpu.pipeline_mode<synchronous>, transform_indices = @transform_5, window_bounds = array<i64: 1, 64>}, {pipeline_mode = #tpu.pipeline_mode<synchronous>, transform_indices = @transform_6, window_bounds = array<i64: 128, 128>}, {pipeline_mode = #tpu.pipeline_mode<synchronous>, transform_indices = @transform_7, window_bounds = array<i64: 16, 128>}, {transform_indices = @transform_8, window_bounds = array<i64: 2000, 128>}]} {
    %get3A = arith.constant 0 : index
    %get3A_0 = arith.constant 0 : index
    %get3A_1 = vector.load %arg1[%get3A, %get3A_0] : memref<2000x64xf32, #tpu.memory_space<vmem>>, vector<2000x64xf32>
    %get3A_2 = arith.constant 0 : index
    %get3A_3 = arith.constant 0 : index
    %get3A_4 = vector.load %arg2[%get3A_2, %get3A_3] : memref<2000x64xf32, #tpu.memory_space<vmem>>, vector<2000x64xf32>
    %get3A_5 = arith.constant 0 : index
    %get3A_6 = arith.constant 0 : index
    %get3A_7 = vector.load %arg6[%get3A_5, %get3A_6] : memref<1x64xf32, #tpu.memory_space<vmem>>, vector<1x64xf32>
    %broadcast_in_dim3A = arith.constant 0.000000e+00 : f32
    %broadcast_in_dim3A_8 = vector.broadcast %broadcast_in_dim3A : f32 to vector<2000x16xf32>
    %broadcast_in_dim3A_9 = arith.constant 0.000000e+00 : f32
    %broadcast_in_dim3A_10 = vector.broadcast %broadcast_in_dim3A_9 : f32 to vector<2000x16xf32>
    %mul3A = arith.constant 2000 : i32
    %mul3A_11 = arith.muli %arg0, %mul3A : i32
    %iota3A = tpu.iota {dimensions = array<i32: 0>} : vector<2000x1xi32>
    %add3A = vector.broadcast %mul3A_11 : i32 to vector<2000x1xi32>
    %add3A_12 = arith.addi %add3A, %iota3A : vector<2000x1xi32>
    %slice3A = vector.extract_strided_slice %get3A_4 {offsets = [1995, 0], sizes = [5, 64], strides = [1, 1]} : vector<2000x64xf32> to vector<5x64xf32>
    %slice3A_13 = vector.extract_strided_slice %get3A_1 {offsets = [0, 0], sizes = [1995, 64], strides = [1, 1]} : vector<2000x64xf32> to vector<1995x64xf32>
    %concatenate3A = tpu.concatenate %slice3A, %slice3A_13 in 0 : vector<5x64xf32>, vector<1995x64xf32> -> vector<2000x64xf32>
    %gt3A = arith.constant 0 : i32
    %gt3A_14 = vector.broadcast %gt3A : i32 to vector<2000x1xi32>
    %gt3A_15 = arith.cmpi sgt, %add3A_12, %gt3A_14 : vector<2000x1xi32>
    %slice3A_16 = vector.extract_strided_slice %get3A_1 {offsets = [0, 0], sizes = [1, 64], strides = [1, 1]} : vector<2000x64xf32> to vector<1x64xf32>
    %jit3A = arith.constant 0.000000e+00 : f32
    %broadcast_in_dim3A_17 = vector.shape_cast %gt3A_15 : vector<2000x1xi1> to vector<2000x1xi1>
    %broadcast_in_dim3A_18 = vector.broadcast %broadcast_in_dim3A_17 : vector<2000x1xi1> to vector<2000x64xi1>
    %broadcast_in_dim3A_19 = vector.shape_cast %slice3A_16 : vector<1x64xf32> to vector<1x64xf32>
    %broadcast_in_dim3A_20 = vector.broadcast %broadcast_in_dim3A_19 : vector<1x64xf32> to vector<2000x64xf32>
    %broadcast_in_dim3A_21 = vector.broadcast %jit3A : f32 to vector<2000x64xf32>
    %select_n3A = arith.select %broadcast_in_dim3A_18, %broadcast_in_dim3A_20, %broadcast_in_dim3A_21 : vector<2000x64xi1>, vector<2000x64xf32>
    %ge3A = arith.constant 5 : i32
    %ge3A_22 = vector.broadcast %ge3A : i32 to vector<2000x1xi32>
    %ge3A_23 = arith.cmpi sge, %add3A_12, %ge3A_22 : vector<2000x1xi32>
    %broadcast_in_dim3A_24 = vector.shape_cast %ge3A_23 : vector<2000x1xi1> to vector<2000x1xi1>
    %broadcast_in_dim3A_25 = vector.broadcast %broadcast_in_dim3A_24 : vector<2000x1xi1> to vector<2000x64xi1>
    %select_n3A_26 = arith.select %broadcast_in_dim3A_25, %concatenate3A, %select_n3A : vector<2000x64xi1>, vector<2000x64xf32>
    %get3A_27 = arith.constant 0 : index
    %get3A_28 = arith.constant 0 : index
    %get3A_29 = vector.load %arg5[%get3A_27, %get3A_28] : memref<16x64xf32, #tpu.memory_space<vmem>>, vector<16x64xf32>
    %dot_general3A = arith.constant dense<0.000000e+00> : vector<2000x64xf32>
    %dot_general3A_30 = tpu.matmul %broadcast_in_dim3A_8, %get3A_29, %dot_general3A {dimension_numbers = #tpu.dot_dimension_numbers<[1], [0], [0], [1], [0, 0, 1, 1], [], []>, transpose_lhs_hint = false} : vector<2000x16xf32>, vector<16x64xf32>, vector<2000x64xf32> -> vector<2000x64xf32>
    %add3A_31 = arith.addf %select_n3A_26, %dot_general3A_30 : vector<2000x64xf32>
    %add3A_32 = vector.broadcast %get3A_7 : vector<1x64xf32> to vector<2000x64xf32>
    %add3A_33 = arith.addf %add3A_31, %add3A_32 : vector<2000x64xf32>
    %slice3A_34 = vector.extract_strided_slice %add3A_33 {offsets = [0, 0], sizes = [2000, 16], strides = [1, 1]} : vector<2000x64xf32> to vector<2000x16xf32>
    %logistic3A = arith.negf %slice3A_34 : vector<2000x16xf32>
    %logistic3A_35 = math.exp %logistic3A : vector<2000x16xf32>
    %logistic3A_36 = arith.constant 1.000000e+00 : f32
    %logistic3A_37 = vector.broadcast %logistic3A_36 : f32 to vector<2000x16xf32>
    %logistic3A_38 = arith.addf %logistic3A_37, %logistic3A_35 : vector<2000x16xf32>
    %logistic3A_39 = arith.divf %logistic3A_37, %logistic3A_38 : vector<2000x16xf32>
    %slice3A_40 = vector.extract_strided_slice %add3A_33 {offsets = [0, 16], sizes = [2000, 16], strides = [1, 1]} : vector<2000x64xf32> to vector<2000x16xf32>
    %logistic3A_41 = arith.negf %slice3A_40 : vector<2000x16xf32>
    %logistic3A_42 = math.exp %logistic3A_41 : vector<2000x16xf32>
    %logistic3A_43 = arith.constant 1.000000e+00 : f32
    %logistic3A_44 = vector.broadcast %logistic3A_43 : f32 to vector<2000x16xf32>
    %logistic3A_45 = arith.addf %logistic3A_44, %logistic3A_42 : vector<2000x16xf32>
    %logistic3A_46 = arith.divf %logistic3A_44, %logistic3A_45 : vector<2000x16xf32>
    %slice3A_47 = vector.extract_strided_slice %add3A_33 {offsets = [0, 32], sizes = [2000, 16], strides = [1, 1]} : vector<2000x64xf32> to vector<2000x16xf32>
    %tanh3A = math.tanh %slice3A_47 : vector<2000x16xf32>
    %slice3A_48 = vector.extract_strided_slice %add3A_33 {offsets = [0, 48], sizes = [2000, 16], strides = [1, 1]} : vector<2000x64xf32> to vector<2000x16xf32>
    %logistic3A_49 = arith.negf %slice3A_48 : vector<2000x16xf32>
    %logistic3A_50 = math.exp %logistic3A_49 : vector<2000x16xf32>
    %logistic3A_51 = arith.constant 1.000000e+00 : f32
    %logistic3A_52 = vector.broadcast %logistic3A_51 : f32 to vector<2000x16xf32>
    %logistic3A_53 = arith.addf %logistic3A_52, %logistic3A_50 : vector<2000x16xf32>
    %logistic3A_54 = arith.divf %logistic3A_52, %logistic3A_53 : vector<2000x16xf32>
    %mul3A_55 = arith.mulf %logistic3A_46, %broadcast_in_dim3A_10 : vector<2000x16xf32>
    %mul3A_56 = arith.mulf %logistic3A_39, %tanh3A : vector<2000x16xf32>
    %add3A_57 = arith.addf %mul3A_55, %mul3A_56 : vector<2000x16xf32>
    %tanh3A_58 = math.tanh %add3A_57 : vector<2000x16xf32>
    %mul3A_59 = arith.mulf %logistic3A_54, %tanh3A_58 : vector<2000x16xf32>
    %slice3A_60 = vector.extract_strided_slice %get3A_4 {offsets = [1996, 0], sizes = [4, 64], strides = [1, 1]} : vector<2000x64xf32> to vector<4x64xf32>
    %slice3A_61 = vector.extract_strided_slice %get3A_1 {offsets = [0, 0], sizes = [1996, 64], strides = [1, 1]} : vector<2000x64xf32> to vector<1996x64xf32>
    %concatenate3A_62 = tpu.concatenate %slice3A_60, %slice3A_61 in 0 : vector<4x64xf32>, vector<1996x64xf32> -> vector<2000x64xf32>
    %gt3A_63 = arith.constant 1 : i32
    %gt3A_64 = vector.broadcast %gt3A_63 : i32 to vector<2000x1xi32>
    %gt3A_65 = arith.cmpi sgt, %add3A_12, %gt3A_64 : vector<2000x1xi32>
    %slice3A_66 = vector.extract_strided_slice %get3A_1 {offsets = [1, 0], sizes = [1, 64], strides = [1, 1]} : vector<2000x64xf32> to vector<1x64xf32>
    %jit3A_67 = arith.constant 0.000000e+00 : f32
    %broadcast_in_dim3A_68 = vector.shape_cast %gt3A_65 : vector<2000x1xi1> to vector<2000x1xi1>
    %broadcast_in_dim3A_69 = vector.broadcast %broadcast_in_dim3A_68 : vector<2000x1xi1> to vector<2000x64xi1>
    %broadcast_in_dim3A_70 = vector.shape_cast %slice3A_66 : vector<1x64xf32> to vector<1x64xf32>
    %broadcast_in_dim3A_71 = vector.broadcast %broadcast_in_dim3A_70 : vector<1x64xf32> to vector<2000x64xf32>
    %broadcast_in_dim3A_72 = vector.broadcast %jit3A_67 : f32 to vector<2000x64xf32>
    %select_n3A_73 = arith.select %broadcast_in_dim3A_69, %broadcast_in_dim3A_71, %broadcast_in_dim3A_72 : vector<2000x64xi1>, vector<2000x64xf32>
    %ge3A_74 = arith.constant 5 : i32
    %ge3A_75 = vector.broadcast %ge3A_74 : i32 to vector<2000x1xi32>
    %ge3A_76 = arith.cmpi sge, %add3A_12, %ge3A_75 : vector<2000x1xi32>
    %broadcast_in_dim3A_77 = vector.shape_cast %ge3A_76 : vector<2000x1xi1> to vector<2000x1xi1>
    %broadcast_in_dim3A_78 = vector.broadcast %broadcast_in_dim3A_77 : vector<2000x1xi1> to vector<2000x64xi1>
    %select_n3A_79 = arith.select %broadcast_in_dim3A_78, %concatenate3A_62, %select_n3A_73 : vector<2000x64xi1>, vector<2000x64xf32>
    %get3A_80 = arith.constant 0 : index
    %get3A_81 = arith.constant 0 : index
    %get3A_82 = vector.load %arg5[%get3A_80, %get3A_81] : memref<16x64xf32, #tpu.memory_space<vmem>>, vector<16x64xf32>
    %dot_general3A_83 = arith.constant dense<0.000000e+00> : vector<2000x64xf32>
    %dot_general3A_84 = tpu.matmul %mul3A_59, %get3A_82, %dot_general3A_83 {dimension_numbers = #tpu.dot_dimension_numbers<[1], [0], [0], [1], [0, 0, 1, 1], [], []>, transpose_lhs_hint = false} : vector<2000x16xf32>, vector<16x64xf32>, vector<2000x64xf32> -> vector<2000x64xf32>
    %add3A_85 = arith.addf %select_n3A_79, %dot_general3A_84 : vector<2000x64xf32>
    %add3A_86 = vector.broadcast %get3A_7 : vector<1x64xf32> to vector<2000x64xf32>
    %add3A_87 = arith.addf %add3A_85, %add3A_86 : vector<2000x64xf32>
    %slice3A_88 = vector.extract_strided_slice %add3A_87 {offsets = [0, 0], sizes = [2000, 16], strides = [1, 1]} : vector<2000x64xf32> to vector<2000x16xf32>
    %logistic3A_89 = arith.negf %slice3A_88 : vector<2000x16xf32>
    %logistic3A_90 = math.exp %logistic3A_89 : vector<2000x16xf32>
    %logistic3A_91 = arith.constant 1.000000e+00 : f32
    %logistic3A_92 = vector.broadcast %logistic3A_91 : f32 to vector<2000x16xf32>
    %logistic3A_93 = arith.addf %logistic3A_92, %logistic3A_90 : vector<2000x16xf32>
    %logistic3A_94 = arith.divf %logistic3A_92, %logistic3A_93 : vector<2000x16xf32>
    %slice3A_95 = vector.extract_strided_slice %add3A_87 {offsets = [0, 16], sizes = [2000, 16], strides = [1, 1]} : vector<2000x64xf32> to vector<2000x16xf32>
    %logistic3A_96 = arith.negf %slice3A_95 : vector<2000x16xf32>
    %logistic3A_97 = math.exp %logistic3A_96 : vector<2000x16xf32>
    %logistic3A_98 = arith.constant 1.000000e+00 : f32
    %logistic3A_99 = vector.broadcast %logistic3A_98 : f32 to vector<2000x16xf32>
    %logistic3A_100 = arith.addf %logistic3A_99, %logistic3A_97 : vector<2000x16xf32>
    %logistic3A_101 = arith.divf %logistic3A_99, %logistic3A_100 : vector<2000x16xf32>
    %slice3A_102 = vector.extract_strided_slice %add3A_87 {offsets = [0, 32], sizes = [2000, 16], strides = [1, 1]} : vector<2000x64xf32> to vector<2000x16xf32>
    %tanh3A_103 = math.tanh %slice3A_102 : vector<2000x16xf32>
    %slice3A_104 = vector.extract_strided_slice %add3A_87 {offsets = [0, 48], sizes = [2000, 16], strides = [1, 1]} : vector<2000x64xf32> to vector<2000x16xf32>
    %logistic3A_105 = arith.negf %slice3A_104 : vector<2000x16xf32>
    %logistic3A_106 = math.exp %logistic3A_105 : vector<2000x16xf32>
    %logistic3A_107 = arith.constant 1.000000e+00 : f32
    %logistic3A_108 = vector.broadcast %logistic3A_107 : f32 to vector<2000x16xf32>
    %logistic3A_109 = arith.addf %logistic3A_108, %logistic3A_106 : vector<2000x16xf32>
    %logistic3A_110 = arith.divf %logistic3A_108, %logistic3A_109 : vector<2000x16xf32>
    %mul3A_111 = arith.mulf %logistic3A_101, %add3A_57 : vector<2000x16xf32>
    %mul3A_112 = arith.mulf %logistic3A_94, %tanh3A_103 : vector<2000x16xf32>
    %add3A_113 = arith.addf %mul3A_111, %mul3A_112 : vector<2000x16xf32>
    %tanh3A_114 = math.tanh %add3A_113 : vector<2000x16xf32>
    %mul3A_115 = arith.mulf %logistic3A_110, %tanh3A_114 : vector<2000x16xf32>
    %slice3A_116 = vector.extract_strided_slice %get3A_4 {offsets = [1997, 0], sizes = [3, 64], strides = [1, 1]} : vector<2000x64xf32> to vector<3x64xf32>
    %slice3A_117 = vector.extract_strided_slice %get3A_1 {offsets = [0, 0], sizes = [1997, 64], strides = [1, 1]} : vector<2000x64xf32> to vector<1997x64xf32>
    %concatenate3A_118 = tpu.concatenate %slice3A_116, %slice3A_117 in 0 : vector<3x64xf32>, vector<1997x64xf32> -> vector<2000x64xf32>
    %gt3A_119 = arith.constant 2 : i32
    %gt3A_120 = vector.broadcast %gt3A_119 : i32 to vector<2000x1xi32>
    %gt3A_121 = arith.cmpi sgt, %add3A_12, %gt3A_120 : vector<2000x1xi32>
    %slice3A_122 = vector.extract_strided_slice %get3A_1 {offsets = [2, 0], sizes = [1, 64], strides = [1, 1]} : vector<2000x64xf32> to vector<1x64xf32>
    %jit3A_123 = arith.constant 0.000000e+00 : f32
    %broadcast_in_dim3A_124 = vector.shape_cast %gt3A_121 : vector<2000x1xi1> to vector<2000x1xi1>
    %broadcast_in_dim3A_125 = vector.broadcast %broadcast_in_dim3A_124 : vector<2000x1xi1> to vector<2000x64xi1>
    %broadcast_in_dim3A_126 = vector.shape_cast %slice3A_122 : vector<1x64xf32> to vector<1x64xf32>
    %broadcast_in_dim3A_127 = vector.broadcast %broadcast_in_dim3A_126 : vector<1x64xf32> to vector<2000x64xf32>
    %broadcast_in_dim3A_128 = vector.broadcast %jit3A_123 : f32 to vector<2000x64xf32>
    %select_n3A_129 = arith.select %broadcast_in_dim3A_125, %broadcast_in_dim3A_127, %broadcast_in_dim3A_128 : vector<2000x64xi1>, vector<2000x64xf32>
    %ge3A_130 = arith.constant 5 : i32
    %ge3A_131 = vector.broadcast %ge3A_130 : i32 to vector<2000x1xi32>
    %ge3A_132 = arith.cmpi sge, %add3A_12, %ge3A_131 : vector<2000x1xi32>
    %broadcast_in_dim3A_133 = vector.shape_cast %ge3A_132 : vector<2000x1xi1> to vector<2000x1xi1>
    %broadcast_in_dim3A_134 = vector.broadcast %broadcast_in_dim3A_133 : vector<2000x1xi1> to vector<2000x64xi1>
    %select_n3A_135 = arith.select %broadcast_in_dim3A_134, %concatenate3A_118, %select_n3A_129 : vector<2000x64xi1>, vector<2000x64xf32>
    %get3A_136 = arith.constant 0 : index
    %get3A_137 = arith.constant 0 : index
    %get3A_138 = vector.load %arg5[%get3A_136, %get3A_137] : memref<16x64xf32, #tpu.memory_space<vmem>>, vector<16x64xf32>
    %dot_general3A_139 = arith.constant dense<0.000000e+00> : vector<2000x64xf32>
    %dot_general3A_140 = tpu.matmul %mul3A_115, %get3A_138, %dot_general3A_139 {dimension_numbers = #tpu.dot_dimension_numbers<[1], [0], [0], [1], [0, 0, 1, 1], [], []>, transpose_lhs_hint = false} : vector<2000x16xf32>, vector<16x64xf32>, vector<2000x64xf32> -> vector<2000x64xf32>
    %add3A_141 = arith.addf %select_n3A_135, %dot_general3A_140 : vector<2000x64xf32>
    %add3A_142 = vector.broadcast %get3A_7 : vector<1x64xf32> to vector<2000x64xf32>
    %add3A_143 = arith.addf %add3A_141, %add3A_142 : vector<2000x64xf32>
    %slice3A_144 = vector.extract_strided_slice %add3A_143 {offsets = [0, 0], sizes = [2000, 16], strides = [1, 1]} : vector<2000x64xf32> to vector<2000x16xf32>
    %logistic3A_145 = arith.negf %slice3A_144 : vector<2000x16xf32>
    %logistic3A_146 = math.exp %logistic3A_145 : vector<2000x16xf32>
    %logistic3A_147 = arith.constant 1.000000e+00 : f32
    %logistic3A_148 = vector.broadcast %logistic3A_147 : f32 to vector<2000x16xf32>
    %logistic3A_149 = arith.addf %logistic3A_148, %logistic3A_146 : vector<2000x16xf32>
    %logistic3A_150 = arith.divf %logistic3A_148, %logistic3A_149 : vector<2000x16xf32>
    %slice3A_151 = vector.extract_strided_slice %add3A_143 {offsets = [0, 16], sizes = [2000, 16], strides = [1, 1]} : vector<2000x64xf32> to vector<2000x16xf32>
    %logistic3A_152 = arith.negf %slice3A_151 : vector<2000x16xf32>
    %logistic3A_153 = math.exp %logistic3A_152 : vector<2000x16xf32>
    %logistic3A_154 = arith.constant 1.000000e+00 : f32
    %logistic3A_155 = vector.broadcast %logistic3A_154 : f32 to vector<2000x16xf32>
    %logistic3A_156 = arith.addf %logistic3A_155, %logistic3A_153 : vector<2000x16xf32>
    %logistic3A_157 = arith.divf %logistic3A_155, %logistic3A_156 : vector<2000x16xf32>
    %slice3A_158 = vector.extract_strided_slice %add3A_143 {offsets = [0, 32], sizes = [2000, 16], strides = [1, 1]} : vector<2000x64xf32> to vector<2000x16xf32>
    %tanh3A_159 = math.tanh %slice3A_158 : vector<2000x16xf32>
    %slice3A_160 = vector.extract_strided_slice %add3A_143 {offsets = [0, 48], sizes = [2000, 16], strides = [1, 1]} : vector<2000x64xf32> to vector<2000x16xf32>
    %logistic3A_161 = arith.negf %slice3A_160 : vector<2000x16xf32>
    %logistic3A_162 = math.exp %logistic3A_161 : vector<2000x16xf32>
    %logistic3A_163 = arith.constant 1.000000e+00 : f32
    %logistic3A_164 = vector.broadcast %logistic3A_163 : f32 to vector<2000x16xf32>
    %logistic3A_165 = arith.addf %logistic3A_164, %logistic3A_162 : vector<2000x16xf32>
    %logistic3A_166 = arith.divf %logistic3A_164, %logistic3A_165 : vector<2000x16xf32>
    %mul3A_167 = arith.mulf %logistic3A_157, %add3A_113 : vector<2000x16xf32>
    %mul3A_168 = arith.mulf %logistic3A_150, %tanh3A_159 : vector<2000x16xf32>
    %add3A_169 = arith.addf %mul3A_167, %mul3A_168 : vector<2000x16xf32>
    %tanh3A_170 = math.tanh %add3A_169 : vector<2000x16xf32>
    %mul3A_171 = arith.mulf %logistic3A_166, %tanh3A_170 : vector<2000x16xf32>
    %slice3A_172 = vector.extract_strided_slice %get3A_4 {offsets = [1998, 0], sizes = [2, 64], strides = [1, 1]} : vector<2000x64xf32> to vector<2x64xf32>
    %slice3A_173 = vector.extract_strided_slice %get3A_1 {offsets = [0, 0], sizes = [1998, 64], strides = [1, 1]} : vector<2000x64xf32> to vector<1998x64xf32>
    %concatenate3A_174 = tpu.concatenate %slice3A_172, %slice3A_173 in 0 : vector<2x64xf32>, vector<1998x64xf32> -> vector<2000x64xf32>
    %gt3A_175 = arith.constant 3 : i32
    %gt3A_176 = vector.broadcast %gt3A_175 : i32 to vector<2000x1xi32>
    %gt3A_177 = arith.cmpi sgt, %add3A_12, %gt3A_176 : vector<2000x1xi32>
    %slice3A_178 = vector.extract_strided_slice %get3A_1 {offsets = [3, 0], sizes = [1, 64], strides = [1, 1]} : vector<2000x64xf32> to vector<1x64xf32>
    %jit3A_179 = arith.constant 0.000000e+00 : f32
    %broadcast_in_dim3A_180 = vector.shape_cast %gt3A_177 : vector<2000x1xi1> to vector<2000x1xi1>
    %broadcast_in_dim3A_181 = vector.broadcast %broadcast_in_dim3A_180 : vector<2000x1xi1> to vector<2000x64xi1>
    %broadcast_in_dim3A_182 = vector.shape_cast %slice3A_178 : vector<1x64xf32> to vector<1x64xf32>
    %broadcast_in_dim3A_183 = vector.broadcast %broadcast_in_dim3A_182 : vector<1x64xf32> to vector<2000x64xf32>
    %broadcast_in_dim3A_184 = vector.broadcast %jit3A_179 : f32 to vector<2000x64xf32>
    %select_n3A_185 = arith.select %broadcast_in_dim3A_181, %broadcast_in_dim3A_183, %broadcast_in_dim3A_184 : vector<2000x64xi1>, vector<2000x64xf32>
    %ge3A_186 = arith.constant 5 : i32
    %ge3A_187 = vector.broadcast %ge3A_186 : i32 to vector<2000x1xi32>
    %ge3A_188 = arith.cmpi sge, %add3A_12, %ge3A_187 : vector<2000x1xi32>
    %broadcast_in_dim3A_189 = vector.shape_cast %ge3A_188 : vector<2000x1xi1> to vector<2000x1xi1>
    %broadcast_in_dim3A_190 = vector.broadcast %broadcast_in_dim3A_189 : vector<2000x1xi1> to vector<2000x64xi1>
    %select_n3A_191 = arith.select %broadcast_in_dim3A_190, %concatenate3A_174, %select_n3A_185 : vector<2000x64xi1>, vector<2000x64xf32>
    %get3A_192 = arith.constant 0 : index
    %get3A_193 = arith.constant 0 : index
    %get3A_194 = vector.load %arg5[%get3A_192, %get3A_193] : memref<16x64xf32, #tpu.memory_space<vmem>>, vector<16x64xf32>
    %dot_general3A_195 = arith.constant dense<0.000000e+00> : vector<2000x64xf32>
    %dot_general3A_196 = tpu.matmul %mul3A_171, %get3A_194, %dot_general3A_195 {dimension_numbers = #tpu.dot_dimension_numbers<[1], [0], [0], [1], [0, 0, 1, 1], [], []>, transpose_lhs_hint = false} : vector<2000x16xf32>, vector<16x64xf32>, vector<2000x64xf32> -> vector<2000x64xf32>
    %add3A_197 = arith.addf %select_n3A_191, %dot_general3A_196 : vector<2000x64xf32>
    %add3A_198 = vector.broadcast %get3A_7 : vector<1x64xf32> to vector<2000x64xf32>
    %add3A_199 = arith.addf %add3A_197, %add3A_198 : vector<2000x64xf32>
    %slice3A_200 = vector.extract_strided_slice %add3A_199 {offsets = [0, 0], sizes = [2000, 16], strides = [1, 1]} : vector<2000x64xf32> to vector<2000x16xf32>
    %logistic3A_201 = arith.negf %slice3A_200 : vector<2000x16xf32>
    %logistic3A_202 = math.exp %logistic3A_201 : vector<2000x16xf32>
    %logistic3A_203 = arith.constant 1.000000e+00 : f32
    %logistic3A_204 = vector.broadcast %logistic3A_203 : f32 to vector<2000x16xf32>
    %logistic3A_205 = arith.addf %logistic3A_204, %logistic3A_202 : vector<2000x16xf32>
    %logistic3A_206 = arith.divf %logistic3A_204, %logistic3A_205 : vector<2000x16xf32>
    %slice3A_207 = vector.extract_strided_slice %add3A_199 {offsets = [0, 16], sizes = [2000, 16], strides = [1, 1]} : vector<2000x64xf32> to vector<2000x16xf32>
    %logistic3A_208 = arith.negf %slice3A_207 : vector<2000x16xf32>
    %logistic3A_209 = math.exp %logistic3A_208 : vector<2000x16xf32>
    %logistic3A_210 = arith.constant 1.000000e+00 : f32
    %logistic3A_211 = vector.broadcast %logistic3A_210 : f32 to vector<2000x16xf32>
    %logistic3A_212 = arith.addf %logistic3A_211, %logistic3A_209 : vector<2000x16xf32>
    %logistic3A_213 = arith.divf %logistic3A_211, %logistic3A_212 : vector<2000x16xf32>
    %slice3A_214 = vector.extract_strided_slice %add3A_199 {offsets = [0, 32], sizes = [2000, 16], strides = [1, 1]} : vector<2000x64xf32> to vector<2000x16xf32>
    %tanh3A_215 = math.tanh %slice3A_214 : vector<2000x16xf32>
    %slice3A_216 = vector.extract_strided_slice %add3A_199 {offsets = [0, 48], sizes = [2000, 16], strides = [1, 1]} : vector<2000x64xf32> to vector<2000x16xf32>
    %logistic3A_217 = arith.negf %slice3A_216 : vector<2000x16xf32>
    %logistic3A_218 = math.exp %logistic3A_217 : vector<2000x16xf32>
    %logistic3A_219 = arith.constant 1.000000e+00 : f32
    %logistic3A_220 = vector.broadcast %logistic3A_219 : f32 to vector<2000x16xf32>
    %logistic3A_221 = arith.addf %logistic3A_220, %logistic3A_218 : vector<2000x16xf32>
    %logistic3A_222 = arith.divf %logistic3A_220, %logistic3A_221 : vector<2000x16xf32>
    %mul3A_223 = arith.mulf %logistic3A_213, %add3A_169 : vector<2000x16xf32>
    %mul3A_224 = arith.mulf %logistic3A_206, %tanh3A_215 : vector<2000x16xf32>
    %add3A_225 = arith.addf %mul3A_223, %mul3A_224 : vector<2000x16xf32>
    %tanh3A_226 = math.tanh %add3A_225 : vector<2000x16xf32>
    %mul3A_227 = arith.mulf %logistic3A_222, %tanh3A_226 : vector<2000x16xf32>
    %slice3A_228 = vector.extract_strided_slice %get3A_4 {offsets = [1999, 0], sizes = [1, 64], strides = [1, 1]} : vector<2000x64xf32> to vector<1x64xf32>
    %slice3A_229 = vector.extract_strided_slice %get3A_1 {offsets = [0, 0], sizes = [1999, 64], strides = [1, 1]} : vector<2000x64xf32> to vector<1999x64xf32>
    %concatenate3A_230 = tpu.concatenate %slice3A_228, %slice3A_229 in 0 : vector<1x64xf32>, vector<1999x64xf32> -> vector<2000x64xf32>
    %gt3A_231 = arith.constant 4 : i32
    %gt3A_232 = vector.broadcast %gt3A_231 : i32 to vector<2000x1xi32>
    %gt3A_233 = arith.cmpi sgt, %add3A_12, %gt3A_232 : vector<2000x1xi32>
    %slice3A_234 = vector.extract_strided_slice %get3A_1 {offsets = [4, 0], sizes = [1, 64], strides = [1, 1]} : vector<2000x64xf32> to vector<1x64xf32>
    %jit3A_235 = arith.constant 0.000000e+00 : f32
    %broadcast_in_dim3A_236 = vector.shape_cast %gt3A_233 : vector<2000x1xi1> to vector<2000x1xi1>
    %broadcast_in_dim3A_237 = vector.broadcast %broadcast_in_dim3A_236 : vector<2000x1xi1> to vector<2000x64xi1>
    %broadcast_in_dim3A_238 = vector.shape_cast %slice3A_234 : vector<1x64xf32> to vector<1x64xf32>
    %broadcast_in_dim3A_239 = vector.broadcast %broadcast_in_dim3A_238 : vector<1x64xf32> to vector<2000x64xf32>
    %broadcast_in_dim3A_240 = vector.broadcast %jit3A_235 : f32 to vector<2000x64xf32>
    %select_n3A_241 = arith.select %broadcast_in_dim3A_237, %broadcast_in_dim3A_239, %broadcast_in_dim3A_240 : vector<2000x64xi1>, vector<2000x64xf32>
    %ge3A_242 = arith.constant 5 : i32
    %ge3A_243 = vector.broadcast %ge3A_242 : i32 to vector<2000x1xi32>
    %ge3A_244 = arith.cmpi sge, %add3A_12, %ge3A_243 : vector<2000x1xi32>
    %broadcast_in_dim3A_245 = vector.shape_cast %ge3A_244 : vector<2000x1xi1> to vector<2000x1xi1>
    %broadcast_in_dim3A_246 = vector.broadcast %broadcast_in_dim3A_245 : vector<2000x1xi1> to vector<2000x64xi1>
    %select_n3A_247 = arith.select %broadcast_in_dim3A_246, %concatenate3A_230, %select_n3A_241 : vector<2000x64xi1>, vector<2000x64xf32>
    %get3A_248 = arith.constant 0 : index
    %get3A_249 = arith.constant 0 : index
    %get3A_250 = vector.load %arg5[%get3A_248, %get3A_249] : memref<16x64xf32, #tpu.memory_space<vmem>>, vector<16x64xf32>
    %dot_general3A_251 = arith.constant dense<0.000000e+00> : vector<2000x64xf32>
    %dot_general3A_252 = tpu.matmul %mul3A_227, %get3A_250, %dot_general3A_251 {dimension_numbers = #tpu.dot_dimension_numbers<[1], [0], [0], [1], [0, 0, 1, 1], [], []>, transpose_lhs_hint = false} : vector<2000x16xf32>, vector<16x64xf32>, vector<2000x64xf32> -> vector<2000x64xf32>
    %add3A_253 = arith.addf %select_n3A_247, %dot_general3A_252 : vector<2000x64xf32>
    %add3A_254 = vector.broadcast %get3A_7 : vector<1x64xf32> to vector<2000x64xf32>
    %add3A_255 = arith.addf %add3A_253, %add3A_254 : vector<2000x64xf32>
    %slice3A_256 = vector.extract_strided_slice %add3A_255 {offsets = [0, 0], sizes = [2000, 16], strides = [1, 1]} : vector<2000x64xf32> to vector<2000x16xf32>
    %logistic3A_257 = arith.negf %slice3A_256 : vector<2000x16xf32>
    %logistic3A_258 = math.exp %logistic3A_257 : vector<2000x16xf32>
    %logistic3A_259 = arith.constant 1.000000e+00 : f32
    %logistic3A_260 = vector.broadcast %logistic3A_259 : f32 to vector<2000x16xf32>
    %logistic3A_261 = arith.addf %logistic3A_260, %logistic3A_258 : vector<2000x16xf32>
    %logistic3A_262 = arith.divf %logistic3A_260, %logistic3A_261 : vector<2000x16xf32>
    %slice3A_263 = vector.extract_strided_slice %add3A_255 {offsets = [0, 16], sizes = [2000, 16], strides = [1, 1]} : vector<2000x64xf32> to vector<2000x16xf32>
    %logistic3A_264 = arith.negf %slice3A_263 : vector<2000x16xf32>
    %logistic3A_265 = math.exp %logistic3A_264 : vector<2000x16xf32>
    %logistic3A_266 = arith.constant 1.000000e+00 : f32
    %logistic3A_267 = vector.broadcast %logistic3A_266 : f32 to vector<2000x16xf32>
    %logistic3A_268 = arith.addf %logistic3A_267, %logistic3A_265 : vector<2000x16xf32>
    %logistic3A_269 = arith.divf %logistic3A_267, %logistic3A_268 : vector<2000x16xf32>
    %slice3A_270 = vector.extract_strided_slice %add3A_255 {offsets = [0, 32], sizes = [2000, 16], strides = [1, 1]} : vector<2000x64xf32> to vector<2000x16xf32>
    %tanh3A_271 = math.tanh %slice3A_270 : vector<2000x16xf32>
    %slice3A_272 = vector.extract_strided_slice %add3A_255 {offsets = [0, 48], sizes = [2000, 16], strides = [1, 1]} : vector<2000x64xf32> to vector<2000x16xf32>
    %logistic3A_273 = arith.negf %slice3A_272 : vector<2000x16xf32>
    %logistic3A_274 = math.exp %logistic3A_273 : vector<2000x16xf32>
    %logistic3A_275 = arith.constant 1.000000e+00 : f32
    %logistic3A_276 = vector.broadcast %logistic3A_275 : f32 to vector<2000x16xf32>
    %logistic3A_277 = arith.addf %logistic3A_276, %logistic3A_274 : vector<2000x16xf32>
    %logistic3A_278 = arith.divf %logistic3A_276, %logistic3A_277 : vector<2000x16xf32>
    %mul3A_279 = arith.mulf %logistic3A_269, %add3A_225 : vector<2000x16xf32>
    %mul3A_280 = arith.mulf %logistic3A_262, %tanh3A_271 : vector<2000x16xf32>
    %add3A_281 = arith.addf %mul3A_279, %mul3A_280 : vector<2000x16xf32>
    %tanh3A_282 = math.tanh %add3A_281 : vector<2000x16xf32>
    %mul3A_283 = arith.mulf %logistic3A_278, %tanh3A_282 : vector<2000x16xf32>
    %get3A_284 = arith.constant 0 : index
    %get3A_285 = arith.constant 0 : index
    %get3A_286 = vector.load %arg3[%get3A_284, %get3A_285] : memref<2000x128xf32, #tpu.memory_space<vmem>>, vector<2000x128xf32>
    %get3A_287 = arith.constant 0 : index
    %get3A_288 = arith.constant 0 : index
    %get3A_289 = vector.load %arg7[%get3A_287, %get3A_288] : memref<128x128xf32, #tpu.memory_space<vmem>>, vector<128x128xf32>
    %dot_general3A_290 = arith.constant dense<0.000000e+00> : vector<2000x128xf32>
    %dot_general3A_291 = tpu.matmul %get3A_286, %get3A_289, %dot_general3A_290 {dimension_numbers = #tpu.dot_dimension_numbers<[1], [0], [0], [1], [0, 0, 1, 1], [], []>, transpose_lhs_hint = false} : vector<2000x128xf32>, vector<128x128xf32>, vector<2000x128xf32> -> vector<2000x128xf32>
    %get3A_292 = arith.constant 0 : index
    %get3A_293 = arith.constant 0 : index
    %get3A_294 = vector.load %arg8[%get3A_292, %get3A_293] : memref<16x128xf32, #tpu.memory_space<vmem>>, vector<16x128xf32>
    %dot_general3A_295 = arith.constant dense<0.000000e+00> : vector<2000x128xf32>
    %dot_general3A_296 = tpu.matmul %mul3A_283, %get3A_294, %dot_general3A_295 {dimension_numbers = #tpu.dot_dimension_numbers<[1], [0], [0], [1], [0, 0, 1, 1], [], []>, transpose_lhs_hint = false} : vector<2000x16xf32>, vector<16x128xf32>, vector<2000x128xf32> -> vector<2000x128xf32>
    %add3A_297 = arith.addf %dot_general3A_291, %dot_general3A_296 : vector<2000x128xf32>
    %get3A_298 = arith.constant 0 : index
    %get3A_299 = arith.constant 0 : index
    %get3A_300 = arith.constant 0 : index
    %get3A_301 = vector.load %arg4[%get3A_298, %get3A_299, %get3A_300] : memref<2x2000x16xf32, #tpu.memory_space<vmem>>, vector<1x2000x1xf32>
    %get3A_302 = vector.shape_cast %get3A_301 : vector<1x2000x1xf32> to vector<2000x1xf32>
    %get3A_303 = arith.constant 1 : index
    %get3A_304 = arith.constant 0 : index
    %get3A_305 = arith.constant 0 : index
    %get3A_306 = vector.load %arg4[%get3A_303, %get3A_304, %get3A_305] : memref<2x2000x16xf32, #tpu.memory_space<vmem>>, vector<1x2000x1xf32>
    %get3A_307 = vector.shape_cast %get3A_306 : vector<1x2000x1xf32> to vector<2000x1xf32>
    %add3A_308 = arith.addf %get3A_302, %get3A_307 : vector<2000x1xf32>
    %max3A = arith.constant 9.99999996E-13 : f32
    %max3A_309 = vector.broadcast %max3A : f32 to vector<2000x1xf32>
    %max3A_310 = arith.maximumf %add3A_308, %max3A_309 : vector<2000x1xf32>
    %rsqrt3A = math.rsqrt %max3A_310 : vector<2000x1xf32>
    %mul3A_311 = vector.broadcast %rsqrt3A : vector<2000x1xf32> to vector<2000x128xf32>
    %mul3A_312 = arith.mulf %add3A_297, %mul3A_311 : vector<2000x128xf32>
    %swap3A = arith.constant 0 : index
    %swap3A_313 = arith.constant 0 : index
    %swap3A_314 = vector.load %arg9[%swap3A, %swap3A_313] : memref<2000x128xf32, #tpu.memory_space<vmem>>, vector<2000x128xf32>
    tpu.vector_store %arg9[%swap3A, %swap3A_313], %mul3A_312 {strides = array<i32>} : memref<2000x128xf32, #tpu.memory_space<vmem>>, vector<2000x128xf32>,
    return
  }
  func.func @transform_0(%arg0: i32) -> (i32, i32) {
    %c0_i32 = arith.constant 0 : i32
    %c0_i32_0 = arith.constant 0 : i32
    return %arg0, %c0_i32 : i32, i32
  }
  func.func @transform_1(%arg0: i32) -> (i32, i32) {
    %sub3A = arith.constant 1 : i32
    %sub3A_0 = arith.subi %arg0, %sub3A : i32
    %max3A = arith.constant 0 : i32
    %max3A_1 = arith.maxsi %sub3A_0, %max3A : i32
    %c0_i32 = arith.constant 0 : i32
    %c0_i32_2 = arith.constant 0 : i32
    return %max3A_1, %c0_i32 : i32, i32
  }
  func.func @transform_2(%arg0: i32) -> (i32, i32) {
    %c0_i32 = arith.constant 0 : i32
    %c0_i32_0 = arith.constant 0 : i32
    return %arg0, %c0_i32 : i32, i32
  }
  func.func @transform_3(%arg0: i32) -> (i32, i32, i32) {
    %c0_i32 = arith.constant 0 : i32
    %c0_i32_0 = arith.constant 0 : i32
    %c0_i32_1 = arith.constant 0 : i32
    return %c0_i32, %arg0, %c0_i32_0 : i32, i32, i32
  }
  func.func @transform_4(%arg0: i32) -> (i32, i32) {
    %c0_i32 = arith.constant 0 : i32
    %c0_i32_0 = arith.constant 0 : i32
    %c0_i32_1 = arith.constant 0 : i32
    return %c0_i32, %c0_i32_0 : i32, i32
  }
  func.func @transform_5(%arg0: i32) -> (i32, i32) {
    %c0_i32 = arith.constant 0 : i32
    %c0_i32_0 = arith.constant 0 : i32
    %c0_i32_1 = arith.constant 0 : i32
    return %c0_i32, %c0_i32_0 : i32, i32
  }
  func.func @transform_6(%arg0: i32) -> (i32, i32) {
    %c0_i32 = arith.constant 0 : i32
    %c0_i32_0 = arith.constant 0 : i32
    %c0_i32_1 = arith.constant 0 : i32
    return %c0_i32, %c0_i32_0 : i32, i32
  }
  func.func @transform_7(%arg0: i32) -> (i32, i32) {
    %c0_i32 = arith.constant 0 : i32
    %c0_i32_0 = arith.constant 0 : i32
    %c0_i32_1 = arith.constant 0 : i32
    return %c0_i32, %c0_i32_0 : i32, i32
  }
  func.func @transform_8(%arg0: i32) -> (i32, i32) {
    %c0_i32 = arith.constant 0 : i32
    %c0_i32_0 = arith.constant 0 : i32
    return %arg0, %c0_i32 : i32, i32
  }
}

module attributes {stable_mosaic.version = 14 : i64} {
  func.func @body(%arg0: i32, %arg1: memref<2x2000x128xf32, #tpu.memory_space<vmem>>, %arg2: memref<2x2000x16xf32, #tpu.memory_space<vmem>>, %arg3: memref<128x64xf32, #tpu.memory_space<vmem>>, %arg4: memref<1x128xf32, #tpu.memory_space<vmem>>, %arg5: memref<2000x64xf32, #tpu.memory_space<vmem>>) attributes {dimension_semantics = [#tpu.dimension_semantics<arbitrary>], iteration_bounds = array<i64: 5>, scalar_prefetch = 0 : i64, scratch_operands = 0 : i64, tpu.core_type = #tpu.core_type<tc>, window_params = [{transform_indices = @transform_0, window_bounds = array<i64: 2, 2000, 128>}, {transform_indices = @transform_1, window_bounds = array<i64: 2, 2000, 16>}, {pipeline_mode = #tpu.pipeline_mode<synchronous>, transform_indices = @transform_2, window_bounds = array<i64: 128, 64>}, {pipeline_mode = #tpu.pipeline_mode<synchronous>, transform_indices = @transform_3, window_bounds = array<i64: 1, 128>}, {transform_indices = @transform_4, window_bounds = array<i64: 2000, 64>}]} {
    %get3A = arith.constant 0 : index
    %get3A_0 = arith.constant 0 : index
    %get3A_1 = arith.constant 0 : index
    %get3A_2 = vector.load %arg2[%get3A, %get3A_0, %get3A_1] : memref<2x2000x16xf32, #tpu.memory_space<vmem>>, vector<1x2000x1xf32>
    %get3A_3 = vector.shape_cast %get3A_2 : vector<1x2000x1xf32> to vector<2000x1xf32>
    %get3A_4 = arith.constant 1 : index
    %get3A_5 = arith.constant 0 : index
    %get3A_6 = arith.constant 0 : index
    %get3A_7 = vector.load %arg2[%get3A_4, %get3A_5, %get3A_6] : memref<2x2000x16xf32, #tpu.memory_space<vmem>>, vector<1x2000x1xf32>
    %get3A_8 = vector.shape_cast %get3A_7 : vector<1x2000x1xf32> to vector<2000x1xf32>
    %add3A = arith.addf %get3A_3, %get3A_8 : vector<2000x1xf32>
    %max3A = arith.constant 9.99999996E-13 : f32
    %max3A_9 = vector.broadcast %max3A : f32 to vector<2000x1xf32>
    %max3A_10 = arith.maximumf %add3A, %max3A_9 : vector<2000x1xf32>
    %rsqrt3A = math.rsqrt %max3A_10 : vector<2000x1xf32>
    %get3A_11 = arith.constant 0 : index
    %get3A_12 = arith.constant 0 : index
    %get3A_13 = arith.constant 0 : index
    %get3A_14 = vector.load %arg1[%get3A_11, %get3A_12, %get3A_13] : memref<2x2000x128xf32, #tpu.memory_space<vmem>>, vector<1x2000x128xf32>
    %get3A_15 = vector.shape_cast %get3A_14 : vector<1x2000x128xf32> to vector<2000x128xf32>
    %get3A_16 = arith.constant 1 : index
    %get3A_17 = arith.constant 0 : index
    %get3A_18 = arith.constant 0 : index
    %get3A_19 = vector.load %arg1[%get3A_16, %get3A_17, %get3A_18] : memref<2x2000x128xf32, #tpu.memory_space<vmem>>, vector<1x2000x128xf32>
    %get3A_20 = vector.shape_cast %get3A_19 : vector<1x2000x128xf32> to vector<2000x128xf32>
    %add3A_21 = arith.addf %get3A_15, %get3A_20 : vector<2000x128xf32>
    %mul3A = vector.broadcast %rsqrt3A : vector<2000x1xf32> to vector<2000x128xf32>
    %mul3A_22 = arith.mulf %add3A_21, %mul3A : vector<2000x128xf32>
    %get3A_23 = arith.constant 0 : index
    %get3A_24 = arith.constant 0 : index
    %get3A_25 = vector.load %arg4[%get3A_23, %get3A_24] : memref<1x128xf32, #tpu.memory_space<vmem>>, vector<1x128xf32>
    %add3A_26 = vector.broadcast %get3A_25 : vector<1x128xf32> to vector<2000x128xf32>
    %add3A_27 = arith.addf %mul3A_22, %add3A_26 : vector<2000x128xf32>
    %ge3A = arith.constant 0.000000e+00 : f32
    %ge3A_28 = vector.broadcast %ge3A : f32 to vector<2000x128xf32>
    %ge3A_29 = arith.cmpf oge, %add3A_27, %ge3A_28 : vector<2000x128xf32>
    %mul3A_30 = arith.constant 0.00999999977 : f32
    %mul3A_31 = vector.broadcast %mul3A_30 : f32 to vector<2000x128xf32>
    %mul3A_32 = arith.mulf %mul3A_31, %add3A_27 : vector<2000x128xf32>
    %select_n3A = arith.select %ge3A_29, %add3A_27, %mul3A_32 : vector<2000x128xi1>, vector<2000x128xf32>
    %get3A_33 = arith.constant 0 : index
    %get3A_34 = arith.constant 0 : index
    %get3A_35 = vector.load %arg3[%get3A_33, %get3A_34] : memref<128x64xf32, #tpu.memory_space<vmem>>, vector<128x64xf32>
    %dot_general3A = arith.constant dense<0.000000e+00> : vector<2000x64xf32>
    %dot_general3A_36 = tpu.matmul %select_n3A, %get3A_35, %dot_general3A {dimension_numbers = #tpu.dot_dimension_numbers<[1], [0], [0], [1], [0, 0, 1, 1], [], []>, transpose_lhs_hint = false} : vector<2000x128xf32>, vector<128x64xf32>, vector<2000x64xf32> -> vector<2000x64xf32>
    %mul3A_37 = vector.broadcast %rsqrt3A : vector<2000x1xf32> to vector<2000x64xf32>
    %mul3A_38 = arith.mulf %dot_general3A_36, %mul3A_37 : vector<2000x64xf32>
    %swap3A = arith.constant 0 : index
    %swap3A_39 = arith.constant 0 : index
    %swap3A_40 = vector.load %arg5[%swap3A, %swap3A_39] : memref<2000x64xf32, #tpu.memory_space<vmem>>, vector<2000x64xf32>
    tpu.vector_store %arg5[%swap3A, %swap3A_39], %mul3A_38 {strides = array<i32>} : memref<2000x64xf32, #tpu.memory_space<vmem>>, vector<2000x64xf32>,
    return
  }
  func.func @transform_0(%arg0: i32) -> (i32, i32, i32) {
    %c0_i32 = arith.constant 0 : i32
    %c0_i32_0 = arith.constant 0 : i32
    %c0_i32_1 = arith.constant 0 : i32
    return %c0_i32, %arg0, %c0_i32_0 : i32, i32, i32
  }
  func.func @transform_1(%arg0: i32) -> (i32, i32, i32) {
    %c0_i32 = arith.constant 0 : i32
    %c0_i32_0 = arith.constant 0 : i32
    %c0_i32_1 = arith.constant 0 : i32
    return %c0_i32, %arg0, %c0_i32_0 : i32, i32, i32
  }
  func.func @transform_2(%arg0: i32) -> (i32, i32) {
    %c0_i32 = arith.constant 0 : i32
    %c0_i32_0 = arith.constant 0 : i32
    %c0_i32_1 = arith.constant 0 : i32
    return %c0_i32, %c0_i32_0 : i32, i32
  }
  func.func @transform_3(%arg0: i32) -> (i32, i32) {
    %c0_i32 = arith.constant 0 : i32
    %c0_i32_0 = arith.constant 0 : i32
    %c0_i32_1 = arith.constant 0 : i32
    return %c0_i32, %c0_i32_0 : i32, i32
  }
  func.func @transform_4(%arg0: i32) -> (i32, i32) {
    %c0_i32 = arith.constant 0 : i32
    %c0_i32_0 = arith.constant 0 : i32
    return %arg0, %c0_i32 : i32, i32
  }
}

module attributes {stable_mosaic.version = 14 : i64} {
  func.func @body(%arg0: i32, %arg1: memref<2x2000x64xf32, #tpu.memory_space<vmem>>, %arg2: memref<2x2000x16xf32, #tpu.memory_space<vmem>>, %arg3: memref<64x32xf32, #tpu.memory_space<vmem>>, %arg4: memref<1x64xf32, #tpu.memory_space<vmem>>, %arg5: memref<2000x32xf32, #tpu.memory_space<vmem>>) attributes {dimension_semantics = [#tpu.dimension_semantics<arbitrary>], iteration_bounds = array<i64: 5>, scalar_prefetch = 0 : i64, scratch_operands = 0 : i64, tpu.core_type = #tpu.core_type<tc>, window_params = [{transform_indices = @transform_0, window_bounds = array<i64: 2, 2000, 64>}, {transform_indices = @transform_1, window_bounds = array<i64: 2, 2000, 16>}, {pipeline_mode = #tpu.pipeline_mode<synchronous>, transform_indices = @transform_2, window_bounds = array<i64: 64, 32>}, {pipeline_mode = #tpu.pipeline_mode<synchronous>, transform_indices = @transform_3, window_bounds = array<i64: 1, 64>}, {transform_indices = @transform_4, window_bounds = array<i64: 2000, 32>}]} {
    %get3A = arith.constant 0 : index
    %get3A_0 = arith.constant 0 : index
    %get3A_1 = arith.constant 0 : index
    %get3A_2 = vector.load %arg2[%get3A, %get3A_0, %get3A_1] : memref<2x2000x16xf32, #tpu.memory_space<vmem>>, vector<1x2000x1xf32>
    %get3A_3 = vector.shape_cast %get3A_2 : vector<1x2000x1xf32> to vector<2000x1xf32>
    %get3A_4 = arith.constant 1 : index
    %get3A_5 = arith.constant 0 : index
    %get3A_6 = arith.constant 0 : index
    %get3A_7 = vector.load %arg2[%get3A_4, %get3A_5, %get3A_6] : memref<2x2000x16xf32, #tpu.memory_space<vmem>>, vector<1x2000x1xf32>
    %get3A_8 = vector.shape_cast %get3A_7 : vector<1x2000x1xf32> to vector<2000x1xf32>
    %add3A = arith.addf %get3A_3, %get3A_8 : vector<2000x1xf32>
    %max3A = arith.constant 9.99999996E-13 : f32
    %max3A_9 = vector.broadcast %max3A : f32 to vector<2000x1xf32>
    %max3A_10 = arith.maximumf %add3A, %max3A_9 : vector<2000x1xf32>
    %rsqrt3A = math.rsqrt %max3A_10 : vector<2000x1xf32>
    %get3A_11 = arith.constant 0 : index
    %get3A_12 = arith.constant 0 : index
    %get3A_13 = arith.constant 0 : index
    %get3A_14 = vector.load %arg1[%get3A_11, %get3A_12, %get3A_13] : memref<2x2000x64xf32, #tpu.memory_space<vmem>>, vector<1x2000x64xf32>
    %get3A_15 = vector.shape_cast %get3A_14 : vector<1x2000x64xf32> to vector<2000x64xf32>
    %get3A_16 = arith.constant 1 : index
    %get3A_17 = arith.constant 0 : index
    %get3A_18 = arith.constant 0 : index
    %get3A_19 = vector.load %arg1[%get3A_16, %get3A_17, %get3A_18] : memref<2x2000x64xf32, #tpu.memory_space<vmem>>, vector<1x2000x64xf32>
    %get3A_20 = vector.shape_cast %get3A_19 : vector<1x2000x64xf32> to vector<2000x64xf32>
    %add3A_21 = arith.addf %get3A_15, %get3A_20 : vector<2000x64xf32>
    %mul3A = vector.broadcast %rsqrt3A : vector<2000x1xf32> to vector<2000x64xf32>
    %mul3A_22 = arith.mulf %add3A_21, %mul3A : vector<2000x64xf32>
    %get3A_23 = arith.constant 0 : index
    %get3A_24 = arith.constant 0 : index
    %get3A_25 = vector.load %arg4[%get3A_23, %get3A_24] : memref<1x64xf32, #tpu.memory_space<vmem>>, vector<1x64xf32>
    %add3A_26 = vector.broadcast %get3A_25 : vector<1x64xf32> to vector<2000x64xf32>
    %add3A_27 = arith.addf %mul3A_22, %add3A_26 : vector<2000x64xf32>
    %ge3A = arith.constant 0.000000e+00 : f32
    %ge3A_28 = vector.broadcast %ge3A : f32 to vector<2000x64xf32>
    %ge3A_29 = arith.cmpf oge, %add3A_27, %ge3A_28 : vector<2000x64xf32>
    %mul3A_30 = arith.constant 0.00999999977 : f32
    %mul3A_31 = vector.broadcast %mul3A_30 : f32 to vector<2000x64xf32>
    %mul3A_32 = arith.mulf %mul3A_31, %add3A_27 : vector<2000x64xf32>
    %select_n3A = arith.select %ge3A_29, %add3A_27, %mul3A_32 : vector<2000x64xi1>, vector<2000x64xf32>
    %get3A_33 = arith.constant 0 : index
    %get3A_34 = arith.constant 0 : index
    %get3A_35 = vector.load %arg3[%get3A_33, %get3A_34] : memref<64x32xf32, #tpu.memory_space<vmem>>, vector<64x32xf32>
    %dot_general3A = arith.constant dense<0.000000e+00> : vector<2000x32xf32>
    %dot_general3A_36 = tpu.matmul %select_n3A, %get3A_35, %dot_general3A {dimension_numbers = #tpu.dot_dimension_numbers<[1], [0], [0], [1], [0, 0, 1, 1], [], []>, transpose_lhs_hint = false} : vector<2000x64xf32>, vector<64x32xf32>, vector<2000x32xf32> -> vector<2000x32xf32>
    %mul3A_37 = vector.broadcast %rsqrt3A : vector<2000x1xf32> to vector<2000x32xf32>
    %mul3A_38 = arith.mulf %dot_general3A_36, %mul3A_37 : vector<2000x32xf32>
    %swap3A = arith.constant 0 : index
    %swap3A_39 = arith.constant 0 : index
    %swap3A_40 = vector.load %arg5[%swap3A, %swap3A_39] : memref<2000x32xf32, #tpu.memory_space<vmem>>, vector<2000x32xf32>
    tpu.vector_store %arg5[%swap3A, %swap3A_39], %mul3A_38 {strides = array<i32>} : memref<2000x32xf32, #tpu.memory_space<vmem>>, vector<2000x32xf32>,
    return
  }
  func.func @transform_0(%arg0: i32) -> (i32, i32, i32) {
    %c0_i32 = arith.constant 0 : i32
    %c0_i32_0 = arith.constant 0 : i32
    %c0_i32_1 = arith.constant 0 : i32
    return %c0_i32, %arg0, %c0_i32_0 : i32, i32, i32
  }
  func.func @transform_1(%arg0: i32) -> (i32, i32, i32) {
    %c0_i32 = arith.constant 0 : i32
    %c0_i32_0 = arith.constant 0 : i32
    %c0_i32_1 = arith.constant 0 : i32
    return %c0_i32, %arg0, %c0_i32_0 : i32, i32, i32
  }
  func.func @transform_2(%arg0: i32) -> (i32, i32) {
    %c0_i32 = arith.constant 0 : i32
    %c0_i32_0 = arith.constant 0 : i32
    %c0_i32_1 = arith.constant 0 : i32
    return %c0_i32, %c0_i32_0 : i32, i32
  }
  func.func @transform_3(%arg0: i32) -> (i32, i32) {
    %c0_i32 = arith.constant 0 : i32
    %c0_i32_0 = arith.constant 0 : i32
    %c0_i32_1 = arith.constant 0 : i32
    return %c0_i32, %c0_i32_0 : i32, i32
  }
  func.func @transform_4(%arg0: i32) -> (i32, i32) {
    %c0_i32 = arith.constant 0 : i32
    %c0_i32_0 = arith.constant 0 : i32
    return %arg0, %c0_i32 : i32, i32
  }
}

module attributes {stable_mosaic.version = 14 : i64} {
  func.func @body(%arg0: i32, %arg1: memref<2x2000x32xf32, #tpu.memory_space<vmem>>, %arg2: memref<2x2000x16xf32, #tpu.memory_space<vmem>>, %arg3: memref<1x32xf32, #tpu.memory_space<vmem>>, %arg4: memref<2000x32xf32, #tpu.memory_space<vmem>>) attributes {dimension_semantics = [#tpu.dimension_semantics<arbitrary>], iteration_bounds = array<i64: 5>, scalar_prefetch = 0 : i64, scratch_operands = 0 : i64, tpu.core_type = #tpu.core_type<tc>, window_params = [{transform_indices = @transform_0, window_bounds = array<i64: 2, 2000, 32>}, {transform_indices = @transform_1, window_bounds = array<i64: 2, 2000, 16>}, {pipeline_mode = #tpu.pipeline_mode<synchronous>, transform_indices = @transform_2, window_bounds = array<i64: 1, 32>}, {transform_indices = @transform_3, window_bounds = array<i64: 2000, 32>}]} {
    %get3A = arith.constant 0 : index
    %get3A_0 = arith.constant 0 : index
    %get3A_1 = arith.constant 0 : index
    %get3A_2 = vector.load %arg2[%get3A, %get3A_0, %get3A_1] : memref<2x2000x16xf32, #tpu.memory_space<vmem>>, vector<1x2000x1xf32>
    %get3A_3 = vector.shape_cast %get3A_2 : vector<1x2000x1xf32> to vector<2000x1xf32>
    %get3A_4 = arith.constant 1 : index
    %get3A_5 = arith.constant 0 : index
    %get3A_6 = arith.constant 0 : index
    %get3A_7 = vector.load %arg2[%get3A_4, %get3A_5, %get3A_6] : memref<2x2000x16xf32, #tpu.memory_space<vmem>>, vector<1x2000x1xf32>
    %get3A_8 = vector.shape_cast %get3A_7 : vector<1x2000x1xf32> to vector<2000x1xf32>
    %add3A = arith.addf %get3A_3, %get3A_8 : vector<2000x1xf32>
    %max3A = arith.constant 9.99999996E-13 : f32
    %max3A_9 = vector.broadcast %max3A : f32 to vector<2000x1xf32>
    %max3A_10 = arith.maximumf %add3A, %max3A_9 : vector<2000x1xf32>
    %rsqrt3A = math.rsqrt %max3A_10 : vector<2000x1xf32>
    %get3A_11 = arith.constant 0 : index
    %get3A_12 = arith.constant 0 : index
    %get3A_13 = arith.constant 0 : index
    %get3A_14 = vector.load %arg1[%get3A_11, %get3A_12, %get3A_13] : memref<2x2000x32xf32, #tpu.memory_space<vmem>>, vector<1x2000x32xf32>
    %get3A_15 = vector.shape_cast %get3A_14 : vector<1x2000x32xf32> to vector<2000x32xf32>
    %get3A_16 = arith.constant 1 : index
    %get3A_17 = arith.constant 0 : index
    %get3A_18 = arith.constant 0 : index
    %get3A_19 = vector.load %arg1[%get3A_16, %get3A_17, %get3A_18] : memref<2x2000x32xf32, #tpu.memory_space<vmem>>, vector<1x2000x32xf32>
    %get3A_20 = vector.shape_cast %get3A_19 : vector<1x2000x32xf32> to vector<2000x32xf32>
    %add3A_21 = arith.addf %get3A_15, %get3A_20 : vector<2000x32xf32>
    %mul3A = vector.broadcast %rsqrt3A : vector<2000x1xf32> to vector<2000x32xf32>
    %mul3A_22 = arith.mulf %add3A_21, %mul3A : vector<2000x32xf32>
    %get3A_23 = arith.constant 0 : index
    %get3A_24 = arith.constant 0 : index
    %get3A_25 = vector.load %arg3[%get3A_23, %get3A_24] : memref<1x32xf32, #tpu.memory_space<vmem>>, vector<1x32xf32>
    %add3A_26 = vector.broadcast %get3A_25 : vector<1x32xf32> to vector<2000x32xf32>
    %add3A_27 = arith.addf %mul3A_22, %add3A_26 : vector<2000x32xf32>
    %swap3A = arith.constant 0 : index
    %swap3A_28 = arith.constant 0 : index
    %swap3A_29 = vector.load %arg4[%swap3A, %swap3A_28] : memref<2000x32xf32, #tpu.memory_space<vmem>>, vector<2000x32xf32>
    tpu.vector_store %arg4[%swap3A, %swap3A_28], %add3A_27 {strides = array<i32>} : memref<2000x32xf32, #tpu.memory_space<vmem>>, vector<2000x32xf32>,
    return
  }
  func.func @transform_0(%arg0: i32) -> (i32, i32, i32) {
    %c0_i32 = arith.constant 0 : i32
    %c0_i32_0 = arith.constant 0 : i32
    %c0_i32_1 = arith.constant 0 : i32
    return %c0_i32, %arg0, %c0_i32_0 : i32, i32, i32
  }
  func.func @transform_1(%arg0: i32) -> (i32, i32, i32) {
    %c0_i32 = arith.constant 0 : i32
    %c0_i32_0 = arith.constant 0 : i32
    %c0_i32_1 = arith.constant 0 : i32
    return %c0_i32, %arg0, %c0_i32_0 : i32, i32, i32
  }
  func.func @transform_2(%arg0: i32) -> (i32, i32) {
    %c0_i32 = arith.constant 0 : i32
    %c0_i32_0 = arith.constant 0 : i32
    %c0_i32_1 = arith.constant 0 : i32
    return %c0_i32, %c0_i32_0 : i32, i32
  }
  func.func @transform_3(%arg0: i32) -> (i32, i32) {
    %c0_i32 = arith.constant 0 : i32
    %c0_i32_0 = arith.constant 0 : i32
    return %arg0, %c0_i32 : i32, i32
  }
}

</mosaic_0001>

<sc_bundles>
// kernel: kernel.11.cloned.1.call-start
scs
__scs_entry_jumppad:
0x0: {  	(pc) =	sbr.rel $0x88, $3  }
0x1: {  	(tag) =	ssettag $0x0;
	lr =	simm.s32 $0x1  }
0x2: {  	[smem:$0x3F95] =	sst lr;
	_ =	strace $0xD0000000  }
0x3: {  	_ = 	snop  }
0x4: {  	_ = 	snop  }
0x5: {  	_ = 	snop  }
0x6: {  	_ = 	snop  }
0x7: {  	_ = 	snop  }
__scs_overlays_trampoline_lowered:
0x8: {  	[smem:$0x3FA4] =	sst s0  }
0x9: {  	[smem:$0x3FA5] =	sst s1  }
0xa: {  	[smem:$0x3FA6] =	sst s2  }
0xb: {  	[smem:$0x3FA7] =	sst s3  }
0xc: {  	[smem:$0x3FA8] =	sst s4  }
0xd: {  	[smem:$0x3FA9] =	sst s5  }
0xe: {  	[smem:$0x3FAA] =	sst s6  }
0xf: {  	[smem:$0x3FAB] =	sst s7  }
0x10: {  	[smem:$0x3FAC] =	sst s8  }
0x11: {  	[smem:$0x3FAD] =	sst s9;
	s0 =	simm.s32 @!p0 $0x0  }
0x12: {  	s1 =	sld [smem:$0x3F93];
	s0 =	simm.s32 @p0 $0x1  }
0x13: {  	[smem:$0x3FAE] =	sst s0;
	s0 =	simm.s32 @!p1 $0x0  }
0x14: {  	s2 =	sld [smem:$0x3F92];
	s0 =	simm.s32 @p1 $0x1  }
0x15: {  	[smem:$0x3FAF] =	sst s0;
	s0 =	simm.s32 @!p2 $0x0  }
0x16: {  	s3 =	sld [smem:$0x3FDB];
	s0 =	simm.s32 @p2 $0x1  }
0x17: {  	s4 =	simm.s32 $0x1BF5;
	[smem:$0x3FB1] =	sst s0  }
0x18: {  	s0 =	sld [smem:$0x3F94];
	_ =	swait.ge [sflag:s4], $0x0  }
0x19: {  	s7 =	sld [smem:$0x3F95]  }
0x1a: {  	s8 =	sadd.s32 $0xFFFFE003, lr  }
0x1b: {  	s9 =	sadd.s32 $0xFFFFFEF7, lr;
	s5 =	simm.s32 $0xFFFFFFFF;
	p2 =	slt.u32 s8, $0xFFFFF086  }
0x1c: {  	p1 =	slt.u32 s9, $0xF7A;
	s5 =	simm.s32 @!p2 $0x0  }
0x1d: {  	s5 =	simm.s32 @p1 $0x1;
	p0 =	seq.s32 s7, s2  }
0x1e: {  	s7 =	smul.u32 @!p0 $0xF7A, s2;
	p2 =	seq.s32 @!p0 s5, $0x0  }
0x1f: {  	s9 =	smul.u32 $0xF7A, s1;
	s8 =	simm.s32 @!p0 $0x1BF5;
	p2 =	por !p2, p0  }
0x20: {  	[sflag:s8] =	ssyncset.s32 @!p0 $0xFFFFF086;
	s6 =	sadd.s32 @!p0 s3, s7;
	s7 =	simm.s32 @!p0 $0x108  }
0x21: {  	s3 =	sadd.s32 s3, s9;
	s6 =	sadd.s32 @!p0 $0x88, s6;
	s7 =	simm.s32 @p2 $0x1082  }
0x22: {  	[simem:s7], [sflag:s8] =	dma.local @!p0 [hbm:s6], $0xF7A  }
0x23: {  	s9 =	sor.u32 $0xD0000000, s2;
	s6 =	simm.s32 $0x108;
	_ =	swait.ge @!p0 [sflag:s8], $0x0  }
0x24: {  	s3 =	sadd.s32 $0x88, s3;
	s6 =	simm.s32 @!p1 $0x1082;
	[sflag:s4] =	ssyncset.s32 $0xFFFFF086  }
0x25: {  	[simem:s6], [sflag:s4] =	dma.local [hbm:s3], $0xF7A  }
0x26: {  	[smem:$0x3F95] =	sst s1;
	(tag) =	ssettag s2;
	_ =	strace s9  }
0x27: {  	s1 =	sld [smem:$0x3FA5]  }
0x28: {  	s2 =	sld [smem:$0x3FA6]  }
0x29: {  	s4 =	sld [smem:$0x3FA8]  }
0x2a: {  	p0 =	seq.s32 s5, $0x0;
	s5 =	sld [smem:$0x3FA9]  }
0x2b: {  	s6 =	sld [smem:$0x3FAA]  }
0x2c: {  	s7 =	sld [smem:$0x3FAB]  }
0x2d: {  	s3 =	simm.s32 $0x108;
	s8 =	sld [smem:$0x3FAC]  }
0x2e: {  	s3 =	simm.s32 @!p0 $0x1082;
	s9 =	sld [smem:$0x3FAD]  }
0x2f: {  	lr =	sadd.s32 s0, s3;
	s0 =	sld [smem:$0x3FA4]  }
0x30: {  	s3 =	sld [smem:$0x3FA7]  }
0x31: {  	[smem:$0x3FB0] =	sst s10  }
0x32: {  	s10 =	sld [smem:$0x3FAE];
	_ =	sdelay $0x3  }
0x33: {  	p0 =	seq.s32 s10, $0x1;
	s10 =	sld [smem:$0x3FB0];
	_ =	sdelay $0x3  }
0x34: {  	[smem:$0x3FB0] =	sst s10  }
0x35: {  	s10 =	sld [smem:$0x3FAF];
	_ =	sdelay $0x3  }
0x36: {  	p1 =	seq.s32 s10, $0x1;
	s10 =	sld [smem:$0x3FB0];
	_ =	sdelay $0x3  }
0x37: {  	[smem:$0x3FB0] =	sst s10  }
0x38: {  	s10 =	sld [smem:$0x3FB1]  }
0x39: {  	_ = 	snop;
	(pc) =	sbr.ind lr, $3  }
0x3a: {  	_ = 	snop  }
0x3b: {  	_ = 	snop  }
0x3c: {  	p2 =	seq.s32 s10, $0x1;
	s10 =	sld [smem:$0x3FB0]  }
0x3d: {  	_ =	shalt  }
0x3e: {  	_ =	shalt  }
0x3f: {  	_ =	shalt  }
0x40: {  	_ =	shalt  }
0x41: {  	_ =	shalt  }
0x42: {  	_ =	shalt  }
0x43: {  	_ =	shalt  }
0x44: {  	_ =	shalt  }
0x45: {  	_ =	shalt  }
0x46: {  	_ =	shalt  }
0x47: {  	_ =	shalt  }
0x48: {  	_ =	shalt  }
0x49: {  	_ =	shalt  }
0x4a: {  	_ =	shalt  }
0x4b: {  	_ =	shalt  }
0x4c: {  	_ =	shalt  }
0x4d: {  	_ =	shalt  }
0x4e: {  	_ =	shalt  }
0x4f: {  	_ =	shalt  }
0x50: {  	_ =	shalt  }
0x51: {  	_ =	shalt  }
0x52: {  	_ =	shalt  }
0x53: {  	_ =	shalt  }
0x54: {  	_ =	shalt  }
0x55: {  	_ =	shalt  }
0x56: {  	_ =	shalt  }
0x57: {  	_ =	shalt  }
0x58: {  	_ =	shalt  }
0x59: {  	_ =	shalt  }
0x5a: {  	_ =	shalt  }
0x5b: {  	_ =	shalt  }
0x5c: {  	_ =	shalt  }
0x5d: {  	_ =	shalt  }
0x5e: {  	_ =	shalt  }
0x5f: {  	_ =	shalt  }
0x60: {  	_ =	shalt  }
0x61: {  	_ =	shalt  }
0x62: {  	_ =	shalt  }
0x63: {  	_ =	shalt  }
0x64: {  	_ =	shalt  }
0x65: {  	_ =	shalt  }
0x66: {  	_ =	shalt  }
0x67: {  	_ =	shalt  }
0x68: {  	_ =	shalt  }
0x69: {  	_ =	shalt  }
0x6a: {  	_ =	shalt  }
0x6b: {  	_ =	shalt  }
0x6c: {  	_ =	shalt  }
0x6d: {  	_ =	shalt  }
0x6e: {  	_ =	shalt  }
0x6f: {  	_ =	shalt  }
0x70: {  	_ =	shalt  }
0x71: {  	_ =	shalt  }
0x72: {  	_ =	shalt  }
0x73: {  	_ =	shalt  }
0x74: {  	_ =	shalt  }
0x75: {  	_ =	shalt  }
0x76: {  	_ =	shalt  }
0x77: {  	_ =	shalt  }
0x78: {  	_ =	shalt  }
0x79: {  	_ =	shalt  }
0x7a: {  	_ =	shalt  }
0x7b: {  	_ =	shalt  }
0x7c: {  	_ =	shalt  }
0x7d: {  	_ =	shalt  }
0x7e: {  	_ =	shalt  }
0x7f: {  	_ =	shalt  }
0x80: {  	_ =	shalt  }
0x81: {  	_ =	shalt  }
0x82: {  	_ =	shalt  }
0x83: {  	_ =	shalt  }
0x84: {  	_ =	shalt  }
0x85: {  	_ =	shalt  }
0x86: {  	_ =	shalt  }
0x87: {  	_ =	shalt  }
.Lfunc_end0:
.L_simem_size_0:
called_computation_lowered:
.L_overlay_start_0:
0x88: {  	s2 =	sld [smem:$0x3FD9]  }
0x89: {  	s3 =	sld [smem:$0x3FFE];
	_ =	sdelay $0x1  }
0x8a: {  	s1 =	srdreg.scid  }
0x8b: {  	s0 =	sand.u32 $0x1, s1  }
0x8c: {  	s17 =	sshll.u32 s0, $0xA;
	s2 =	sadd.s32 s3, s2  }
0x8d: {  	s2 =	sadd.s32 s2, s17  }
0x8e: {  	[smem:$0x3FBC] =	sst s2  }
0x8f: {  	_ = 	snop  }
0x90: {  	s2 =	sld [smem:$0x3FD0];
	(tm) =	ssettm $0x1  }
0x91: {  	s18 =	sld [smem:$0x3FFB];
	_ =	sdelay $0x3  }
0x92: {  	_ =	strace s18  }
0x93: {  	s3 =	sld [smem:$0x3FFC];
	_ =	sdelay $0x3  }
0x94: {  	_ =	strace s3  }
0x95: {  	s3 =	sld [smem:$0x3FFD];
	_ =	sdelay $0x3  }
0x96: {  	_ =	strace s3  }
0x97: {  	_ =	strace $0x8FFFFFFF  }
0x98: {  	s19 =	sld [smem:$0x3FDB];
	_ =	sdelay $0x1  }
0x99: {  	s4 =	simm.s32 $_scs_section_size  }
0x9a: {  	s5 =	simm.s32 $_size__tile_overlayer_lowered;
	s6 =	simm.s32 $_tile_overlayer_lowered  }
0x9b: {  	s22 =	simm.s32 $0x1BFF;
	s21 =	sshll.u32 s6, $0x1;
	s3 =	sadd.s32 s4, s19  }
0x9c: {  	s7 =	simm.s32 $0x0;
	s20 =	sshll.u32 s5, $0x1;
	s5 =	sadd.s32 s21, s3  }
0x9d: {  	[timem:s7], [sflag:s22] =	dma.local [hbm:s5], s20  }
0x9e: {  	_ =	swait.ge [sflag:s22], s20  }
0x9f: {  	s4 =	ssub.s32 $0x0, s20;
	[sflag:s22] =	ssyncset.done $0x0  }
0xa0: {  	[sflag:s22] =	ssyncadd.s32 s4;
	_ =	sdelay $0x1  }
0xa1: {  	s23 =	simm.s32 $0x1B8B  }
0xa2: {  	_ =	swait.ge [sflag:s23], $0x1  }
0xa3: {  	[sflag:s23] =	ssyncset.done $0x0  }
0xa4: {  	s25 =	simm.s32 $0x1B8E;
	s24 =	sld [smem:$0x3FFE];
	[sflag:s23] =	ssyncadd.s32 $0xFFFFFFFF  }
0xa5: {  	s26 =	simm.s32 $execute0_lowered;
	[smem:$0x3FD2] =	sst s25  }
0xa6: {  	s5 =	sshll.u32 s26, $0x1;
	_ =	strace $0x80000046;
	[dreg:$0x1] =	wrdreg $0xFFFFFFFF  }
0xa7: {  	s28 =	simm.s32 $_size_execute0_lowered;
	s3 =	sadd.s32 s3, s5;
	[dreg:$0x0] =	wrdreg $0x0  }
0xa8: {  	s5 =	sshll.u32 s28, $0x1;
	[dreg:$0x2] =	wrdreg s3  }
0xa9: {  	[dreg:$0x3] =	wrdreg s5  }
0xaa: {  	[dreg:$0x4] =	wrdreg $0xC0  }
0xab: {  	_ =	task [dreg:s7], $0x5FFFF  }
0xac: {  	[dreg:$0x1] =	wrdreg $0xFFFFFFFF  }
0xad: {  	[dreg:$0x0] =	wrdreg $0x60  }
0xae: {  	[dreg:$0x2] =	wrdreg s24  }
0xaf: {  	[dreg:$0x3] =	wrdreg s2  }
0xb0: {  	[dreg:$0x4] =	wrdreg $0x0  }
0xb1: {  	[dreg:$0x5] =	wrdreg $0x9  }
0xb2: {  	_ =	task.clear_ibuf [dreg:s7], $0x6FFFF;
	_ =	strace $0x90000046  }
0xb3: {  	s29 =	simm.s32 $0x9;
	_ =	strace $0x80000048  }
0xb4: {  	_ =	swait.ge [sflag:s29], $0x1  }
0xb5: {  	[sflag:s29] =	ssyncadd.s32 $0xFFFFFFFF  }
0xb6: {  	_ =	strace $0x90000048  }
0xb7: {  	_ =	sfence  }
0xb8: {  	s30 =	sld [smem:$0x0];
	_ =	sdelay $0x2  }
0xb9: {  	s31 =	sshll.u32 s1, $0xD;
	s1 =	sshrl.u32 s1, $0x2  }
0xba: {  	s3 =	sand.u32 $0x4000, s31;
	s1 =	sadd.s32 s1, s30  }
0xbb: {  	s0 =	sor.u32 s3, s0;
	s1 =	sshll.u32 s1, $0x11  }
0xbc: {  	s0 =	sor.u32 s1, s0  }
0xbd: {  	s0 =	sadd.s32 $0x8F2B, s0  }
0xbe: {  	[sflag:s0] =	ssyncadd.remote.s32 $0x1  }
0xbf: {  	_ =	sfence.sel $0xFFFF  }
0xc0: {  	[dreg:$0x0] =	wrdreg $0xFFFFFFFF;
	(pc) =	sbr.abs _section_cstart, $3  }
0xc1: {  	[dreg:$0x1] =	wrdreg $0xFFFFFFFF  }
0xc2: {  	_ =	task.clear_ibuf [dreg:s7], $0x2FFFF;
	_ =	strace $0x9FFFFFFF  }
0xc3: {  	(tm) =	ssettm $0x7FFFFFFF  }
tec
execute0_lowered:
.L_overlay_start_1:
0x0: {  	(tag) =	ssettag $0x1  }
0x1: {  	s7 =	rddreg [dreg:$0x0]  }
0x2: {  	s0 =	srdreg.scid;
	s10 =	rddreg [dreg:$0x1]  }
0x3: {  	s2 =	rddreg [dreg:$0x2];
	s1 =	stileid.u32  }
0x4: {  	s3 =	simm.s32 $0x0;
	s17 =	simm.s32 $0x80;
	s18 =	simm.s32 $0x1  }
0x5: {  	s19 =	simm.s32 $0x2;
	s5 =	sand.u32 $0x1, s0;
	s0 =	rddreg [dreg:$0x3]  }
0x6: {  	s20 =	simm.s32 $0x0;
	[smem:$0x7FF] =	sst s3;
	s6 =	smul.u32 $0x2700, s1  }
0x7: {  	s13 =	smul.u32 $0x4E0, s1;
	s30 =	sshll.u32 s1, $0x6;
	s16 =	sadd.s32 $0x27000, s2  }
0x8: {  	p0 =	sne.s32 s1, $0xF;
	s4 =	sshll.u32 s5, $0x4;
	s29 =	smul.u32 $0x4E20, s5  }
0x9: {  	_ =	strace $0x80000047;
	s9 =	ssub.s32 $0x2, s5;
	s15 =	smul.u32 $0x27100, s5  }
0xa: {  	s4 =	sor.u32 s1, s4;
	s11 =	sshrl.u32 s6, $0x3;
	s12 =	sshrl.u32 s9, $0x1  }
0xb: {  	s14 =	sadd.s32 s6, s2;
	s6 =	sor.u32 $0x1C03, s30;
	s4 =	smul.u32 $0x280, s4  }
0xc: {  	s11 =	sadd.s32 s11, s7;
	s12 =	ssub.s32 s9, s12;
	s9 =	sadd.s32 s13, s29  }
0xd: {  	s31 =	sshrl.u32 s15, $0x3;
	s13 =	simm.s32 $0x3;
	s15 =	simm.s32 $0x3B20  }
0xe: {  	s5 =	sadd.s32 $0x7A00, s11;
	s9 =	sadd.s32 s10, s9;
	s10 =	sadd.s32 s10, s31  }
0xf: {  	s11 =	smax.u32 s12, $0x1;
	s12 =	sshrl.u32 s14, $0x3;
	s14 =	sshrl.u32 @!p0 s16, $0x3  }
0x10: {  	s16 =	simm.s32 $0x2720;
	s8 =	sadd.s32 s4, s7;
	s4 =	sadd.s32 $0xCA00, s7  }
0x11: {  	s7 =	sadd.s32 $0xC800, s7;
	s10 =	sadd.s32 $0x4E00, s10;
	s8 =	sadd.s32 $0x2A00, s8  }
.LBB2_1:
0x12: {  	[spmem:s12], [sflag:s6] =	dma.local [hbm:s5], $0x4E0  }
0x13: {  	_ =	swait.ge [sflag:s13], $0x4E0  }
0x14: {  	[sflag:s13] =	ssyncset.done $0x0  }
0x15: {  	s21 =	simm.s32 @!p0 $0x3;
	[sflag:s13] =	ssyncadd.s32 $0xFFFFFB20  }
0x16: {  	[spmem:s14], [sflag:s6] =	dma.local @!p0 [hbm:s7], $0x20  }
0x17: {  	_ =	swait.ge @!p0 [sflag:s21], $0x20  }
0x18: {  	[sflag:s21] =	ssyncset.done @!p0 $0x0  }
0x19: {  	[sflag:s21] =	ssyncadd.s32 @!p0 $0xFFFFFFE0  }
0x1a: {  	[tilespmem:s15], [sflag:$0x3] =	stream.linear.gather [hbm4b:s4+s3], $0x800, $0x38;
	[tilespmem:$0x4320] =	vst v63  }
0x1b: {  	_ =	swait.ge [sflag:s13], $0x800  }
0x1c: {  	[sflag:s13] =	ssyncset.done $0x0  }
0x1d: {  	[sflag:s13] =	ssyncadd.s32 $0xFFFFF800  }
0x1e: {  	[bflag:$0x0] =	sbarrier.arrive $0xFFFF  }
0x1f: {  	[tilespmem:s16], [sflag:$0x3] =	stream.linear.gather [hbm4b:s8+s3], $0x1400, $0x38;
	[tilespmem:$0x4320] =	vst v63  }
0x20: {  	_ =	swait.ge [sflag:s13], $0x1400  }
0x21: {  	[sflag:s13] =	ssyncset.done $0x0  }
0x22: {  	s30 =	simm.s32 $0x2720;
	[sflag:s13] =	ssyncadd.s32 $0xFFFFEC00  }
0x23: {  	[spmem:s2] =	stream.indirect.scatter.add.f32 [tilespmem:s15], [sflag:$0x1], $0x10, s30, s17, $0xb8;
	[tilespmem:$0x4320] =	vst v63  }
0x24: {  	s31 =	simm.s32 $0x27A0  }
0x25: {  	[spmem:s2] =	stream.indirect.scatter.add.f32 [tilespmem:s15], [sflag:$0x2], $0x10, s31, s17, $0xb8;
	[tilespmem:$0x4320] =	vst v63  }
0x26: {  	_ =	swait.ge [sflag:s18], $0x800  }
0x27: {  	[sflag:s18] =	ssyncset.done $0x0  }
0x28: {  	[sflag:s18] =	ssyncadd.s32 $0xFFFFF800  }
0x29: {  	_ =	swait.ge [sflag:s19], $0x800  }
0x2a: {  	s22 =	simm.s32 $0x800;
	s21 =	simm.s32 $0x100;
	[sflag:s19] =	ssyncset.done $0x0  }
.LBB2_2:
0x2b: {  	s23 =	sadd.s32 $0x2720, s21  }
0x2c: {  	[sflag:s19] =	ssyncadd.s32 $0xFFFFF800;
	s24 =	smov.u32 s22;
	s25 =	sadd.s32 $0x400, s22  }
0x2d: {  	[spmem:s2] =	stream.indirect.scatter.add.f32 [tilespmem:s15], [sflag:$0x1], $0x10, s23, s17, $0xb8;
	[tilespmem:$0x4320] =	vst v63  }
0x2e: {  	p1 =	sne.s32 s22, $0x4C00;
	s21 =	sadd.s32 $0x27A0, s21  }
0x2f: {  	[spmem:s2] =	stream.indirect.scatter.add.f32 [tilespmem:s15], [sflag:$0x2], $0x10, s21, s17, $0xb8;
	[tilespmem:$0x4320] =	vst v63  }
.Ltmp0:
0x30: {  	_ =	swait.ge [sflag:s18], $0x800;
	(pc) =	sbr.rel @p1 .LBB2_2-.Ltmp0, $4  }
0x31: {  	[sflag:s18] =	ssyncset.done $0x0  }
0x32: {  	[sflag:s18] =	ssyncadd.s32 $0xFFFFF800  }
0x33: {  	_ =	swait.ge [sflag:s19], $0x800  }
0x34: {  	s22 =	smov.u32 s25;
	s21 =	sshra.s32 s24, $0x2;
	[sflag:s19] =	ssyncset.done $0x0  }
0x35: {  	s22 =	sadd.s32 $0x2720, s21;
	[sflag:s19] =	ssyncadd.s32 $0xFFFFF800  }
0x36: {  	[spmem:s2] =	stream.indirect.scatter.add.f32 [tilespmem:s15], [sflag:$0x1], $0x10, s22, s17, $0xb8;
	[tilespmem:$0x4320] =	vst v63  }
0x37: {  	s31 =	sadd.s32 $0x27A0, s21  }
0x38: {  	[spmem:s2] =	stream.indirect.scatter.add.f32 [tilespmem:s15], [sflag:$0x2], $0x10, s31, s17, $0xb8;
	[tilespmem:$0x4320] =	vst v63  }
0x39: {  	_ =	swait.ge [sflag:s18], $0x800  }
0x3a: {  	[sflag:s18] =	ssyncset.done $0x0  }
0x3b: {  	[sflag:s18] =	ssyncadd.s32 $0xFFFFF800  }
0x3c: {  	_ =	swait.ge [sflag:s19], $0x800  }
0x3d: {  	[sflag:s19] =	ssyncset.done $0x0  }
0x3e: {  	[sflag:s19] =	ssyncadd.s32 $0xFFFFF800  }
0x3f: {  	[bflag:$0x0] =	sbarrier.arrive $0xFFFF  }
0x40: {  	[hbm:s9], [sflag:s6] =	dma.local [spmem:s12], $0x4E0  }
0x41: {  	s20 =	sadd.s32 $0x1, s20;
	_ =	swait.ge [sflag:s13], $0x4E0  }
0x42: {  	p1 =	sne.s32 s20, s11;
	[sflag:s13] =	ssyncset.done $0x0  }
.Ltmp1:
0x43: {  	s21 =	simm.s32 @!p0 $0x3;
	[sflag:s13] =	ssyncadd.s32 $0xFFFFFB20;
	(pc) =	sbr.rel @p1 .LBB2_1-.Ltmp1, $4  }
0x44: {  	[hbm:s10], [sflag:s6] =	dma.local @!p0 [spmem:s14], $0x20  }
0x45: {  	_ =	swait.ge @!p0 [sflag:s21], $0x20  }
0x46: {  	[sflag:s21] =	ssyncset.done @!p0 $0x0  }
0x47: {  	[sflag:s21] =	ssyncadd.s32 @!p0 $0xFFFFFFE0  }
0x48: {  	_ =	sfence.sel $0x180000  }
0x49: {  	[bflag:$0x0] =	sbarrier.arrive $0xFFFF  }
0x4a: {  	p0 =	sne.s32 s1, $0x0;
	_ =	strace $0x90000047  }
0x4b: {  	s0 =	sadd.s32 @!p0 $0x100000, s0;
	[bflag:$0x2] =	sbarrier.arrive $0xFFFF  }
0x4c: {  	[sflag:s0] =	ssyncadd.tile.s32 @!p0 $0x1;
	_ =	shalt  }
.Lfunc_end2:
_tile_overlayer_lowered:
.L_overlay_start_2:
0x4d: {  	(tag) =	ssettag $0x2  }
0x4e: {  	s0 =	rddreg [dreg:$0x0];
	s2 =	stileid.u32  }
0x4f: {  	s1 =	rddreg [dreg:$0x1];
	p0 =	sne.s32 s2, $0x0  }
0x50: {  	s3 =	rddreg [dreg:$0x2];
	[bflag:$0x3] =	sbarrier.arrive $0xFFFF;
	s2 =	simm.s32 @!p0 $0x1C03  }
0x51: {  	[timem:s3], [sflag:s2] =	dma.local @!p0 [hbm:s0], s1  }
0x52: {  	s0 =	simm.s32 @!p0 $0x3  }
0x53: {  	_ =	swait.ge @!p0 [sflag:s0], s1  }
0x54: {  	s1 =	ssub.s32 @!p0 $0x0, s1;
	[sflag:s0] =	ssyncset.done @!p0 $0x0  }
0x55: {  	[sflag:s0] =	ssyncadd.s32 @!p0 s1  }
0x56: {  	[bflag:$0x3] =	sbarrier.arrive $0xFFFF  }
0x57: {  	_ =	shalt  }

// kernel: kernel.14.cloned.1.call-start
scs
__scs_entry_jumppad:
0x0: {  	(pc) =	sbr.rel $0x88, $3  }
0x1: {  	(tag) =	ssettag $0x0;
	lr =	simm.s32 $0x1  }
0x2: {  	[smem:$0x3F95] =	sst lr;
	_ =	strace $0xD0000000  }
0x3: {  	_ = 	snop  }
0x4: {  	_ = 	snop  }
0x5: {  	_ = 	snop  }
0x6: {  	_ = 	snop  }
0x7: {  	_ = 	snop  }
__scs_overlays_trampoline_lowered:
0x8: {  	[smem:$0x3FA4] =	sst s0  }
0x9: {  	[smem:$0x3FA5] =	sst s1  }
0xa: {  	[smem:$0x3FA6] =	sst s2  }
0xb: {  	[smem:$0x3FA7] =	sst s3  }
0xc: {  	[smem:$0x3FA8] =	sst s4  }
0xd: {  	[smem:$0x3FA9] =	sst s5  }
0xe: {  	[smem:$0x3FAA] =	sst s6  }
0xf: {  	[smem:$0x3FAB] =	sst s7  }
0x10: {  	[smem:$0x3FAC] =	sst s8  }
0x11: {  	[smem:$0x3FAD] =	sst s9;
	s0 =	simm.s32 @!p0 $0x0  }
0x12: {  	s1 =	sld [smem:$0x3F93];
	s0 =	simm.s32 @p0 $0x1  }
0x13: {  	[smem:$0x3FAE] =	sst s0;
	s0 =	simm.s32 @!p1 $0x0  }
0x14: {  	s2 =	sld [smem:$0x3F92];
	s0 =	simm.s32 @p1 $0x1  }
0x15: {  	[smem:$0x3FAF] =	sst s0;
	s0 =	simm.s32 @!p2 $0x0  }
0x16: {  	s3 =	sld [smem:$0x3FDB];
	s0 =	simm.s32 @p2 $0x1  }
0x17: {  	s4 =	simm.s32 $0x1BF5;
	[smem:$0x3FB1] =	sst s0  }
0x18: {  	s0 =	sld [smem:$0x3F94];
	_ =	swait.ge [sflag:s4], $0x0  }
0x19: {  	s7 =	sld [smem:$0x3F95]  }
0x1a: {  	s8 =	sadd.s32 $0xFFFFE003, lr  }
0x1b: {  	s9 =	sadd.s32 $0xFFFFFEF7, lr;
	s5 =	simm.s32 $0xFFFFFFFF;
	p2 =	slt.u32 s8, $0xFFFFF086  }
0x1c: {  	p1 =	slt.u32 s9, $0xF7A;
	s5 =	simm.s32 @!p2 $0x0  }
0x1d: {  	s5 =	simm.s32 @p1 $0x1;
	p0 =	seq.s32 s7, s2  }
0x1e: {  	s7 =	smul.u32 @!p0 $0xF7A, s2;
	p2 =	seq.s32 @!p0 s5, $0x0  }
0x1f: {  	s9 =	smul.u32 $0xF7A, s1;
	s8 =	simm.s32 @!p0 $0x1BF5;
	p2 =	por !p2, p0  }
0x20: {  	[sflag:s8] =	ssyncset.s32 @!p0 $0xFFFFF086;
	s6 =	sadd.s32 @!p0 s3, s7;
	s7 =	simm.s32 @!p0 $0x108  }
0x21: {  	s3 =	sadd.s32 s3, s9;
	s6 =	sadd.s32 @!p0 $0x88, s6;
	s7 =	simm.s32 @p2 $0x1082  }
0x22: {  	[simem:s7], [sflag:s8] =	dma.local @!p0 [hbm:s6], $0xF7A  }
0x23: {  	s9 =	sor.u32 $0xD0000000, s2;
	s6 =	simm.s32 $0x108;
	_ =	swait.ge @!p0 [sflag:s8], $0x0  }
0x24: {  	s3 =	sadd.s32 $0x88, s3;
	s6 =	simm.s32 @!p1 $0x1082;
	[sflag:s4] =	ssyncset.s32 $0xFFFFF086  }
0x25: {  	[simem:s6], [sflag:s4] =	dma.local [hbm:s3], $0xF7A  }
0x26: {  	[smem:$0x3F95] =	sst s1;
	(tag) =	ssettag s2;
	_ =	strace s9  }
0x27: {  	s1 =	sld [smem:$0x3FA5]  }
0x28: {  	s2 =	sld [smem:$0x3FA6]  }
0x29: {  	s4 =	sld [smem:$0x3FA8]  }
0x2a: {  	p0 =	seq.s32 s5, $0x0;
	s5 =	sld [smem:$0x3FA9]  }
0x2b: {  	s6 =	sld [smem:$0x3FAA]  }
0x2c: {  	s7 =	sld [smem:$0x3FAB]  }
0x2d: {  	s3 =	simm.s32 $0x108;
	s8 =	sld [smem:$0x3FAC]  }
0x2e: {  	s3 =	simm.s32 @!p0 $0x1082;
	s9 =	sld [smem:$0x3FAD]  }
0x2f: {  	lr =	sadd.s32 s0, s3;
	s0 =	sld [smem:$0x3FA4]  }
0x30: {  	s3 =	sld [smem:$0x3FA7]  }
0x31: {  	[smem:$0x3FB0] =	sst s10  }
0x32: {  	s10 =	sld [smem:$0x3FAE];
	_ =	sdelay $0x3  }
0x33: {  	p0 =	seq.s32 s10, $0x1;
	s10 =	sld [smem:$0x3FB0];
	_ =	sdelay $0x3  }
0x34: {  	[smem:$0x3FB0] =	sst s10  }
0x35: {  	s10 =	sld [smem:$0x3FAF];
	_ =	sdelay $0x3  }
0x36: {  	p1 =	seq.s32 s10, $0x1;
	s10 =	sld [smem:$0x3FB0];
	_ =	sdelay $0x3  }
0x37: {  	[smem:$0x3FB0] =	sst s10  }
0x38: {  	s10 =	sld [smem:$0x3FB1]  }
0x39: {  	_ = 	snop;
	(pc) =	sbr.ind lr, $3  }
0x3a: {  	_ = 	snop  }
0x3b: {  	_ = 	snop  }
0x3c: {  	p2 =	seq.s32 s10, $0x1;
	s10 =	sld [smem:$0x3FB0]  }
0x3d: {  	_ =	shalt  }
0x3e: {  	_ =	shalt  }
0x3f: {  	_ =	shalt  }
0x40: {  	_ =	shalt  }
0x41: {  	_ =	shalt  }
0x42: {  	_ =	shalt  }
0x43: {  	_ =	shalt  }
0x44: {  	_ =	shalt  }
0x45: {  	_ =	shalt  }
0x46: {  	_ =	shalt  }
0x47: {  	_ =	shalt  }
0x48: {  	_ =	shalt  }
0x49: {  	_ =	shalt  }
0x4a: {  	_ =	shalt  }
0x4b: {  	_ =	shalt  }
0x4c: {  	_ =	shalt  }
0x4d: {  	_ =	shalt  }
0x4e: {  	_ =	shalt  }
0x4f: {  	_ =	shalt  }
0x50: {  	_ =	shalt  }
0x51: {  	_ =	shalt  }
0x52: {  	_ =	shalt  }
0x53: {  	_ =	shalt  }
0x54: {  	_ =	shalt  }
0x55: {  	_ =	shalt  }
0x56: {  	_ =	shalt  }
0x57: {  	_ =	shalt  }
0x58: {  	_ =	shalt  }
0x59: {  	_ =	shalt  }
0x5a: {  	_ =	shalt  }
0x5b: {  	_ =	shalt  }
0x5c: {  	_ =	shalt  }
0x5d: {  	_ =	shalt  }
0x5e: {  	_ =	shalt  }
0x5f: {  	_ =	shalt  }
0x60: {  	_ =	shalt  }
0x61: {  	_ =	shalt  }
0x62: {  	_ =	shalt  }
0x63: {  	_ =	shalt  }
0x64: {  	_ =	shalt  }
0x65: {  	_ =	shalt  }
0x66: {  	_ =	shalt  }
0x67: {  	_ =	shalt  }
0x68: {  	_ =	shalt  }
0x69: {  	_ =	shalt  }
0x6a: {  	_ =	shalt  }
0x6b: {  	_ =	shalt  }
0x6c: {  	_ =	shalt  }
0x6d: {  	_ =	shalt  }
0x6e: {  	_ =	shalt  }
0x6f: {  	_ =	shalt  }
0x70: {  	_ =	shalt  }
0x71: {  	_ =	shalt  }
0x72: {  	_ =	shalt  }
0x73: {  	_ =	shalt  }
0x74: {  	_ =	shalt  }
0x75: {  	_ =	shalt  }
0x76: {  	_ =	shalt  }
0x77: {  	_ =	shalt  }
0x78: {  	_ =	shalt  }
0x79: {  	_ =	shalt  }
0x7a: {  	_ =	shalt  }
0x7b: {  	_ =	shalt  }
0x7c: {  	_ =	shalt  }
0x7d: {  	_ =	shalt  }
0x7e: {  	_ =	shalt  }
0x7f: {  	_ =	shalt  }
0x80: {  	_ =	shalt  }
0x81: {  	_ =	shalt  }
0x82: {  	_ =	shalt  }
0x83: {  	_ =	shalt  }
0x84: {  	_ =	shalt  }
0x85: {  	_ =	shalt  }
0x86: {  	_ =	shalt  }
0x87: {  	_ =	shalt  }
.Lfunc_end0:
.L_simem_size_0:
called_computation.1_lowered:
.L_overlay_start_0:
0x88: {  	s2 =	sld [smem:$0x3FD9]  }
0x89: {  	s3 =	sld [smem:$0x3FFE];
	_ =	sdelay $0x1  }
0x8a: {  	s1 =	srdreg.scid  }
0x8b: {  	s0 =	sand.u32 $0x1, s1  }
0x8c: {  	s16 =	sshll.u32 s0, $0xA;
	s2 =	sadd.s32 s3, s2  }
0x8d: {  	s2 =	sadd.s32 s2, s16  }
0x8e: {  	[smem:$0x3FBC] =	sst s2  }
0x8f: {  	_ = 	snop  }
0x90: {  	(tm) =	ssettm $0x1  }
0x91: {  	s17 =	sld [smem:$0x3FFB];
	_ =	sdelay $0x3  }
0x92: {  	_ =	strace s17  }
0x93: {  	s2 =	sld [smem:$0x3FFC];
	_ =	sdelay $0x3  }
0x94: {  	_ =	strace s2  }
0x95: {  	s2 =	sld [smem:$0x3FFD];
	_ =	sdelay $0x3  }
0x96: {  	_ =	strace s2  }
0x97: {  	_ =	strace $0x8FFFFFFF  }
0x98: {  	s18 =	sld [smem:$0x3FDB];
	_ =	sdelay $0x1  }
0x99: {  	s19 =	simm.s32 $_scs_section_size  }
0x9a: {  	s4 =	simm.s32 $_size__tile_overlayer_lowered;
	s5 =	simm.s32 $_tile_overlayer_lowered  }
0x9b: {  	s22 =	simm.s32 $0x1BFF;
	s21 =	sshll.u32 s5, $0x1;
	s2 =	sadd.s32 s19, s18  }
0x9c: {  	s6 =	simm.s32 $0x0;
	s20 =	sshll.u32 s4, $0x1;
	s4 =	sadd.s32 s21, s2  }
0x9d: {  	[timem:s6], [sflag:s22] =	dma.local [hbm:s4], s20  }
0x9e: {  	_ =	swait.ge [sflag:s22], s20  }
0x9f: {  	s3 =	ssub.s32 $0x0, s20;
	[sflag:s22] =	ssyncset.done $0x0  }
0xa0: {  	[sflag:s22] =	ssyncadd.s32 s3;
	_ =	sdelay $0x1  }
0xa1: {  	s23 =	simm.s32 $0x1B8B  }
0xa2: {  	_ =	swait.ge [sflag:s23], $0x1  }
0xa3: {  	[sflag:s23] =	ssyncset.done $0x0  }
0xa4: {  	s25 =	simm.s32 $0x1B8E;
	s24 =	sld [smem:$0x3FFE];
	[sflag:s23] =	ssyncadd.s32 $0xFFFFFFFF  }
0xa5: {  	s26 =	simm.s32 $execute0_lowered;
	[smem:$0x3FD2] =	sst s25  }
0xa6: {  	s4 =	sshll.u32 s26, $0x1;
	_ =	strace $0x80000049;
	[dreg:$0x1] =	wrdreg $0xFFFFFFFF  }
0xa7: {  	s28 =	simm.s32 $_size_execute0_lowered;
	s2 =	sadd.s32 s2, s4;
	[dreg:$0x0] =	wrdreg $0x0  }
0xa8: {  	s4 =	sshll.u32 s28, $0x1;
	[dreg:$0x2] =	wrdreg s2  }
0xa9: {  	[dreg:$0x3] =	wrdreg s4  }
0xaa: {  	[dreg:$0x4] =	wrdreg $0xC0  }
0xab: {  	_ =	task [dreg:s6], $0x5FFFF  }
0xac: {  	[dreg:$0x1] =	wrdreg $0xFFFFFFFF  }
0xad: {  	[dreg:$0x0] =	wrdreg $0x60  }
0xae: {  	[dreg:$0x2] =	wrdreg s24  }
0xaf: {  	[dreg:$0x3] =	wrdreg $0x0  }
0xb0: {  	[dreg:$0x4] =	wrdreg $0x9  }
0xb1: {  	_ =	task.clear_ibuf [dreg:s6], $0x5FFFF;
	_ =	strace $0x90000049  }
0xb2: {  	s29 =	simm.s32 $0x9;
	_ =	strace $0x8000004B  }
0xb3: {  	_ =	swait.ge [sflag:s29], $0x1  }
0xb4: {  	[sflag:s29] =	ssyncadd.s32 $0xFFFFFFFF  }
0xb5: {  	_ =	strace $0x9000004B  }
0xb6: {  	_ =	sfence  }
0xb7: {  	s30 =	sld [smem:$0x0];
	_ =	sdelay $0x2  }
0xb8: {  	s31 =	sshll.u32 s1, $0xD;
	s1 =	sshrl.u32 s1, $0x2  }
0xb9: {  	s3 =	sand.u32 $0x4000, s31;
	s1 =	sadd.s32 s1, s30  }
0xba: {  	s0 =	sor.u32 s3, s0;
	s1 =	sshll.u32 s1, $0x11  }
0xbb: {  	s0 =	sor.u32 s1, s0  }
0xbc: {  	s0 =	sadd.s32 $0x8F2B, s0  }
0xbd: {  	[sflag:s0] =	ssyncadd.remote.s32 $0x1  }
0xbe: {  	_ =	sfence.sel $0xFFFF  }
0xbf: {  	[dreg:$0x0] =	wrdreg $0xFFFFFFFF;
	(pc) =	sbr.abs _section_cstart, $3  }
0xc0: {  	[dreg:$0x1] =	wrdreg $0xFFFFFFFF  }
0xc1: {  	_ =	task.clear_ibuf [dreg:s6], $0x2FFFF;
	_ =	strace $0x9FFFFFFF  }
0xc2: {  	(tm) =	ssettm $0x7FFFFFFF  }
0xc3: {  	_ =	shalt  }
tec
execute0_lowered:
.L_overlay_start_1:
0x0: {  	(tag) =	ssettag $0x1  }
0x1: {  	s0 =	srdreg.scid;
	s1 =	rddreg [dreg:$0x0]  }
0x2: {  	s8 =	simm.s32 $0x48;
	s15 =	stileid.u32;
	s2 =	rddreg [dreg:$0x1]  }
0x3: {  	s3 =	simm.s32 $0x0;
	s17 =	simm.s32 $0x13900;
	s18 =	simm.s32 $0x13A00  }
0x4: {  	s19 =	simm.s32 $0x80;
	s20 =	simm.s32 $0x13B00;
	s21 =	simm.s32 $0x13980  }
0x5: {  	s22 =	simm.s32 $0x17B00;
	s28 =	simm.s32 $0x4;
	s29 =	simm.s32 $0x0  }
0x6: {  	s0 =	sand.u32 $0x1, s0;
	[smem:$0x7FF] =	sst s3;
	s7 =	smul.u32 $0x13800, s15  }
0x7: {  	s10 =	sadd.s32 $0xAE200, s1;
	s26 =	smul.u32 $0x2700, s15;
	s30 =	sshll.u32 s15, $0x6  }
0x8: {  	s16 =	sadd.s32 $0x138000, s2;
	p0 =	seq.s32 s0, $0x0;
	s5 =	smul.u32 $0x24000, s0  }
0x9: {  	_ =	strace $0x8000004A;
	s9 =	ssub.s32 $0x2, s0;
	s14 =	smul.u32 $0x138800, s0  }
0xa: {  	s0 =	smul.u32 $0x27100, s0;
	s8 =	simm.s32 @!p0 $0x8;
	s23 =	sshrl.u32 s7, $0x3  }
0xb: {  	s25 =	sshrl.u32 s9, $0x1;
	s13 =	sadd.s32 s7, s2;
	s7 =	sadd.s32 $0xAE000, s1  }
0xc: {  	p0 =	sne.s32 s15, $0xF;
	s4 =	smul.u32 s8, s15;
	s24 =	sadd.s32 s23, s1  }
0xd: {  	s11 =	ssub.s32 s9, s25;
	s31 =	sshrl.u32 s14, $0x3;
	s8 =	sshrl.u32 s8, $0x1  }
0xe: {  	s0 =	sadd.s32 s26, s0;
	s14 =	sshrl.u32 s13, $0x3;
	s15 =	simm.s32 $0x5  }
0xf: {  	s16 =	sshrl.u32 @!p0 s16, $0x3;
	s23 =	simm.s32 $0x1;
	s6 =	sshll.u32 s4, $0x7  }
0x10: {  	s25 =	simm.s32 $0x13A80;
	s26 =	simm.s32 $0x3;
	s5 =	sadd.s32 s5, s6  }
0x11: {  	s9 =	sadd.s32 s10, s0;
	s11 =	smax.u32 s11, $0x1;
	s5 =	sshrl.u32 s5, $0x3  }
0x12: {  	s4 =	sadd.s32 $0x5FE00, s1;
	s6 =	sor.u32 $0x1C05, s30;
	s12 =	sadd.s32 s5, s1  }
0x13: {  	s5 =	sadd.s32 $0x87000, s24;
	s1 =	sadd.s32 s10, s31;
	s24 =	simm.s32 $0x2  }
0x14: {  	s10 =	sadd.s32 $0x27000, s1;
	s1 =	sadd.s32 $0xCC00, s12;
	s0 =	sadd.s32 $0x2A00, s12  }
.LBB2_1:
0x15: {  	[spmem:s14], [sflag:s6] =	dma.local [hbm:s5], $0x2700  }
0x16: {  	_ =	swait.ge [sflag:s15], $0x2700  }
0x17: {  	[sflag:s15] =	ssyncset.done $0x0  }
0x18: {  	s30 =	simm.s32 @!p0 $0x5;
	[sflag:s15] =	ssyncadd.s32 $0xFFFFD900  }
0x19: {  	[spmem:s16], [sflag:s6] =	dma.local @!p0 [hbm:s7], $0x100  }
0x1a: {  	_ =	swait.ge @!p0 [sflag:s30], $0x100  }
0x1b: {  	[sflag:s30] =	ssyncset.done @!p0 $0x0  }
0x1c: {  	[sflag:s30] =	ssyncadd.s32 @!p0 $0xFFFFFF00  }
0x1d: {  	[bflag:$0x0] =	sbarrier.arrive $0xFFFF  }
0x1e: {  	[tilespmem:s17], [sflag:$0x5] =	stream.linear.gather [hbm4b:s0+s3], $0x100, $0x38;
	[tilespmem:$0x1BB00] =	vst v63  }
0x1f: {  	_ =	swait.ge [sflag:s15], $0x100  }
0x20: {  	[sflag:s15] =	ssyncset.done $0x0  }
0x21: {  	[sflag:s15] =	ssyncadd.s32 $0xFFFFFF00  }
0x22: {  	[tilespmem:s18], [sflag:$0x5] =	stream.linear.gather [hbm4b:s1+s3], $0x100, $0x38;
	[tilespmem:$0x1BB00] =	vst v63  }
0x23: {  	_ =	swait.ge [sflag:s15], $0x100  }
0x24: {  	[sflag:s15] =	ssyncset.done $0x0  }
0x25: {  	[sflag:s15] =	ssyncadd.s32 $0xFFFFFF00  }
0x26: {  	[tilespmem:s20], [sflag:$0x1] =	stream.indirect.gather [hbm4b:s4+s19], $0x80, s17, s19, $0xb8;
	[tilespmem:$0x1BB00] =	vst v63  }
0x27: {  	_ = 	snop  }
0x28: {  	[tilespmem:s22], [sflag:$0x2] =	stream.indirect.gather [hbm4b:s4+s19], $0x80, s21, s19, $0xb8;
	[tilespmem:$0x1BB00] =	vst v63  }
0x29: {  	_ =	swait.ge [sflag:s23], $0x4000  }
0x2a: {  	[sflag:s23] =	ssyncset.done $0x0  }
0x2b: {  	[sflag:s23] =	ssyncadd.s32 $0xFFFFC000  }
0x2c: {  	[spmem:s2] =	stream.indirect.scatter.add.f32 [tilespmem:s20], [sflag:$0x3], $0x80, s18, s19, $0xb8;
	[tilespmem:$0x1BB00] =	vst v63  }
0x2d: {  	_ =	swait.ge [sflag:s24], $0x4000  }
0x2e: {  	[sflag:s24] =	ssyncset.done $0x0  }
0x2f: {  	p1 =	sne.s32 s8, $0x1;
	[sflag:s24] =	ssyncadd.s32 $0xFFFFC000  }
0x30: {  	[spmem:s2] =	stream.indirect.scatter.add.f32 [tilespmem:s22], [sflag:$0x4], $0x80, s25, s19, $0xb8;
	[tilespmem:$0x1BB00] =	vst v63  }
.Ltmp0:
0x31: {  	_ =	swait.ge [sflag:s26], $0x4000;
	(pc) =	sbr.rel @!p1 .LBB2_3-.Ltmp0, $4  }
0x32: {  	[sflag:s26] =	ssyncset.done $0x0  }
0x33: {  	[sflag:s26] =	ssyncadd.s32 $0xFFFFC000  }
0x34: {  	s31 =	sadd.s32 $0xFFFFFFFF, s8;
	_ =	swait.ge [sflag:s28], $0x4000  }
0x35: {  	s12 =	smov.u32 s1;
	s13 =	smov.u32 s0;
	[sflag:s28] =	ssyncset.done $0x0  }
.LBB2_2:
0x36: {  	[sflag:s28] =	ssyncadd.s32 $0xFFFFC000;
	s12 =	sadd.s32 $0x20, s12;
	s13 =	sadd.s32 $0x20, s13  }
0x37: {  	[tilespmem:s17], [sflag:$0x5] =	stream.linear.gather [hbm4b:s13+s3], $0x100, $0x38;
	[tilespmem:$0x1BB00] =	vst v63  }
0x38: {  	p1 =	sne.s32 s31, $0x1;
	s31 =	sadd.s32 $0xFFFFFFFF, s31;
	_ =	swait.ge [sflag:s15], $0x100  }
0x39: {  	[sflag:s15] =	ssyncset.done $0x0  }
0x3a: {  	[sflag:s15] =	ssyncadd.s32 $0xFFFFFF00  }
0x3b: {  	[tilespmem:s18], [sflag:$0x5] =	stream.linear.gather [hbm4b:s12+s3], $0x100, $0x38;
	[tilespmem:$0x1BB00] =	vst v63  }
0x3c: {  	_ =	swait.ge [sflag:s15], $0x100  }
0x3d: {  	[sflag:s15] =	ssyncset.done $0x0  }
0x3e: {  	[sflag:s15] =	ssyncadd.s32 $0xFFFFFF00  }
0x3f: {  	[tilespmem:s20], [sflag:$0x1] =	stream.indirect.gather [hbm4b:s4+s19], $0x80, s17, s19, $0xb8;
	[tilespmem:$0x1BB00] =	vst v63  }
0x40: {  	_ = 	snop  }
0x41: {  	[tilespmem:s22], [sflag:$0x2] =	stream.indirect.gather [hbm4b:s4+s19], $0x80, s21, s19, $0xb8;
	[tilespmem:$0x1BB00] =	vst v63  }
0x42: {  	_ =	swait.ge [sflag:s23], $0x4000  }
0x43: {  	[sflag:s23] =	ssyncset.done $0x0  }
0x44: {  	[sflag:s23] =	ssyncadd.s32 $0xFFFFC000  }
0x45: {  	[spmem:s2] =	stream.indirect.scatter.add.f32 [tilespmem:s20], [sflag:$0x3], $0x80, s18, s19, $0xb8;
	[tilespmem:$0x1BB00] =	vst v63  }
0x46: {  	_ =	swait.ge [sflag:s24], $0x4000  }
0x47: {  	[sflag:s24] =	ssyncset.done $0x0  }
0x48: {  	[sflag:s24] =	ssyncadd.s32 $0xFFFFC000  }
0x49: {  	[spmem:s2] =	stream.indirect.scatter.add.f32 [tilespmem:s22], [sflag:$0x4], $0x80, s25, s19, $0xb8;
	[tilespmem:$0x1BB00] =	vst v63  }
.Ltmp1:
0x4a: {  	_ =	swait.ge [sflag:s26], $0x4000;
	(pc) =	sbr.rel @p1 .LBB2_2-.Ltmp1, $4  }
0x4b: {  	[sflag:s26] =	ssyncset.done $0x0  }
0x4c: {  	[sflag:s26] =	ssyncadd.s32 $0xFFFFC000  }
0x4d: {  	_ =	swait.ge [sflag:s28], $0x4000  }
0x4e: {  	[sflag:s28] =	ssyncset.done $0x0  }
.LBB2_3:
0x4f: {  	[sflag:s28] =	ssyncadd.s32 $0xFFFFC000  }
0x50: {  	[bflag:$0x0] =	sbarrier.arrive $0xFFFF  }
0x51: {  	[hbm:s9], [sflag:s6] =	dma.local [spmem:s14], $0x2700  }
0x52: {  	s29 =	sadd.s32 $0x1, s29;
	_ =	swait.ge [sflag:s15], $0x2700  }
0x53: {  	p1 =	sne.s32 s29, s11;
	[sflag:s15] =	ssyncset.done $0x0  }
.Ltmp2:
0x54: {  	[sflag:s15] =	ssyncadd.s32 $0xFFFFD900;
	(pc) =	sbr.rel @p1 .LBB2_1-.Ltmp2, $4  }
0x55: {  	[hbm:s10], [sflag:s6] =	dma.local @!p0 [spmem:s16], $0x100  }
0x56: {  	_ =	swait.ge @!p0 [sflag:s30], $0x100  }
0x57: {  	[sflag:s30] =	ssyncset.done @!p0 $0x0  }
0x58: {  	[sflag:s30] =	ssyncadd.s32 @!p0 $0xFFFFFF00  }
0x59: {  	_ =	sfence.sel $0x180000  }
0x5a: {  	[bflag:$0x0] =	sbarrier.arrive $0xFFFF  }
0x5b: {  	_ =	strace $0x9000004A  }
0x5c: {  	s0 =	stileid.u32;
	[bflag:$0x2] =	sbarrier.arrive $0xFFFF  }
0x5d: {  	p0 =	sne.s32 s0, $0x0;
	s0 =	rddreg [dreg:$0x2]  }
0x5e: {  	s0 =	sadd.s32 @!p0 $0x100000, s0  }
0x5f: {  	[sflag:s0] =	ssyncadd.tile.s32 @!p0 $0x1;
	_ =	shalt  }
.Lfunc_end2:
_tile_overlayer_lowered:
.L_overlay_start_2:
0x60: {  	(tag) =	ssettag $0x2  }
0x61: {  	s0 =	rddreg [dreg:$0x0];
	s2 =	stileid.u32  }
0x62: {  	s1 =	rddreg [dreg:$0x1];
	p0 =	sne.s32 s2, $0x0  }
0x63: {  	s3 =	rddreg [dreg:$0x2];
	[bflag:$0x3] =	sbarrier.arrive $0xFFFF;
	s2 =	simm.s32 @!p0 $0x1C05  }
0x64: {  	[timem:s3], [sflag:s2] =	dma.local @!p0 [hbm:s0], s1  }
0x65: {  	s0 =	simm.s32 @!p0 $0x5  }
0x66: {  	_ =	swait.ge @!p0 [sflag:s0], s1  }
0x67: {  	s1 =	ssub.s32 @!p0 $0x0, s1;
	[sflag:s0] =	ssyncset.done @!p0 $0x0  }
0x68: {  	[sflag:s0] =	ssyncadd.s32 @!p0 s1  }
0x69: {  	[bflag:$0x3] =	sbarrier.arrive $0xFFFF  }
0x6a: {  	_ =	shalt  }

// kernel: kernel.17.cloned.1.call-start
scs
__scs_entry_jumppad:
0x0: {  	(pc) =	sbr.rel $0x88, $3  }
0x1: {  	(tag) =	ssettag $0x0;
	lr =	simm.s32 $0x1  }
0x2: {  	[smem:$0x3F95] =	sst lr;
	_ =	strace $0xD0000000  }
0x3: {  	_ = 	snop  }
0x4: {  	_ = 	snop  }
0x5: {  	_ = 	snop  }
0x6: {  	_ = 	snop  }
0x7: {  	_ = 	snop  }
__scs_overlays_trampoline_lowered:
0x8: {  	[smem:$0x3FA4] =	sst s0  }
0x9: {  	[smem:$0x3FA5] =	sst s1  }
0xa: {  	[smem:$0x3FA6] =	sst s2  }
0xb: {  	[smem:$0x3FA7] =	sst s3  }
0xc: {  	[smem:$0x3FA8] =	sst s4  }
0xd: {  	[smem:$0x3FA9] =	sst s5  }
0xe: {  	[smem:$0x3FAA] =	sst s6  }
0xf: {  	[smem:$0x3FAB] =	sst s7  }
0x10: {  	[smem:$0x3FAC] =	sst s8  }
0x11: {  	[smem:$0x3FAD] =	sst s9;
	s0 =	simm.s32 @!p0 $0x0  }
0x12: {  	s1 =	sld [smem:$0x3F93];
	s0 =	simm.s32 @p0 $0x1  }
0x13: {  	[smem:$0x3FAE] =	sst s0;
	s0 =	simm.s32 @!p1 $0x0  }
0x14: {  	s2 =	sld [smem:$0x3F92];
	s0 =	simm.s32 @p1 $0x1  }
0x15: {  	[smem:$0x3FAF] =	sst s0;
	s0 =	simm.s32 @!p2 $0x0  }
0x16: {  	s3 =	sld [smem:$0x3FDB];
	s0 =	simm.s32 @p2 $0x1  }
0x17: {  	s4 =	simm.s32 $0x1BF5;
	[smem:$0x3FB1] =	sst s0  }
0x18: {  	s0 =	sld [smem:$0x3F94];
	_ =	swait.ge [sflag:s4], $0x0  }
0x19: {  	s7 =	sld [smem:$0x3F95]  }
0x1a: {  	s8 =	sadd.s32 $0xFFFFE003, lr  }
0x1b: {  	s9 =	sadd.s32 $0xFFFFFEF7, lr;
	s5 =	simm.s32 $0xFFFFFFFF;
	p2 =	slt.u32 s8, $0xFFFFF086  }
0x1c: {  	p1 =	slt.u32 s9, $0xF7A;
	s5 =	simm.s32 @!p2 $0x0  }
0x1d: {  	s5 =	simm.s32 @p1 $0x1;
	p0 =	seq.s32 s7, s2  }
0x1e: {  	s7 =	smul.u32 @!p0 $0xF7A, s2;
	p2 =	seq.s32 @!p0 s5, $0x0  }
0x1f: {  	s9 =	smul.u32 $0xF7A, s1;
	s8 =	simm.s32 @!p0 $0x1BF5;
	p2 =	por !p2, p0  }
0x20: {  	[sflag:s8] =	ssyncset.s32 @!p0 $0xFFFFF086;
	s6 =	sadd.s32 @!p0 s3, s7;
	s7 =	simm.s32 @!p0 $0x108  }
0x21: {  	s3 =	sadd.s32 s3, s9;
	s6 =	sadd.s32 @!p0 $0x88, s6;
	s7 =	simm.s32 @p2 $0x1082  }
0x22: {  	[simem:s7], [sflag:s8] =	dma.local @!p0 [hbm:s6], $0xF7A  }
0x23: {  	s9 =	sor.u32 $0xD0000000, s2;
	s6 =	simm.s32 $0x108;
	_ =	swait.ge @!p0 [sflag:s8], $0x0  }
0x24: {  	s3 =	sadd.s32 $0x88, s3;
	s6 =	simm.s32 @!p1 $0x1082;
	[sflag:s4] =	ssyncset.s32 $0xFFFFF086  }
0x25: {  	[simem:s6], [sflag:s4] =	dma.local [hbm:s3], $0xF7A  }
0x26: {  	[smem:$0x3F95] =	sst s1;
	(tag) =	ssettag s2;
	_ =	strace s9  }
0x27: {  	s1 =	sld [smem:$0x3FA5]  }
0x28: {  	s2 =	sld [smem:$0x3FA6]  }
0x29: {  	s4 =	sld [smem:$0x3FA8]  }
0x2a: {  	p0 =	seq.s32 s5, $0x0;
	s5 =	sld [smem:$0x3FA9]  }
0x2b: {  	s6 =	sld [smem:$0x3FAA]  }
0x2c: {  	s7 =	sld [smem:$0x3FAB]  }
0x2d: {  	s3 =	simm.s32 $0x108;
	s8 =	sld [smem:$0x3FAC]  }
0x2e: {  	s3 =	simm.s32 @!p0 $0x1082;
	s9 =	sld [smem:$0x3FAD]  }
0x2f: {  	lr =	sadd.s32 s0, s3;
	s0 =	sld [smem:$0x3FA4]  }
0x30: {  	s3 =	sld [smem:$0x3FA7]  }
0x31: {  	[smem:$0x3FB0] =	sst s10  }
0x32: {  	s10 =	sld [smem:$0x3FAE];
	_ =	sdelay $0x3  }
0x33: {  	p0 =	seq.s32 s10, $0x1;
	s10 =	sld [smem:$0x3FB0];
	_ =	sdelay $0x3  }
0x34: {  	[smem:$0x3FB0] =	sst s10  }
0x35: {  	s10 =	sld [smem:$0x3FAF];
	_ =	sdelay $0x3  }
0x36: {  	p1 =	seq.s32 s10, $0x1;
	s10 =	sld [smem:$0x3FB0];
	_ =	sdelay $0x3  }
0x37: {  	[smem:$0x3FB0] =	sst s10  }
0x38: {  	s10 =	sld [smem:$0x3FB1]  }
0x39: {  	_ = 	snop;
	(pc) =	sbr.ind lr, $3  }
0x3a: {  	_ = 	snop  }
0x3b: {  	_ = 	snop  }
0x3c: {  	p2 =	seq.s32 s10, $0x1;
	s10 =	sld [smem:$0x3FB0]  }
0x3d: {  	_ =	shalt  }
0x3e: {  	_ =	shalt  }
0x3f: {  	_ =	shalt  }
0x40: {  	_ =	shalt  }
0x41: {  	_ =	shalt  }
0x42: {  	_ =	shalt  }
0x43: {  	_ =	shalt  }
0x44: {  	_ =	shalt  }
0x45: {  	_ =	shalt  }
0x46: {  	_ =	shalt  }
0x47: {  	_ =	shalt  }
0x48: {  	_ =	shalt  }
0x49: {  	_ =	shalt  }
0x4a: {  	_ =	shalt  }
0x4b: {  	_ =	shalt  }
0x4c: {  	_ =	shalt  }
0x4d: {  	_ =	shalt  }
0x4e: {  	_ =	shalt  }
0x4f: {  	_ =	shalt  }
0x50: {  	_ =	shalt  }
0x51: {  	_ =	shalt  }
0x52: {  	_ =	shalt  }
0x53: {  	_ =	shalt  }
0x54: {  	_ =	shalt  }
0x55: {  	_ =	shalt  }
0x56: {  	_ =	shalt  }
0x57: {  	_ =	shalt  }
0x58: {  	_ =	shalt  }
0x59: {  	_ =	shalt  }
0x5a: {  	_ =	shalt  }
0x5b: {  	_ =	shalt  }
0x5c: {  	_ =	shalt  }
0x5d: {  	_ =	shalt  }
0x5e: {  	_ =	shalt  }
0x5f: {  	_ =	shalt  }
0x60: {  	_ =	shalt  }
0x61: {  	_ =	shalt  }
0x62: {  	_ =	shalt  }
0x63: {  	_ =	shalt  }
0x64: {  	_ =	shalt  }
0x65: {  	_ =	shalt  }
0x66: {  	_ =	shalt  }
0x67: {  	_ =	shalt  }
0x68: {  	_ =	shalt  }
0x69: {  	_ =	shalt  }
0x6a: {  	_ =	shalt  }
0x6b: {  	_ =	shalt  }
0x6c: {  	_ =	shalt  }
0x6d: {  	_ =	shalt  }
0x6e: {  	_ =	shalt  }
0x6f: {  	_ =	shalt  }
0x70: {  	_ =	shalt  }
0x71: {  	_ =	shalt  }
0x72: {  	_ =	shalt  }
0x73: {  	_ =	shalt  }
0x74: {  	_ =	shalt  }
0x75: {  	_ =	shalt  }
0x76: {  	_ =	shalt  }
0x77: {  	_ =	shalt  }
0x78: {  	_ =	shalt  }
0x79: {  	_ =	shalt  }
0x7a: {  	_ =	shalt  }
0x7b: {  	_ =	shalt  }
0x7c: {  	_ =	shalt  }
0x7d: {  	_ =	shalt  }
0x7e: {  	_ =	shalt  }
0x7f: {  	_ =	shalt  }
0x80: {  	_ =	shalt  }
0x81: {  	_ =	shalt  }
0x82: {  	_ =	shalt  }
0x83: {  	_ =	shalt  }
0x84: {  	_ =	shalt  }
0x85: {  	_ =	shalt  }
0x86: {  	_ =	shalt  }
0x87: {  	_ =	shalt  }
.Lfunc_end0:
.L_simem_size_0:
called_computation.2_lowered:
.L_overlay_start_0:
0x88: {  	s2 =	sld [smem:$0x3FD9]  }
0x89: {  	s3 =	sld [smem:$0x3FFE];
	_ =	sdelay $0x1  }
0x8a: {  	s1 =	srdreg.scid  }
0x8b: {  	s0 =	sand.u32 $0x1, s1  }
0x8c: {  	s16 =	sshll.u32 s0, $0xA;
	s2 =	sadd.s32 s3, s2  }
0x8d: {  	s2 =	sadd.s32 s2, s16  }
0x8e: {  	[smem:$0x3FBC] =	sst s2  }
0x8f: {  	_ = 	snop  }
0x90: {  	(tm) =	ssettm $0x1  }
0x91: {  	s17 =	sld [smem:$0x3FFB];
	_ =	sdelay $0x3  }
0x92: {  	_ =	strace s17  }
0x93: {  	s2 =	sld [smem:$0x3FFC];
	_ =	sdelay $0x3  }
0x94: {  	_ =	strace s2  }
0x95: {  	s2 =	sld [smem:$0x3FFD];
	_ =	sdelay $0x3  }
0x96: {  	_ =	strace s2  }
0x97: {  	_ =	strace $0x8FFFFFFF  }
0x98: {  	s18 =	sld [smem:$0x3FDB];
	_ =	sdelay $0x1  }
0x99: {  	s19 =	simm.s32 $_scs_section_size  }
0x9a: {  	s4 =	simm.s32 $_size__tile_overlayer_lowered;
	s5 =	simm.s32 $_tile_overlayer_lowered  }
0x9b: {  	s22 =	simm.s32 $0x1BFF;
	s21 =	sshll.u32 s5, $0x1;
	s2 =	sadd.s32 s19, s18  }
0x9c: {  	s6 =	simm.s32 $0x0;
	s20 =	sshll.u32 s4, $0x1;
	s4 =	sadd.s32 s21, s2  }
0x9d: {  	[timem:s6], [sflag:s22] =	dma.local [hbm:s4], s20  }
0x9e: {  	_ =	swait.ge [sflag:s22], s20  }
0x9f: {  	s3 =	ssub.s32 $0x0, s20;
	[sflag:s22] =	ssyncset.done $0x0  }
0xa0: {  	[sflag:s22] =	ssyncadd.s32 s3;
	_ =	sdelay $0x1  }
0xa1: {  	s23 =	simm.s32 $0x1B8B  }
0xa2: {  	_ =	swait.ge [sflag:s23], $0x1  }
0xa3: {  	[sflag:s23] =	ssyncset.done $0x0  }
0xa4: {  	s25 =	simm.s32 $0x1B8E;
	s24 =	sld [smem:$0x3FFE];
	[sflag:s23] =	ssyncadd.s32 $0xFFFFFFFF  }
0xa5: {  	s26 =	simm.s32 $execute0_lowered;
	[smem:$0x3FD2] =	sst s25  }
0xa6: {  	s4 =	sshll.u32 s26, $0x1;
	_ =	strace $0x8000004C;
	[dreg:$0x1] =	wrdreg $0xFFFFFFFF  }
0xa7: {  	s28 =	simm.s32 $_size_execute0_lowered;
	s2 =	sadd.s32 s2, s4;
	[dreg:$0x0] =	wrdreg $0x0  }
0xa8: {  	s4 =	sshll.u32 s28, $0x1;
	[dreg:$0x2] =	wrdreg s2  }
0xa9: {  	[dreg:$0x3] =	wrdreg s4  }
0xaa: {  	[dreg:$0x4] =	wrdreg $0xC0  }
0xab: {  	_ =	task [dreg:s6], $0x5FFFF  }
0xac: {  	[dreg:$0x1] =	wrdreg $0xFFFFFFFF  }
0xad: {  	[dreg:$0x0] =	wrdreg $0x60  }
0xae: {  	[dreg:$0x2] =	wrdreg s24  }
0xaf: {  	[dreg:$0x3] =	wrdreg $0x0  }
0xb0: {  	[dreg:$0x4] =	wrdreg $0x9  }
0xb1: {  	_ =	task.clear_ibuf [dreg:s6], $0x5FFFF;
	_ =	strace $0x9000004C  }
0xb2: {  	s29 =	simm.s32 $0x9;
	_ =	strace $0x8000004E  }
0xb3: {  	_ =	swait.ge [sflag:s29], $0x1  }
0xb4: {  	[sflag:s29] =	ssyncadd.s32 $0xFFFFFFFF  }
0xb5: {  	_ =	strace $0x9000004E  }
0xb6: {  	_ =	sfence  }
0xb7: {  	s30 =	sld [smem:$0x0];
	_ =	sdelay $0x2  }
0xb8: {  	s31 =	sshll.u32 s1, $0xD;
	s1 =	sshrl.u32 s1, $0x2  }
0xb9: {  	s3 =	sand.u32 $0x4000, s31;
	s1 =	sadd.s32 s1, s30  }
0xba: {  	s0 =	sor.u32 s3, s0;
	s1 =	sshll.u32 s1, $0x11  }
0xbb: {  	s0 =	sor.u32 s1, s0  }
0xbc: {  	s0 =	sadd.s32 $0x8F2B, s0  }
0xbd: {  	[sflag:s0] =	ssyncadd.remote.s32 $0x1  }
0xbe: {  	_ =	sfence.sel $0xFFFF  }
0xbf: {  	[dreg:$0x0] =	wrdreg $0xFFFFFFFF;
	(pc) =	sbr.abs _section_cstart, $3  }
0xc0: {  	[dreg:$0x1] =	wrdreg $0xFFFFFFFF  }
0xc1: {  	_ =	task.clear_ibuf [dreg:s6], $0x2FFFF;
	_ =	strace $0x9FFFFFFF  }
0xc2: {  	(tm) =	ssettm $0x7FFFFFFF  }
0xc3: {  	_ =	shalt  }
tec
execute0_lowered:
.L_overlay_start_1:
0x0: {  	(tag) =	ssettag $0x1  }
0x1: {  	s0 =	srdreg.scid;
	s1 =	rddreg [dreg:$0x0]  }
0x2: {  	s5 =	simm.s32 $0x48;
	s14 =	stileid.u32;
	s2 =	rddreg [dreg:$0x1]  }
0x3: {  	s3 =	simm.s32 $0x0;
	s15 =	simm.s32 $0x9;
	s26 =	simm.s32 $0x9D00  }
0x4: {  	s28 =	simm.s32 $0x2;
	s29 =	simm.s32 $0x9F00;
	s30 =	simm.s32 $0x3  }
0x5: {  	s31 =	simm.s32 $0x9F80;
	s0 =	sand.u32 $0x1, s0;
	s7 =	smul.u32 $0x9C00, s14  }
0x6: {  	[smem:$0x7FF] =	sst s3;
	s10 =	sadd.s32 $0x87200, s1;
	s12 =	smul.u32 $0x1380, s14  }
0x7: {  	s20 =	sshll.u32 s14, $0x6;
	s13 =	sadd.s32 $0x9C000, s2;
	s6 =	smul.u32 $0x24000, s0  }
0x8: {  	p0 =	seq.s32 s0, $0x0;
	_ =	strace $0x8000004D;
	s19 =	smul.u32 $0x9C400, s0  }
0x9: {  	s18 =	ssub.s32 $0x2, s0;
	s0 =	smul.u32 $0x13880, s0;
	[dreg:$0x3] =	wrdreg s26  }
0xa: {  	s26 =	simm.s32 $0x1;
	s5 =	simm.s32 @!p0 $0x8;
	s8 =	sshrl.u32 s7, $0x3  }
0xb: {  	s11 =	sshrl.u32 s18, $0x1;
	s7 =	sadd.s32 s7, s2;
	p0 =	sne.s32 s14, $0xF  }
0xc: {  	s4 =	smul.u32 s5, s14;
	s17 =	sadd.s32 s8, s1;
	s8 =	ssub.s32 s18, s11  }
0xd: {  	s11 =	sshrl.u32 s19, $0x3;
	s0 =	sadd.s32 s12, s0;
	s5 =	sshrl.u32 s5, $0x2  }
0xe: {  	s14 =	sshrl.u32 s7, $0x3;
	s13 =	sshrl.u32 @!p0 s13, $0x3;
	s18 =	simm.s32 $0x9E80  }
0xf: {  	s19 =	simm.s32 $0x80;
	s7 =	simm.s32 $0x6;
	[dreg:$0x6] =	wrdreg s5  }
0x10: {  	s21 =	sadd.s32 s10, s11;
	s0 =	sadd.s32 s10, s0;
	[dreg:$0xc] =	wrdreg s14  }
0x11: {  	s23 =	smax.u32 s8, $0x1;
	s5 =	simm.s32 $0x5;
	[dreg:$0xd] =	wrdreg s13  }
0x12: {  	s10 =	simm.s32 $0x8;
	s11 =	simm.s32 $0x0;
	[dreg:$0x7] =	wrdreg s0  }
0x13: {  	s4 =	sshll.u32 s4, $0x7;
	s22 =	sadd.s32 $0x13800, s21;
	[dreg:$0x9] =	wrdreg s23  }
0x14: {  	s21 =	simm.s32 $0xC080;
	s23 =	simm.s32 $0xE080;
	s6 =	sadd.s32 s6, s4  }
0x15: {  	s0 =	simm.s32 $0xA000;
	s4 =	sadd.s32 $0x5FE00, s1;
	s6 =	sshrl.u32 s6, $0x3  }
0x16: {  	[dreg:$0x8] =	wrdreg s22;
	s9 =	sadd.s32 s6, s1;
	s6 =	sadd.s32 $0x73800, s17  }
0x17: {  	s22 =	simm.s32 $0x9D80;
	s1 =	sadd.s32 $0x87000, s1;
	[dreg:$0x4] =	wrdreg s6  }
0x18: {  	s17 =	simm.s32 $0x9C80;
	s6 =	sor.u32 $0x1C09, s20;
	[dreg:$0x5] =	wrdreg s1  }
0x19: {  	s24 =	sadd.s32 $0xCC00, s9;
	s25 =	sadd.s32 $0x2A00, s9;
	s20 =	simm.s32 $0xA080  }
0x1a: {  	s1 =	simm.s32 $0x4;
	s9 =	simm.s32 $0x7;
	[dreg:$0xa] =	wrdreg s24  }
0x1b: {  	[dreg:$0xb] =	wrdreg s25;
	s24 =	simm.s32 $0x9E00;
	s25 =	simm.s32 $0x10080  }
.LBB2_1:
0x1c: {  	s8 =	rddreg [dreg:$0x4]  }
0x1d: {  	[spmem:s14], [sflag:s6] =	dma.local [hbm:s8], $0x1380  }
0x1e: {  	_ =	swait.ge [sflag:s15], $0x1380  }
0x1f: {  	[sflag:s15] =	ssyncset.done $0x0  }
0x20: {  	s8 =	rddreg [dreg:$0x5];
	[sflag:s15] =	ssyncadd.s32 $0xFFFFEC80  }
0x21: {  	[spmem:s13], [sflag:s6] =	dma.local @!p0 [hbm:s8], $0x80  }
0x22: {  	s8 =	simm.s32 @!p0 $0x9  }
0x23: {  	_ =	swait.ge @!p0 [sflag:s8], $0x80  }
0x24: {  	[sflag:s8] =	ssyncset.done @!p0 $0x0  }
0x25: {  	[sflag:s8] =	ssyncadd.s32 @!p0 $0xFFFFFF80  }
0x26: {  	[bflag:$0x0] =	sbarrier.arrive $0xFFFF  }
0x27: {  	s13 =	rddreg [dreg:$0xb]  }
0x28: {  	[tilespmem:s17], [sflag:$0x9] =	stream.linear.gather [hbm4b:s13+s3], $0x200, $0x38;
	[tilespmem:$0x12080] =	vst v63  }
0x29: {  	_ =	swait.ge [sflag:s15], $0x200  }
0x2a: {  	[sflag:s15] =	ssyncset.done $0x0  }
0x2b: {  	s14 =	rddreg [dreg:$0xa];
	[sflag:s15] =	ssyncadd.s32 $0xFFFFFE00  }
0x2c: {  	[tilespmem:s18], [sflag:$0x9] =	stream.linear.gather [hbm4b:s14+s3], $0x200, $0x38;
	[tilespmem:$0x12080] =	vst v63  }
0x2d: {  	_ =	swait.ge [sflag:s15], $0x200  }
0x2e: {  	[sflag:s15] =	ssyncset.done $0x0  }
0x2f: {  	[sflag:s15] =	ssyncadd.s32 $0xFFFFFE00  }
0x30: {  	[tilespmem:s20], [sflag:$0x1] =	stream.indirect.gather [hbm4b:s4+s19], $0x40, s17, s19, $0xb8;
	[tilespmem:$0x12080] =	vst v63  }
0x31: {  	s12 =	rddreg [dreg:$0x3]  }
0x32: {  	[tilespmem:s21], [sflag:$0x2] =	stream.indirect.gather [hbm4b:s4+s19], $0x40, s12, s19, $0xb8;
	[tilespmem:$0x12080] =	vst v63  }
0x33: {  	_ = 	snop  }
0x34: {  	[tilespmem:s23], [sflag:$0x3] =	stream.indirect.gather [hbm4b:s4+s19], $0x40, s22, s19, $0xb8;
	[tilespmem:$0x12080] =	vst v63  }
0x35: {  	_ = 	snop  }
0x36: {  	[tilespmem:s25], [sflag:$0x4] =	stream.indirect.gather [hbm4b:s4+s19], $0x40, s24, s19, $0xb8;
	[tilespmem:$0x12080] =	vst v63  }
0x37: {  	_ =	swait.ge [sflag:s26], $0x2000  }
0x38: {  	[sflag:s26] =	ssyncset.done $0x0  }
0x39: {  	[sflag:s26] =	ssyncadd.s32 $0xFFFFE000  }
0x3a: {  	[spmem:s2] =	stream.indirect.scatter.add.f32 [tilespmem:s20], [sflag:$0x5], $0x40, s18, s19, $0xb8;
	[tilespmem:$0x12080] =	vst v63  }
0x3b: {  	_ =	swait.ge [sflag:s28], $0x2000  }
0x3c: {  	[sflag:s28] =	ssyncset.done $0x0  }
0x3d: {  	[sflag:s28] =	ssyncadd.s32 $0xFFFFE000  }
0x3e: {  	[spmem:s2] =	stream.indirect.scatter.add.f32 [tilespmem:s21], [sflag:$0x6], $0x40, s29, s19, $0xb8;
	[tilespmem:$0x12080] =	vst v63  }
0x3f: {  	_ =	swait.ge [sflag:s30], $0x2000  }
0x40: {  	[sflag:s30] =	ssyncset.done $0x0  }
0x41: {  	[sflag:s30] =	ssyncadd.s32 $0xFFFFE000  }
0x42: {  	[spmem:s2] =	stream.indirect.scatter.add.f32 [tilespmem:s23], [sflag:$0x7], $0x40, s31, s19, $0xb8;
	[tilespmem:$0x12080] =	vst v63  }
0x43: {  	_ =	swait.ge [sflag:s1], $0x2000  }
0x44: {  	[sflag:s1] =	ssyncset.done $0x0  }
0x45: {  	[sflag:s1] =	ssyncadd.s32 $0xFFFFE000  }
0x46: {  	[spmem:s2] =	stream.indirect.scatter.add.f32 [tilespmem:s25], [sflag:$0x8], $0x40, s0, s19, $0xb8;
	[tilespmem:$0x12080] =	vst v63  }
0x47: {  	_ =	swait.ge [sflag:s5], $0x2000  }
0x48: {  	[sflag:s5] =	ssyncset.done $0x0  }
0x49: {  	[sflag:s5] =	ssyncadd.s32 $0xFFFFE000  }
0x4a: {  	_ =	swait.ge [sflag:s7], $0x2000  }
0x4b: {  	[sflag:s7] =	ssyncset.done $0x0  }
0x4c: {  	[sflag:s7] =	ssyncadd.s32 $0xFFFFE000  }
0x4d: {  	_ =	swait.ge [sflag:s9], $0x2000  }
0x4e: {  	s16 =	rddreg [dreg:$0x6]  }
0x4f: {  	p1 =	sne.s32 s16, $0x1  }
.Ltmp0:
0x50: {  	_ = 	snop;
	(pc) =	sbr.rel @!p1 .LBB2_3-.Ltmp0, $4  }
0x51: {  	[sflag:s9] =	ssyncset.done $0x0  }
0x52: {  	[sflag:s9] =	ssyncadd.s32 $0xFFFFE000  }
0x53: {  	_ =	swait.ge [sflag:s10], $0x2000  }
0x54: {  	s12 =	sadd.s32 $0xFFFFFFFF, s16;
	[sflag:s10] =	ssyncset.done $0x0  }
.LBB2_2:
0x55: {  	[sflag:s10] =	ssyncadd.s32 $0xFFFFE000;
	s13 =	sadd.s32 $0x40, s13  }
0x56: {  	[tilespmem:s17], [sflag:$0x9] =	stream.linear.gather [hbm4b:s13+s3], $0x200, $0x38;
	[tilespmem:$0x12080] =	vst v63  }
0x57: {  	_ =	swait.ge [sflag:s15], $0x200  }
0x58: {  	[sflag:s15] =	ssyncset.done $0x0  }
0x59: {  	s14 =	sadd.s32 $0x40, s14;
	[sflag:s15] =	ssyncadd.s32 $0xFFFFFE00  }
0x5a: {  	[tilespmem:s18], [sflag:$0x9] =	stream.linear.gather [hbm4b:s14+s3], $0x200, $0x38;
	[tilespmem:$0x12080] =	vst v63  }
0x5b: {  	_ =	swait.ge [sflag:s15], $0x200  }
0x5c: {  	[sflag:s15] =	ssyncset.done $0x0  }
0x5d: {  	[sflag:s15] =	ssyncadd.s32 $0xFFFFFE00  }
0x5e: {  	[tilespmem:s20], [sflag:$0x1] =	stream.indirect.gather [hbm4b:s4+s19], $0x40, s17, s19, $0xb8;
	[tilespmem:$0x12080] =	vst v63  }
0x5f: {  	s16 =	rddreg [dreg:$0x3]  }
0x60: {  	[tilespmem:s21], [sflag:$0x2] =	stream.indirect.gather [hbm4b:s4+s19], $0x40, s16, s19, $0xb8;
	[tilespmem:$0x12080] =	vst v63  }
0x61: {  	_ = 	snop  }
0x62: {  	[tilespmem:s23], [sflag:$0x3] =	stream.indirect.gather [hbm4b:s4+s19], $0x40, s22, s19, $0xb8;
	[tilespmem:$0x12080] =	vst v63  }
0x63: {  	_ = 	snop  }
0x64: {  	[tilespmem:s25], [sflag:$0x4] =	stream.indirect.gather [hbm4b:s4+s19], $0x40, s24, s19, $0xb8;
	[tilespmem:$0x12080] =	vst v63  }
0x65: {  	_ =	swait.ge [sflag:s26], $0x2000  }
0x66: {  	[sflag:s26] =	ssyncset.done $0x0  }
0x67: {  	[sflag:s26] =	ssyncadd.s32 $0xFFFFE000  }
0x68: {  	[spmem:s2] =	stream.indirect.scatter.add.f32 [tilespmem:s20], [sflag:$0x5], $0x40, s18, s19, $0xb8;
	[tilespmem:$0x12080] =	vst v63  }
0x69: {  	_ =	swait.ge [sflag:s28], $0x2000  }
0x6a: {  	[sflag:s28] =	ssyncset.done $0x0  }
0x6b: {  	[sflag:s28] =	ssyncadd.s32 $0xFFFFE000  }
0x6c: {  	[spmem:s2] =	stream.indirect.scatter.add.f32 [tilespmem:s21], [sflag:$0x6], $0x40, s29, s19, $0xb8;
	[tilespmem:$0x12080] =	vst v63  }
0x6d: {  	_ =	swait.ge [sflag:s30], $0x2000  }
0x6e: {  	[sflag:s30] =	ssyncset.done $0x0  }
0x6f: {  	[sflag:s30] =	ssyncadd.s32 $0xFFFFE000  }
0x70: {  	[spmem:s2] =	stream.indirect.scatter.add.f32 [tilespmem:s23], [sflag:$0x7], $0x40, s31, s19, $0xb8;
	[tilespmem:$0x12080] =	vst v63  }
0x71: {  	_ =	swait.ge [sflag:s1], $0x2000  }
0x72: {  	[sflag:s1] =	ssyncset.done $0x0  }
0x73: {  	[sflag:s1] =	ssyncadd.s32 $0xFFFFE000  }
0x74: {  	[spmem:s2] =	stream.indirect.scatter.add.f32 [tilespmem:s25], [sflag:$0x8], $0x40, s0, s19, $0xb8;
	[tilespmem:$0x12080] =	vst v63  }
0x75: {  	_ =	swait.ge [sflag:s5], $0x2000  }
0x76: {  	[sflag:s5] =	ssyncset.done $0x0  }
0x77: {  	[sflag:s5] =	ssyncadd.s32 $0xFFFFE000  }
0x78: {  	_ =	swait.ge [sflag:s7], $0x2000  }
0x79: {  	[sflag:s7] =	ssyncset.done $0x0  }
0x7a: {  	p1 =	sne.s32 s12, $0x1;
	[sflag:s7] =	ssyncadd.s32 $0xFFFFE000  }
.Ltmp1:
0x7b: {  	_ =	swait.ge [sflag:s9], $0x2000;
	(pc) =	sbr.rel @p1 .LBB2_2-.Ltmp1, $4  }
0x7c: {  	[sflag:s9] =	ssyncset.done $0x0  }
0x7d: {  	[sflag:s9] =	ssyncadd.s32 $0xFFFFE000  }
0x7e: {  	_ =	swait.ge [sflag:s10], $0x2000  }
0x7f: {  	s12 =	sadd.s32 $0xFFFFFFFF, s12;
	[sflag:s10] =	ssyncset.done $0x0  }
.LBB2_3:
0x80: {  	[sflag:s10] =	ssyncadd.s32 $0xFFFFE000  }
0x81: {  	[bflag:$0x0] =	sbarrier.arrive $0xFFFF  }
0x82: {  	s12 =	rddreg [dreg:$0x7]  }
0x83: {  	s14 =	rddreg [dreg:$0xc]  }
0x84: {  	[hbm:s12], [sflag:s6] =	dma.local [spmem:s14], $0x1380  }
0x85: {  	_ =	swait.ge [sflag:s15], $0x1380  }
0x86: {  	[sflag:s15] =	ssyncset.done $0x0;
	s12 =	rddreg [dreg:$0x8]  }
0x87: {  	s13 =	rddreg [dreg:$0xd];
	[sflag:s15] =	ssyncadd.s32 $0xFFFFEC80  }
0x88: {  	[hbm:s12], [sflag:s6] =	dma.local @!p0 [spmem:s13], $0x80  }
0x89: {  	_ =	swait.ge @!p0 [sflag:s8], $0x80  }
0x8a: {  	s11 =	sadd.s32 $0x1, s11;
	s16 =	rddreg [dreg:$0x9]  }
0x8b: {  	p1 =	sne.s32 s11, s16  }
.Ltmp2:
0x8c: {  	_ = 	snop;
	(pc) =	sbr.rel @p1 .LBB2_1-.Ltmp2, $3  }
0x8d: {  	_ =	sdelay $0x1  }
0x8e: {  	[sflag:s8] =	ssyncset.done @!p0 $0x0  }
0x8f: {  	[sflag:s8] =	ssyncadd.s32 @!p0 $0xFFFFFF80  }
0x90: {  	_ =	sfence.sel $0x180000  }
0x91: {  	[bflag:$0x0] =	sbarrier.arrive $0xFFFF  }
0x92: {  	_ =	strace $0x9000004D  }
0x93: {  	s0 =	stileid.u32;
	[bflag:$0x2] =	sbarrier.arrive $0xFFFF  }
0x94: {  	p0 =	sne.s32 s0, $0x0;
	s0 =	rddreg [dreg:$0x2]  }
0x95: {  	s0 =	sadd.s32 @!p0 $0x100000, s0  }
0x96: {  	[sflag:s0] =	ssyncadd.tile.s32 @!p0 $0x1;
	_ =	shalt  }
.Lfunc_end2:
_tile_overlayer_lowered:
.L_overlay_start_2:
0x97: {  	(tag) =	ssettag $0x2  }
0x98: {  	s0 =	rddreg [dreg:$0x0];
	s2 =	stileid.u32  }
0x99: {  	s1 =	rddreg [dreg:$0x1];
	p0 =	sne.s32 s2, $0x0  }
0x9a: {  	s3 =	rddreg [dreg:$0x2];
	[bflag:$0x3] =	sbarrier.arrive $0xFFFF;
	s2 =	simm.s32 @!p0 $0x1C09  }
0x9b: {  	[timem:s3], [sflag:s2] =	dma.local @!p0 [hbm:s0], s1  }
0x9c: {  	s0 =	simm.s32 @!p0 $0x9  }
0x9d: {  	_ =	swait.ge @!p0 [sflag:s0], s1  }
0x9e: {  	s1 =	ssub.s32 @!p0 $0x0, s1;
	[sflag:s0] =	ssyncset.done @!p0 $0x0  }
0x9f: {  	[sflag:s0] =	ssyncadd.s32 @!p0 s1  }
0xa0: {  	[bflag:$0x3] =	sbarrier.arrive $0xFFFF  }
0xa1: {  	_ =	shalt  }

// kernel: kernel.20.cloned.1.call-start
scs
__scs_entry_jumppad:
0x0: {  	(pc) =	sbr.rel $0x88, $3  }
0x1: {  	(tag) =	ssettag $0x0;
	lr =	simm.s32 $0x1  }
0x2: {  	[smem:$0x3F95] =	sst lr;
	_ =	strace $0xD0000000  }
0x3: {  	_ = 	snop  }
0x4: {  	_ = 	snop  }
0x5: {  	_ = 	snop  }
0x6: {  	_ = 	snop  }
0x7: {  	_ = 	snop  }
__scs_overlays_trampoline_lowered:
0x8: {  	[smem:$0x3FA4] =	sst s0  }
0x9: {  	[smem:$0x3FA5] =	sst s1  }
0xa: {  	[smem:$0x3FA6] =	sst s2  }
0xb: {  	[smem:$0x3FA7] =	sst s3  }
0xc: {  	[smem:$0x3FA8] =	sst s4  }
0xd: {  	[smem:$0x3FA9] =	sst s5  }
0xe: {  	[smem:$0x3FAA] =	sst s6  }
0xf: {  	[smem:$0x3FAB] =	sst s7  }
0x10: {  	[smem:$0x3FAC] =	sst s8  }
0x11: {  	[smem:$0x3FAD] =	sst s9;
	s0 =	simm.s32 @!p0 $0x0  }
0x12: {  	s1 =	sld [smem:$0x3F93];
	s0 =	simm.s32 @p0 $0x1  }
0x13: {  	[smem:$0x3FAE] =	sst s0;
	s0 =	simm.s32 @!p1 $0x0  }
0x14: {  	s2 =	sld [smem:$0x3F92];
	s0 =	simm.s32 @p1 $0x1  }
0x15: {  	[smem:$0x3FAF] =	sst s0;
	s0 =	simm.s32 @!p2 $0x0  }
0x16: {  	s3 =	sld [smem:$0x3FDB];
	s0 =	simm.s32 @p2 $0x1  }
0x17: {  	s4 =	simm.s32 $0x1BF5;
	[smem:$0x3FB1] =	sst s0  }
0x18: {  	s0 =	sld [smem:$0x3F94];
	_ =	swait.ge [sflag:s4], $0x0  }
0x19: {  	s7 =	sld [smem:$0x3F95]  }
0x1a: {  	s8 =	sadd.s32 $0xFFFFE003, lr  }
0x1b: {  	s9 =	sadd.s32 $0xFFFFFEF7, lr;
	s5 =	simm.s32 $0xFFFFFFFF;
	p2 =	slt.u32 s8, $0xFFFFF086  }
0x1c: {  	p1 =	slt.u32 s9, $0xF7A;
	s5 =	simm.s32 @!p2 $0x0  }
0x1d: {  	s5 =	simm.s32 @p1 $0x1;
	p0 =	seq.s32 s7, s2  }
0x1e: {  	s7 =	smul.u32 @!p0 $0xF7A, s2;
	p2 =	seq.s32 @!p0 s5, $0x0  }
0x1f: {  	s9 =	smul.u32 $0xF7A, s1;
	s8 =	simm.s32 @!p0 $0x1BF5;
	p2 =	por !p2, p0  }
0x20: {  	[sflag:s8] =	ssyncset.s32 @!p0 $0xFFFFF086;
	s6 =	sadd.s32 @!p0 s3, s7;
	s7 =	simm.s32 @!p0 $0x108  }
0x21: {  	s3 =	sadd.s32 s3, s9;
	s6 =	sadd.s32 @!p0 $0x88, s6;
	s7 =	simm.s32 @p2 $0x1082  }
0x22: {  	[simem:s7], [sflag:s8] =	dma.local @!p0 [hbm:s6], $0xF7A  }
0x23: {  	s9 =	sor.u32 $0xD0000000, s2;
	s6 =	simm.s32 $0x108;
	_ =	swait.ge @!p0 [sflag:s8], $0x0  }
0x24: {  	s3 =	sadd.s32 $0x88, s3;
	s6 =	simm.s32 @!p1 $0x1082;
	[sflag:s4] =	ssyncset.s32 $0xFFFFF086  }
0x25: {  	[simem:s6], [sflag:s4] =	dma.local [hbm:s3], $0xF7A  }
0x26: {  	[smem:$0x3F95] =	sst s1;
	(tag) =	ssettag s2;
	_ =	strace s9  }
0x27: {  	s1 =	sld [smem:$0x3FA5]  }
0x28: {  	s2 =	sld [smem:$0x3FA6]  }
0x29: {  	s4 =	sld [smem:$0x3FA8]  }
0x2a: {  	p0 =	seq.s32 s5, $0x0;
	s5 =	sld [smem:$0x3FA9]  }
0x2b: {  	s6 =	sld [smem:$0x3FAA]  }
0x2c: {  	s7 =	sld [smem:$0x3FAB]  }
0x2d: {  	s3 =	simm.s32 $0x108;
	s8 =	sld [smem:$0x3FAC]  }
0x2e: {  	s3 =	simm.s32 @!p0 $0x1082;
	s9 =	sld [smem:$0x3FAD]  }
0x2f: {  	lr =	sadd.s32 s0, s3;
	s0 =	sld [smem:$0x3FA4]  }
0x30: {  	s3 =	sld [smem:$0x3FA7]  }
0x31: {  	[smem:$0x3FB0] =	sst s10  }
0x32: {  	s10 =	sld [smem:$0x3FAE];
	_ =	sdelay $0x3  }
0x33: {  	p0 =	seq.s32 s10, $0x1;
	s10 =	sld [smem:$0x3FB0];
	_ =	sdelay $0x3  }
0x34: {  	[smem:$0x3FB0] =	sst s10  }
0x35: {  	s10 =	sld [smem:$0x3FAF];
	_ =	sdelay $0x3  }
0x36: {  	p1 =	seq.s32 s10, $0x1;
	s10 =	sld [smem:$0x3FB0];
	_ =	sdelay $0x3  }
0x37: {  	[smem:$0x3FB0] =	sst s10  }
0x38: {  	s10 =	sld [smem:$0x3FB1]  }
0x39: {  	_ = 	snop;
	(pc) =	sbr.ind lr, $3  }
0x3a: {  	_ = 	snop  }
0x3b: {  	_ = 	snop  }
0x3c: {  	p2 =	seq.s32 s10, $0x1;
	s10 =	sld [smem:$0x3FB0]  }
0x3d: {  	_ =	shalt  }
0x3e: {  	_ =	shalt  }
0x3f: {  	_ =	shalt  }
0x40: {  	_ =	shalt  }
0x41: {  	_ =	shalt  }
0x42: {  	_ =	shalt  }
0x43: {  	_ =	shalt  }
0x44: {  	_ =	shalt  }
0x45: {  	_ =	shalt  }
0x46: {  	_ =	shalt  }
0x47: {  	_ =	shalt  }
0x48: {  	_ =	shalt  }
0x49: {  	_ =	shalt  }
0x4a: {  	_ =	shalt  }
0x4b: {  	_ =	shalt  }
0x4c: {  	_ =	shalt  }
0x4d: {  	_ =	shalt  }
0x4e: {  	_ =	shalt  }
0x4f: {  	_ =	shalt  }
0x50: {  	_ =	shalt  }
0x51: {  	_ =	shalt  }
0x52: {  	_ =	shalt  }
0x53: {  	_ =	shalt  }
0x54: {  	_ =	shalt  }
0x55: {  	_ =	shalt  }
0x56: {  	_ =	shalt  }
0x57: {  	_ =	shalt  }
0x58: {  	_ =	shalt  }
0x59: {  	_ =	shalt  }
0x5a: {  	_ =	shalt  }
0x5b: {  	_ =	shalt  }
0x5c: {  	_ =	shalt  }
0x5d: {  	_ =	shalt  }
0x5e: {  	_ =	shalt  }
0x5f: {  	_ =	shalt  }
0x60: {  	_ =	shalt  }
0x61: {  	_ =	shalt  }
0x62: {  	_ =	shalt  }
0x63: {  	_ =	shalt  }
0x64: {  	_ =	shalt  }
0x65: {  	_ =	shalt  }
0x66: {  	_ =	shalt  }
0x67: {  	_ =	shalt  }
0x68: {  	_ =	shalt  }
0x69: {  	_ =	shalt  }
0x6a: {  	_ =	shalt  }
0x6b: {  	_ =	shalt  }
0x6c: {  	_ =	shalt  }
0x6d: {  	_ =	shalt  }
0x6e: {  	_ =	shalt  }
0x6f: {  	_ =	shalt  }
0x70: {  	_ =	shalt  }
0x71: {  	_ =	shalt  }
0x72: {  	_ =	shalt  }
0x73: {  	_ =	shalt  }
0x74: {  	_ =	shalt  }
0x75: {  	_ =	shalt  }
0x76: {  	_ =	shalt  }
0x77: {  	_ =	shalt  }
0x78: {  	_ =	shalt  }
0x79: {  	_ =	shalt  }
0x7a: {  	_ =	shalt  }
0x7b: {  	_ =	shalt  }
0x7c: {  	_ =	shalt  }
0x7d: {  	_ =	shalt  }
0x7e: {  	_ =	shalt  }
0x7f: {  	_ =	shalt  }
0x80: {  	_ =	shalt  }
0x81: {  	_ =	shalt  }
0x82: {  	_ =	shalt  }
0x83: {  	_ =	shalt  }
0x84: {  	_ =	shalt  }
0x85: {  	_ =	shalt  }
0x86: {  	_ =	shalt  }
0x87: {  	_ =	shalt  }
.Lfunc_end0:
.L_simem_size_0:
called_computation.3_lowered:
.L_overlay_start_0:
0x88: {  	s2 =	sld [smem:$0x3FD9]  }
0x89: {  	s3 =	sld [smem:$0x3FFE];
	_ =	sdelay $0x1  }
0x8a: {  	s1 =	srdreg.scid  }
0x8b: {  	s0 =	sand.u32 $0x1, s1  }
0x8c: {  	s17 =	sshll.u32 s0, $0xA;
	s2 =	sadd.s32 s3, s2  }
0x8d: {  	s2 =	sadd.s32 s2, s17  }
0x8e: {  	[smem:$0x3FBC] =	sst s2  }
0x8f: {  	_ = 	snop  }
0x90: {  	s2 =	sld [smem:$0x3FD0];
	(tm) =	ssettm $0x1  }
0x91: {  	s18 =	sld [smem:$0x3FFB];
	_ =	sdelay $0x3  }
0x92: {  	_ =	strace s18  }
0x93: {  	s3 =	sld [smem:$0x3FFC];
	_ =	sdelay $0x3  }
0x94: {  	_ =	strace s3  }
0x95: {  	s3 =	sld [smem:$0x3FFD];
	_ =	sdelay $0x3  }
0x96: {  	_ =	strace s3  }
0x97: {  	_ =	strace $0x8FFFFFFF  }
0x98: {  	s19 =	sld [smem:$0x3FDB];
	_ =	sdelay $0x1  }
0x99: {  	s4 =	simm.s32 $_scs_section_size  }
0x9a: {  	s5 =	simm.s32 $_size__tile_overlayer_lowered;
	s6 =	simm.s32 $_tile_overlayer_lowered  }
0x9b: {  	s22 =	simm.s32 $0x1BFF;
	s21 =	sshll.u32 s6, $0x1;
	s3 =	sadd.s32 s4, s19  }
0x9c: {  	s7 =	simm.s32 $0x0;
	s20 =	sshll.u32 s5, $0x1;
	s5 =	sadd.s32 s21, s3  }
0x9d: {  	[timem:s7], [sflag:s22] =	dma.local [hbm:s5], s20  }
0x9e: {  	_ =	swait.ge [sflag:s22], s20  }
0x9f: {  	s4 =	ssub.s32 $0x0, s20;
	[sflag:s22] =	ssyncset.done $0x0  }
0xa0: {  	[sflag:s22] =	ssyncadd.s32 s4;
	_ =	sdelay $0x1  }
0xa1: {  	s23 =	simm.s32 $0x1B8B  }
0xa2: {  	_ =	swait.ge [sflag:s23], $0x1  }
0xa3: {  	[sflag:s23] =	ssyncset.done $0x0  }
0xa4: {  	s25 =	simm.s32 $0x1B8E;
	s24 =	sld [smem:$0x3FFE];
	[sflag:s23] =	ssyncadd.s32 $0xFFFFFFFF  }
0xa5: {  	s26 =	simm.s32 $execute0_lowered;
	[smem:$0x3FD2] =	sst s25  }
0xa6: {  	s5 =	sshll.u32 s26, $0x1;
	_ =	strace $0x8000004F;
	[dreg:$0x1] =	wrdreg $0xFFFFFFFF  }
0xa7: {  	s28 =	simm.s32 $_size_execute0_lowered;
	s3 =	sadd.s32 s3, s5;
	[dreg:$0x0] =	wrdreg $0x0  }
0xa8: {  	s5 =	sshll.u32 s28, $0x1;
	[dreg:$0x2] =	wrdreg s3  }
0xa9: {  	[dreg:$0x3] =	wrdreg s5  }
0xaa: {  	[dreg:$0x4] =	wrdreg $0xC0  }
0xab: {  	_ =	task [dreg:s7], $0x5FFFF  }
0xac: {  	[dreg:$0x1] =	wrdreg $0xFFFFFFFF  }
0xad: {  	[dreg:$0x0] =	wrdreg $0x60  }
0xae: {  	[dreg:$0x2] =	wrdreg s2  }
0xaf: {  	[dreg:$0x3] =	wrdreg s24  }
0xb0: {  	[dreg:$0x4] =	wrdreg $0x0  }
0xb1: {  	[dreg:$0x5] =	wrdreg $0x9  }
0xb2: {  	_ =	task.clear_ibuf [dreg:s7], $0x6FFFF;
	_ =	strace $0x9000004F  }
0xb3: {  	s29 =	simm.s32 $0x9;
	_ =	strace $0x80000051  }
0xb4: {  	_ =	swait.ge [sflag:s29], $0x1  }
0xb5: {  	[sflag:s29] =	ssyncadd.s32 $0xFFFFFFFF  }
0xb6: {  	_ =	strace $0x90000051  }
0xb7: {  	_ =	sfence  }
0xb8: {  	s30 =	sld [smem:$0x0];
	_ =	sdelay $0x2  }
0xb9: {  	s31 =	sshll.u32 s1, $0xD;
	s1 =	sshrl.u32 s1, $0x2  }
0xba: {  	s3 =	sand.u32 $0x4000, s31;
	s1 =	sadd.s32 s1, s30  }
0xbb: {  	s0 =	sor.u32 s3, s0;
	s1 =	sshll.u32 s1, $0x11  }
0xbc: {  	s0 =	sor.u32 s1, s0  }
0xbd: {  	s0 =	sadd.s32 $0x8F2B, s0  }
0xbe: {  	[sflag:s0] =	ssyncadd.remote.s32 $0x1  }
0xbf: {  	_ =	sfence.sel $0xFFFF  }
0xc0: {  	[dreg:$0x0] =	wrdreg $0xFFFFFFFF;
	(pc) =	sbr.abs _section_cstart, $3  }
0xc1: {  	[dreg:$0x1] =	wrdreg $0xFFFFFFFF  }
0xc2: {  	_ =	task.clear_ibuf [dreg:s7], $0x2FFFF;
	_ =	strace $0x9FFFFFFF  }
0xc3: {  	(tm) =	ssettm $0x7FFFFFFF  }
tec
execute0_lowered:
.L_overlay_start_1:
0x0: {  	(tag) =	ssettag $0x1  }
0x1: {  	s1 =	rddreg [dreg:$0x0]  }
0x2: {  	s0 =	rddreg [dreg:$0x1]  }
0x3: {  	s2 =	rddreg [dreg:$0x2];
	s4 =	simm.s32 $0x0;
	s14 =	stileid.u32  }
0x4: {  	s3 =	srdreg.scid;
	s15 =	simm.s32 $0x10;
	s17 =	simm.s32 $0x4E40  }
0x5: {  	s18 =	simm.s32 $0x5040;
	s19 =	simm.s32 $0x80;
	s26 =	simm.s32 $0x4EC0  }
0x6: {  	s20 =	simm.s32 $0x5240;
	s21 =	simm.s32 $0x6240;
	s28 =	simm.s32 $0x2  }
0x7: {  	s29 =	simm.s32 $0x50C0;
	s30 =	simm.s32 $0x3;
	s31 =	simm.s32 $0x5140  }
0x8: {  	[smem:$0x7FF] =	sst s4;
	s5 =	sadd.s32 $0x2A00, s0;
	s6 =	smul.u32 $0x4E00, s14  }
0x9: {  	s3 =	sand.u32 $0x1, s3;
	s22 =	sadd.s32 $0xCC00, s0;
	s9 =	sadd.s32 $0x69C00, s0  }
0xa: {  	s10 =	smul.u32 $0x9C0, s14;
	s24 =	sshll.u32 s14, $0x6;
	_ =	strace $0x80000050  }
0xb: {  	[dreg:$0x4] =	wrdreg s5;
	s7 =	ssub.s32 $0x2, s3;
	s12 =	smul.u32 $0x4E200, s3  }
0xc: {  	[dreg:$0x5] =	wrdreg s22;
	p0 =	seq.s32 s3, $0x0;
	s13 =	smul.u32 $0x9C40, s3  }
0xd: {  	s3 =	sshll.u32 s3, $0x11;
	[dreg:$0x6] =	wrdreg s26;
	s22 =	simm.s32 $0x4F40  }
0xe: {  	s26 =	simm.s32 $0x1;
	s23 =	sshrl.u32 s6, $0x3;
	s8 =	sshrl.u32 s7, $0x1  }
0xf: {  	s11 =	sadd.s32 s6, s2;
	s6 =	sor.u32 $0x1C09, s24;
	s15 =	simm.s32 @!p0 $0x4  }
0x10: {  	s24 =	simm.s32 $0x4FC0;
	s5 =	sadd.s32 s23, s0;
	s7 =	ssub.s32 s7, s8  }
0x11: {  	s0 =	sadd.s32 $0x69A00, s0;
	s8 =	simm.s32 $0x6;
	[dreg:$0x9] =	wrdreg s15  }
0x12: {  	s12 =	sshrl.u32 s12, $0x3;
	s10 =	sadd.s32 s10, s13;
	s15 =	simm.s32 $0x9  }
0x13: {  	s23 =	simm.s32 $0x7240;
	s5 =	sadd.s32 $0x5FE00, s5;
	[dreg:$0x8] =	wrdreg s0  }
0x14: {  	s0 =	simm.s32 $0x6;
	s12 =	sadd.s32 s9, s12;
	s9 =	sadd.s32 s9, s10  }
0x15: {  	s7 =	smax.u32 s7, $0x1;
	s10 =	simm.s32 $0x8;
	[dreg:$0x7] =	wrdreg s5  }
0x16: {  	s5 =	sadd.s32 $0x4E000, s2;
	s0 =	simm.s32 @!p0 $0x4;
	[dreg:$0xa] =	wrdreg s9  }
0x17: {  	s25 =	sadd.s32 $0x9C00, s12;
	[dreg:$0xc] =	wrdreg s7;
	p0 =	sne.s32 s14, $0xF  }
0x18: {  	s7 =	simm.s32 $0x7;
	s0 =	sshll.u32 s14, s0;
	[dreg:$0xb] =	wrdreg s25  }
0x19: {  	s14 =	sshrl.u32 s11, $0x3;
	s13 =	sshrl.u32 @!p0 s5, $0x3;
	s25 =	simm.s32 $0x8240  }
0x1a: {  	s5 =	simm.s32 $0x5;
	s0 =	sshll.u32 s0, $0x7;
	[dreg:$0xe] =	wrdreg s14  }
0x1b: {  	s11 =	simm.s32 $0x0;
	[dreg:$0xf] =	wrdreg s13;
	s0 =	sor.u32 s0, s3  }
0x1c: {  	s3 =	simm.s32 $0x51C0;
	[dreg:$0xd] =	wrdreg s0;
	s0 =	simm.s32 $0x4  }
.LBB2_1:
0x1d: {  	s9 =	rddreg [dreg:$0x7]  }
0x1e: {  	[spmem:s14], [sflag:s6] =	dma.local [hbm:s9], $0x9C0  }
0x1f: {  	_ =	swait.ge [sflag:s15], $0x9C0  }
0x20: {  	[sflag:s15] =	ssyncset.done $0x0  }
0x21: {  	s12 =	simm.s32 @!p0 $0x9;
	s9 =	rddreg [dreg:$0x8];
	[sflag:s15] =	ssyncadd.s32 $0xFFFFF640  }
0x22: {  	[spmem:s13], [sflag:s6] =	dma.local @!p0 [hbm:s9], $0x40  }
0x23: {  	_ =	swait.ge @!p0 [sflag:s12], $0x40  }
0x24: {  	[sflag:s12] =	ssyncset.done @!p0 $0x0  }
0x25: {  	[sflag:s12] =	ssyncadd.s32 @!p0 $0xFFFFFFC0  }
0x26: {  	[bflag:$0x0] =	sbarrier.arrive $0xFFFF  }
0x27: {  	s16 =	rddreg [dreg:$0x9]  }
0x28: {  	p2 =	sne.s32 s16, $0x1  }
.Ltmp0:
0x29: {  	_ = 	snop;
	(pc) =	sbr.rel @!p2 .LBB2_2-.Ltmp0, $2  }
0x2a: {  	_ =	sdelay $0x2  }
0x2b: {  	p1 =	por $0x0, $0x0;
	s13 =	sadd.s32 $0xFFFFFFFF, s16;
	s16 =	rddreg [dreg:$0x4]  }
0x2c: {  	s9 =	rddreg [dreg:$0xd]  }
0x2d: {  	s14 =	sshrl.u32 s9, $0x3  }
0x2e: {  	s16 =	sadd.s32 s16, s14  }
0x2f: {  	[tilespmem:s17], [sflag:$0x9] =	stream.linear.gather [hbm4b:s16+s4], $0x200, $0x38;
	[tilespmem:$0x9240] =	vst v63  }
0x30: {  	_ =	swait.ge [sflag:s15], $0x200  }
0x31: {  	s16 =	rddreg [dreg:$0x5];
	[sflag:s15] =	ssyncset.done $0x0  }
0x32: {  	[sflag:s15] =	ssyncadd.s32 $0xFFFFFE00;
	s14 =	sadd.s32 s16, s14  }
0x33: {  	[tilespmem:s18], [sflag:$0x9] =	stream.linear.gather [hbm4b:s14+s4], $0x200, $0x38;
	[tilespmem:$0x9240] =	vst v63  }
0x34: {  	_ =	swait.ge [sflag:s15], $0x200  }
0x35: {  	[sflag:s15] =	ssyncset.done $0x0  }
0x36: {  	[sflag:s15] =	ssyncadd.s32 $0xFFFFFE00  }
0x37: {  	[tilespmem:s20], [sflag:$0x1] =	stream.indirect.gather [hbm4b:s1+s19], $0x20, s17, s19, $0xb8;
	[tilespmem:$0x9240] =	vst v63  }
0x38: {  	s16 =	rddreg [dreg:$0x6]  }
0x39: {  	[tilespmem:s21], [sflag:$0x2] =	stream.indirect.gather [hbm4b:s1+s19], $0x20, s16, s19, $0xb8;
	[tilespmem:$0x9240] =	vst v63  }
0x3a: {  	_ = 	snop  }
0x3b: {  	[tilespmem:s23], [sflag:$0x3] =	stream.indirect.gather [hbm4b:s1+s19], $0x20, s22, s19, $0xb8;
	[tilespmem:$0x9240] =	vst v63  }
0x3c: {  	_ = 	snop  }
0x3d: {  	[tilespmem:s25], [sflag:$0x4] =	stream.indirect.gather [hbm4b:s1+s19], $0x20, s24, s19, $0xb8;
	[tilespmem:$0x9240] =	vst v63  }
0x3e: {  	_ =	swait.ge [sflag:s26], $0x1000  }
0x3f: {  	[sflag:s26] =	ssyncset.done $0x0  }
0x40: {  	[sflag:s26] =	ssyncadd.s32 $0xFFFFF000  }
0x41: {  	[spmem:s2] =	stream.indirect.scatter.add.f32 [tilespmem:s20], [sflag:$0x5], $0x20, s18, s19, $0xb8;
	[tilespmem:$0x9240] =	vst v63  }
0x42: {  	_ =	swait.ge [sflag:s28], $0x1000  }
0x43: {  	[sflag:s28] =	ssyncset.done $0x0  }
0x44: {  	[sflag:s28] =	ssyncadd.s32 $0xFFFFF000  }
0x45: {  	[spmem:s2] =	stream.indirect.scatter.add.f32 [tilespmem:s21], [sflag:$0x6], $0x20, s29, s19, $0xb8;
	[tilespmem:$0x9240] =	vst v63  }
0x46: {  	_ =	swait.ge [sflag:s30], $0x1000  }
0x47: {  	[sflag:s30] =	ssyncset.done $0x0  }
0x48: {  	[sflag:s30] =	ssyncadd.s32 $0xFFFFF000  }
0x49: {  	[spmem:s2] =	stream.indirect.scatter.add.f32 [tilespmem:s23], [sflag:$0x7], $0x20, s31, s19, $0xb8;
	[tilespmem:$0x9240] =	vst v63  }
0x4a: {  	_ =	swait.ge [sflag:s0], $0x1000  }
0x4b: {  	[sflag:s0] =	ssyncset.done $0x0  }
0x4c: {  	[sflag:s0] =	ssyncadd.s32 $0xFFFFF000  }
0x4d: {  	[spmem:s2] =	stream.indirect.scatter.add.f32 [tilespmem:s25], [sflag:$0x8], $0x20, s3, s19, $0xb8;
	[tilespmem:$0x9240] =	vst v63  }
0x4e: {  	_ =	swait.ge [sflag:s5], $0x1000  }
0x4f: {  	[sflag:s5] =	ssyncset.done $0x0  }
0x50: {  	[sflag:s5] =	ssyncadd.s32 $0xFFFFF000  }
0x51: {  	_ =	swait.ge [sflag:s8], $0x1000  }
0x52: {  	[sflag:s8] =	ssyncset.done $0x0  }
0x53: {  	p2 =	sne.s32 s13, $0x1;
	[sflag:s8] =	ssyncadd.s32 $0xFFFFF000  }
.Ltmp1:
0x54: {  	_ =	swait.ge [sflag:s7], $0x1000;
	(pc) =	sbr.rel @!p2 .LBB2_4-.Ltmp1, $4  }
0x55: {  	[sflag:s7] =	ssyncset.done $0x0  }
0x56: {  	[sflag:s7] =	ssyncadd.s32 $0xFFFFF000  }
0x57: {  	p1 =	por $0x1, $0x1;
	s14 =	sadd.s32 $0xFFFFFFFF, s13;
	_ =	swait.ge [sflag:s10], $0x1000  }
0x58: {  	s13 =	smov.u32 s9;
	s16 =	rddreg [dreg:$0x4];
	[sflag:s10] =	ssyncset.done $0x0  }
.LBB2_5:
0x59: {  	s13 =	sadd.s32 $0x200, s13  }
0x5a: {  	s9 =	sshrl.u32 s13, $0x3  }
0x5b: {  	[sflag:s10] =	ssyncadd.s32 $0xFFFFF000;
	s16 =	sadd.s32 s16, s9  }
0x5c: {  	[tilespmem:s17], [sflag:$0x9] =	stream.linear.gather [hbm4b:s16+s4], $0x200, $0x38;
	[tilespmem:$0x9240] =	vst v63  }
0x5d: {  	_ =	swait.ge [sflag:s15], $0x200  }
0x5e: {  	s16 =	rddreg [dreg:$0x5];
	[sflag:s15] =	ssyncset.done $0x0  }
0x5f: {  	[sflag:s15] =	ssyncadd.s32 $0xFFFFFE00;
	s9 =	sadd.s32 s16, s9  }
0x60: {  	[tilespmem:s18], [sflag:$0x9] =	stream.linear.gather [hbm4b:s9+s4], $0x200, $0x38;
	[tilespmem:$0x9240] =	vst v63  }
0x61: {  	_ =	swait.ge [sflag:s15], $0x200  }
0x62: {  	[sflag:s15] =	ssyncset.done $0x0  }
0x63: {  	[sflag:s15] =	ssyncadd.s32 $0xFFFFFE00  }
0x64: {  	[tilespmem:s20], [sflag:$0x1] =	stream.indirect.gather [hbm4b:s1+s19], $0x20, s17, s19, $0xb8;
	[tilespmem:$0x9240] =	vst v63  }
0x65: {  	s16 =	rddreg [dreg:$0x6]  }
0x66: {  	[tilespmem:s21], [sflag:$0x2] =	stream.indirect.gather [hbm4b:s1+s19], $0x20, s16, s19, $0xb8;
	[tilespmem:$0x9240] =	vst v63  }
0x67: {  	_ = 	snop  }
0x68: {  	[tilespmem:s23], [sflag:$0x3] =	stream.indirect.gather [hbm4b:s1+s19], $0x20, s22, s19, $0xb8;
	[tilespmem:$0x9240] =	vst v63  }
0x69: {  	_ = 	snop  }
0x6a: {  	[tilespmem:s25], [sflag:$0x4] =	stream.indirect.gather [hbm4b:s1+s19], $0x20, s24, s19, $0xb8;
	[tilespmem:$0x9240] =	vst v63  }
0x6b: {  	_ =	swait.ge [sflag:s26], $0x1000  }
0x6c: {  	[sflag:s26] =	ssyncset.done $0x0  }
0x6d: {  	[sflag:s26] =	ssyncadd.s32 $0xFFFFF000  }
0x6e: {  	[spmem:s2] =	stream.indirect.scatter.add.f32 [tilespmem:s20], [sflag:$0x5], $0x20, s18, s19, $0xb8;
	[tilespmem:$0x9240] =	vst v63  }
0x6f: {  	_ =	swait.ge [sflag:s28], $0x1000  }
0x70: {  	[sflag:s28] =	ssyncset.done $0x0  }
0x71: {  	[sflag:s28] =	ssyncadd.s32 $0xFFFFF000  }
0x72: {  	[spmem:s2] =	stream.indirect.scatter.add.f32 [tilespmem:s21], [sflag:$0x6], $0x20, s29, s19, $0xb8;
	[tilespmem:$0x9240] =	vst v63  }
0x73: {  	_ =	swait.ge [sflag:s30], $0x1000  }
0x74: {  	[sflag:s30] =	ssyncset.done $0x0  }
0x75: {  	[sflag:s30] =	ssyncadd.s32 $0xFFFFF000  }
0x76: {  	[spmem:s2] =	stream.indirect.scatter.add.f32 [tilespmem:s23], [sflag:$0x7], $0x20, s31, s19, $0xb8;
	[tilespmem:$0x9240] =	vst v63  }
0x77: {  	_ =	swait.ge [sflag:s0], $0x1000  }
0x78: {  	[sflag:s0] =	ssyncset.done $0x0  }
0x79: {  	[sflag:s0] =	ssyncadd.s32 $0xFFFFF000  }
0x7a: {  	[spmem:s2] =	stream.indirect.scatter.add.f32 [tilespmem:s25], [sflag:$0x8], $0x20, s3, s19, $0xb8;
	[tilespmem:$0x9240] =	vst v63  }
0x7b: {  	_ =	swait.ge [sflag:s5], $0x1000  }
0x7c: {  	[sflag:s5] =	ssyncset.done $0x0  }
0x7d: {  	[sflag:s5] =	ssyncadd.s32 $0xFFFFF000  }
0x7e: {  	_ =	swait.ge [sflag:s8], $0x1000  }
0x7f: {  	[sflag:s8] =	ssyncset.done $0x0  }
0x80: {  	p2 =	sne.s32 s14, $0x1;
	[sflag:s8] =	ssyncadd.s32 $0xFFFFF000  }
.Ltmp2:
0x81: {  	_ =	swait.ge [sflag:s7], $0x1000;
	(pc) =	sbr.rel @p2 .LBB2_5-.Ltmp2, $4  }
0x82: {  	[sflag:s7] =	ssyncset.done $0x0  }
0x83: {  	[sflag:s7] =	ssyncadd.s32 $0xFFFFF000  }
0x84: {  	_ =	swait.ge [sflag:s10], $0x1000  }
0x85: {  	s14 =	sadd.s32 $0xFFFFFFFF, s14;
	s16 =	rddreg [dreg:$0x4];
	[sflag:s10] =	ssyncset.done $0x0  }
0x86: {  	s14 =	rddreg [dreg:$0xe]  }
.LBB2_7:
0x87: {  	s9 =	sadd.s32 @p1 $0x200, s13;
	s13 =	rddreg [dreg:$0xd]  }
0x88: {  	s13 =	smov.u32 @p1 s9  }
0x89: {  	s9 =	sshrl.u32 s13, $0x3  }
0x8a: {  	[sflag:s10] =	ssyncadd.s32 @p1 $0xFFFFF000;
	s13 =	sadd.s32 s16, s9  }
0x8b: {  	[tilespmem:s17], [sflag:$0x9] =	stream.linear.gather [hbm4b:s13+s4], $0x200, $0x38;
	[tilespmem:$0x9240] =	vst v63  }
0x8c: {  	_ =	swait.ge [sflag:s15], $0x200  }
0x8d: {  	s16 =	rddreg [dreg:$0x5];
	[sflag:s15] =	ssyncset.done $0x0  }
0x8e: {  	s9 =	sadd.s32 s16, s9;
	[sflag:s15] =	ssyncadd.s32 $0xFFFFFE00  }
0x8f: {  	[tilespmem:s18], [sflag:$0x9] =	stream.linear.gather [hbm4b:s9+s4], $0x200, $0x38;
	[tilespmem:$0x9240] =	vst v63  }
0x90: {  	_ =	swait.ge [sflag:s15], $0x200  }
0x91: {  	[sflag:s15] =	ssyncset.done $0x0  }
0x92: {  	[sflag:s15] =	ssyncadd.s32 $0xFFFFFE00  }
0x93: {  	[tilespmem:s20], [sflag:$0x1] =	stream.indirect.gather [hbm4b:s1+s19], $0x20, s17, s19, $0xb8;
	[tilespmem:$0x9240] =	vst v63  }
0x94: {  	s16 =	rddreg [dreg:$0x6]  }
0x95: {  	[tilespmem:s21], [sflag:$0x2] =	stream.indirect.gather [hbm4b:s1+s19], $0x20, s16, s19, $0xb8;
	[tilespmem:$0x9240] =	vst v63  }
0x96: {  	_ = 	snop  }
0x97: {  	[tilespmem:s23], [sflag:$0x3] =	stream.indirect.gather [hbm4b:s1+s19], $0x20, s22, s19, $0xb8;
	[tilespmem:$0x9240] =	vst v63  }
0x98: {  	_ = 	snop  }
0x99: {  	[tilespmem:s25], [sflag:$0x4] =	stream.indirect.gather [hbm4b:s1+s19], $0x20, s24, s19, $0xb8;
	[tilespmem:$0x9240] =	vst v63  }
0x9a: {  	_ =	swait.ge [sflag:s26], $0x1000  }
0x9b: {  	[sflag:s26] =	ssyncset.done $0x0  }
0x9c: {  	[sflag:s26] =	ssyncadd.s32 $0xFFFFF000  }
0x9d: {  	[spmem:s2] =	stream.indirect.scatter.add.f32 [tilespmem:s20], [sflag:$0x5], $0x20, s18, s19, $0xb8;
	[tilespmem:$0x9240] =	vst v63  }
0x9e: {  	_ =	swait.ge [sflag:s28], $0x1000  }
0x9f: {  	[sflag:s28] =	ssyncset.done $0x0  }
0xa0: {  	[sflag:s28] =	ssyncadd.s32 $0xFFFFF000  }
0xa1: {  	[spmem:s2] =	stream.indirect.scatter.add.f32 [tilespmem:s21], [sflag:$0x6], $0x20, s29, s19, $0xb8;
	[tilespmem:$0x9240] =	vst v63  }
0xa2: {  	_ =	swait.ge [sflag:s30], $0x1000  }
0xa3: {  	[sflag:s30] =	ssyncset.done $0x0  }
0xa4: {  	[sflag:s30] =	ssyncadd.s32 $0xFFFFF000  }
0xa5: {  	[spmem:s2] =	stream.indirect.scatter.add.f32 [tilespmem:s23], [sflag:$0x7], $0x20, s31, s19, $0xb8;
	[tilespmem:$0x9240] =	vst v63  }
0xa6: {  	_ =	swait.ge [sflag:s0], $0x1000  }
0xa7: {  	[sflag:s0] =	ssyncset.done $0x0  }
0xa8: {  	[sflag:s0] =	ssyncadd.s32 $0xFFFFF000  }
0xa9: {  	[spmem:s2] =	stream.indirect.scatter.add.f32 [tilespmem:s25], [sflag:$0x8], $0x20, s3, s19, $0xb8;
	[tilespmem:$0x9240] =	vst v63  }
0xaa: {  	_ =	swait.ge [sflag:s5], $0x1000  }
0xab: {  	[sflag:s5] =	ssyncset.done $0x0  }
0xac: {  	[sflag:s5] =	ssyncadd.s32 $0xFFFFF000  }
0xad: {  	_ =	swait.ge [sflag:s8], $0x1000  }
0xae: {  	[sflag:s8] =	ssyncset.done $0x0  }
0xaf: {  	[sflag:s8] =	ssyncadd.s32 $0xFFFFF000  }
0xb0: {  	_ =	swait.ge [sflag:s7], $0x1000  }
0xb1: {  	[sflag:s7] =	ssyncset.done $0x0  }
0xb2: {  	[sflag:s7] =	ssyncadd.s32 $0xFFFFF000  }
0xb3: {  	_ =	swait.ge [sflag:s10], $0x1000  }
0xb4: {  	[sflag:s10] =	ssyncset.done $0x0  }
0xb5: {  	[sflag:s10] =	ssyncadd.s32 $0xFFFFF000  }
0xb6: {  	[bflag:$0x0] =	sbarrier.arrive $0xFFFF  }
0xb7: {  	s13 =	rddreg [dreg:$0xa]  }
0xb8: {  	[hbm:s13], [sflag:s6] =	dma.local [spmem:s14], $0x9C0  }
0xb9: {  	_ =	swait.ge [sflag:s15], $0x9C0  }
0xba: {  	[sflag:s15] =	ssyncset.done $0x0;
	s9 =	rddreg [dreg:$0xb]  }
0xbb: {  	s13 =	rddreg [dreg:$0xf];
	[sflag:s15] =	ssyncadd.s32 $0xFFFFF640  }
0xbc: {  	[hbm:s9], [sflag:s6] =	dma.local @!p0 [spmem:s13], $0x40  }
0xbd: {  	_ =	swait.ge @!p0 [sflag:s12], $0x40  }
0xbe: {  	s11 =	sadd.s32 $0x1, s11;
	s16 =	rddreg [dreg:$0xc]  }
0xbf: {  	p1 =	sne.s32 s11, s16  }
.Ltmp3:
0xc0: {  	_ = 	snop;
	(pc) =	sbr.rel @p1 .LBB2_1-.Ltmp3, $4  }
.Ltmp4:
0xc1: {  	_ = 	snop;
	(pc) =	sbr.rel @!p1 .LBB2_8-.Ltmp4, $4  }
0xc2: {  	_ = 	snop  }
0xc3: {  	[sflag:s12] =	ssyncset.done @!p0 $0x0  }
0xc4: {  	[sflag:s12] =	ssyncadd.s32 @!p0 $0xFFFFFFC0  }
0xc5: {  	_ = 	snop  }
.LBB2_2:
.Ltmp5:
0xc6: {  	(pc) =	sbr.rel .LBB2_7-.Ltmp5, $2  }
0xc7: {  	_ =	sdelay $0x2  }
0xc8: {  	s13 =	rddreg [dreg:$0xd]  }
.LBB2_4:
.Ltmp6:
0xc9: {  	(pc) =	sbr.rel .LBB2_7-.Ltmp6, $3  }
0xca: {  	_ =	sdelay $0x1  }
0xcb: {  	s13 =	rddreg [dreg:$0xd]  }
0xcc: {  	s14 =	rddreg [dreg:$0xe]  }
.LBB2_8:
0xcd: {  	_ =	sfence.sel $0x180000  }
0xce: {  	[bflag:$0x0] =	sbarrier.arrive $0xFFFF  }
0xcf: {  	_ =	strace $0x90000050  }
0xd0: {  	s0 =	stileid.u32;
	[bflag:$0x2] =	sbarrier.arrive $0xFFFF  }
0xd1: {  	p0 =	sne.s32 s0, $0x0;
	s0 =	rddreg [dreg:$0x3]  }
0xd2: {  	s0 =	sadd.s32 @!p0 $0x100000, s0  }
0xd3: {  	[sflag:s0] =	ssyncadd.tile.s32 @!p0 $0x1;
	_ =	shalt  }
.Lfunc_end2:
_tile_overlayer_lowered:
.L_overlay_start_2:
0xd4: {  	(tag) =	ssettag $0x2  }
0xd5: {  	s0 =	rddreg [dreg:$0x0];
	s2 =	stileid.u32  }
0xd6: {  	s1 =	rddreg [dreg:$0x1];
	p0 =	sne.s32 s2, $0x0  }
0xd7: {  	s3 =	rddreg [dreg:$0x2];
	[bflag:$0x3] =	sbarrier.arrive $0xFFFF;
	s2 =	simm.s32 @!p0 $0x1C09  }
0xd8: {  	[timem:s3], [sflag:s2] =	dma.local @!p0 [hbm:s0], s1  }
0xd9: {  	s0 =	simm.s32 @!p0 $0x9  }
0xda: {  	_ =	swait.ge @!p0 [sflag:s0], s1  }
0xdb: {  	s1 =	ssub.s32 @!p0 $0x0, s1;
	[sflag:s0] =	ssyncset.done @!p0 $0x0  }
0xdc: {  	[sflag:s0] =	ssyncadd.s32 @!p0 s1  }
0xdd: {  	[bflag:$0x3] =	sbarrier.arrive $0xFFFF  }
0xde: {  	_ =	shalt  }

</sc_bundles>
